<compile_context>
chip_gen: v7x
topology: tpu7x:2x2x1
jax: 0.10.2.dev20260603
libtpu: 0.0.44.dev20260713+nightly
codegen_flags: <defaults>
</compile_context>

<pallas_src>
import functools

import jax
import jax.numpy as jnp
from jax import lax
from jax.experimental import pallas as pl
from jax.experimental.pallas import tpu as pltpu
from jax.experimental.pallas import tpu_sc as plsc

N = 10000
E = 160000
F_IN = 256
F_H = 128
H = 512
NPAD = 10240
CH = 125
NCH1 = E // 16 // CH
NCH2 = E // 32 // CH
RPT = NPAD // 16
A2W = 80
A2C = E // 16 // A2W
EPT = E // 16

_mesh = plsc.VectorSubcoreMesh(core_axis_name="c", subcore_axis_name="s")


def _deg_body(dst_hbm, out0_hbm, out1_hbm, idx_v, ones_v, zb_v, acc_sh):
    c = lax.axis_index("c")
    s = lax.axis_index("s")
    w = c * 16 + s
    for i in range(8):
        ones_v[pl.ds(i * 16, 16)] = jnp.full((16,), 1.0, jnp.float32)
    for i in range(RPT // 16):
        zb_v[pl.ds(i * 16, 16)] = jnp.zeros((16,), jnp.float32)
    pltpu.sync_copy(dst_hbm.at[w], idx_v)
    pltpu.sync_copy(zb_v, acc_sh.at[pl.ds(s * RPT, RPT)])
    plsc.subcore_barrier()

    def body(j, carry):
        pltpu.sync_copy(ones_v.at[pl.ds(0, CH)],
                        acc_sh.at[idx_v.at[j]], add=True)
        return carry

    lax.fori_loop(0, NCH2, body, 0)
    plsc.subcore_barrier()

    @pl.when(c == 0)
    def _():
        pltpu.sync_copy(acc_sh.at[pl.ds(s * RPT, RPT)],
                        out0_hbm.at[pl.ds(s * RPT, RPT)])

    @pl.when(c == 1)
    def _():
        pltpu.sync_copy(acc_sh.at[pl.ds(s * RPT, RPT)],
                        out1_hbm.at[pl.ds(s * RPT, RPT)])


_deg = functools.partial(
    pl.kernel,
    out_type=[jax.ShapeDtypeStruct((NPAD,), jnp.float32),
              jax.ShapeDtypeStruct((NPAD,), jnp.float32)],
    mesh=_mesh,
    scratch_types=[
        pltpu.VMEM((NCH2, CH), jnp.int32),
        pltpu.VMEM((128,), jnp.float32),
        pltpu.VMEM((RPT,), jnp.float32),
        pltpu.VMEM_SHARED((NPAD,), jnp.float32),
    ],
)(_deg_body)


def _prep_body(x_ref, p0_ref, p1_ref, xs_ref, d_ref):
    deg = p0_ref[...] + p1_ref[...] + 1.0
    dd1 = lax.rsqrt(deg)
    d_ref[...] = dd1
    dd = dd1[:, None]
    xb = x_ref[...] * dd
    xs_ref[0] = xb[:, :F_H]
    xs_ref[1] = xb[:, F_H:]


_BP = 2048

_prep = pl.pallas_call(
    _prep_body,
    grid=(NPAD // _BP,),
    in_specs=[
        pl.BlockSpec((_BP, F_IN), lambda m: (m, 0)),
        pl.BlockSpec((_BP,), lambda m: (m,)),
        pl.BlockSpec((_BP,), lambda m: (m,)),
    ],
    out_specs=[
        pl.BlockSpec((2, _BP, F_H), lambda m: (0, m, 0)),
        pl.BlockSpec((_BP,), lambda m: (m,)),
    ],
    out_shape=[
        jax.ShapeDtypeStruct((2, NPAD, F_H), jnp.float32),
        jax.ShapeDtypeStruct((NPAD,), jnp.float32),
    ],
)


_NB = 4


_HB = NCH1 // 2


def _agg1_body(xs2_hbm, srcs_hbm, dst_hbm, out_hbm,
               sidx_v, didx_v, buf_v, acc_sh, g0, g1, s0, s1):
    c = lax.axis_index("c")
    s = lax.axis_index("s")
    pltpu.sync_copy(xs2_hbm.at[pl.ds(c * NPAD + s * RPT, RPT)],
                    acc_sh.at[pl.ds(s * RPT, RPT)])
    plsc.subcore_barrier()

    table = xs2_hbm.at[pl.ds(c * NPAD, NPAD)]
    slot_a = buf_v.at[pl.ds(0, CH)]
    slot_b = buf_v.at[pl.ds(128, CH)]

    def _gather(j, slot, sem):
        pltpu.async_copy(table.at[sidx_v.at[j]], slot, sem)

    def _wait_gather(slot, sem):
        pltpu.make_async_copy(table.at[sidx_v.at[0]], slot, sem).wait()

    def _scatter(j, slot, sem):
        pltpu.async_copy(slot, acc_sh.at[didx_v.at[j]], sem, add=True)

    def _wait_scatter(slot, sem):
        pltpu.make_async_copy(slot, acc_sh.at[didx_v.at[0]], sem).wait()

    for h in range(2):
        pltpu.sync_copy(srcs_hbm.at[s, pl.ds(h * _HB, _HB)], sidx_v)
        pltpu.sync_copy(dst_hbm.at[s, pl.ds(h * _HB, _HB)], didx_v)
        _gather(0, slot_a, g0)
        _gather(1, slot_b, g1)

        def body(t, carry):
            j0 = t * 2
            _wait_gather(slot_a, g0)
            _scatter(j0, slot_a, s0)
            _wait_gather(slot_b, g1)
            _scatter(j0 + 1, slot_b, s1)
            _wait_scatter(slot_a, s0)

            @pl.when(j0 + 2 < _HB)
            def _():
                _gather(j0 + 2, slot_a, g0)

            _wait_scatter(slot_b, s1)

            @pl.when(j0 + 3 < _HB)
            def _():
                _gather(j0 + 3, slot_b, g1)

            return carry

        lax.fori_loop(0, _HB // 2, body, 0)
    plsc.subcore_barrier()
    pltpu.sync_copy(acc_sh.at[pl.ds(s * RPT, RPT)],
                    out_hbm.at[c, pl.ds(s * RPT, RPT)])


_agg1 = functools.partial(
    pl.kernel,
    out_type=jax.ShapeDtypeStruct((2, NPAD, F_H), jnp.float32),
    mesh=_mesh,
    scratch_types=[
        pltpu.VMEM((_HB, CH), jnp.int32),
        pltpu.VMEM((_HB, CH), jnp.int32),
        pltpu.VMEM((256, F_H), jnp.float32),
        pltpu.VMEM_SHARED((NPAD, F_H), jnp.float32),
        pltpu.SemaphoreType.DMA,
        pltpu.SemaphoreType.DMA,
        pltpu.SemaphoreType.DMA,
        pltpu.SemaphoreType.DMA,
    ],
)(_agg1_body)


_BM = 1024


def _mm_body(a_ref, d_ref, w1_ref, b1_ref, w2_ref, zs_ref):
    db = d_ref[...][:, None]
    a = jnp.concatenate(
        [a_ref[0] * db, a_ref[1] * db], axis=1).astype(jnp.bfloat16)
    h = jnp.dot(a, w1_ref[...], preferred_element_type=jnp.float32)
    h = jnp.maximum(h + b1_ref[...], 0.0)
    z = jnp.dot(h.astype(jnp.bfloat16), w2_ref[...],
                preferred_element_type=jnp.float32)
    zs_ref[...] = d_ref[...] * z[:, 0]


_mm = pl.pallas_call(
    _mm_body,
    grid=(NPAD // _BM,),
    in_specs=[
        pl.BlockSpec((2, _BM, F_H), lambda m: (0, m, 0)),
        pl.BlockSpec((_BM,), lambda m: (m,)),
        pl.BlockSpec((F_IN, H), lambda m: (0, 0)),
        pl.BlockSpec((1, H), lambda m: (0, 0)),
        pl.BlockSpec((H, 1), lambda m: (0, 0)),
    ],
    out_specs=pl.BlockSpec((_BM,), lambda m: (m,)),
    out_shape=jax.ShapeDtypeStruct((NPAD,), jnp.float32),
)


_A2E = 10240
_A2NC = _A2E // 128


def _agg2_body(zs_hbm, srcs_hbm, dst_hbm, d_hbm, b2_hbm, out_hbm,
               zsb_v, sidx_v, didx_v, vals_v, db_v, b2_v, accb_v, acc_sh,
               s0, s1):
    c = lax.axis_index("c")
    s = lax.axis_index("s")

    @pl.when(c == 0)
    def _():
        pltpu.sync_copy(zs_hbm, zsb_v)
        pltpu.sync_copy(srcs_hbm.at[pl.ds(s * _A2E, _A2E)], sidx_v)
        pltpu.sync_copy(dst_hbm.at[s], didx_v)
        pltpu.sync_copy(d_hbm.at[pl.ds(s * RPT, RPT)], db_v)
        pltpu.sync_copy(b2_hbm, b2_v)
        pltpu.sync_copy(zs_hbm.at[pl.ds(s * RPT, RPT)],
                        acc_sh.at[pl.ds(s * RPT, RPT)])
        plsc.subcore_barrier()

        def gbody(j, carry):
            vidx = sidx_v[pl.ds(j * 16, 16)]
            vals_v[pl.ds(j * 16, 16)] = plsc.load_gather(zsb_v, [vidx])
            return carry

        lax.fori_loop(0, _A2E // 16, gbody, 0)

        def sbody(t, carry):
            j0 = t * 2
            sa = pltpu.async_copy(vals_v.at[pl.ds(j0 * 128, 128)],
                                  acc_sh.at[didx_v.at[j0]], s0, add=True)
            sb = pltpu.async_copy(vals_v.at[pl.ds(j0 * 128 + 128, 128)],
                                  acc_sh.at[didx_v.at[j0 + 1]], s1, add=True)
            sa.wait()
            sb.wait()
            return carry

        lax.fori_loop(0, _A2NC // 2, sbody, 0)
        plsc.subcore_barrier()
        pltpu.sync_copy(acc_sh.at[pl.ds(s * RPT, RPT)], accb_v)
        b2v = b2_v[pl.ds(0, 16)]
        for k in range(RPT // 16):
            sl = pl.ds(k * 16, 16)
            accb_v[sl] = db_v[sl] * accb_v[sl] + b2v
        pltpu.sync_copy(accb_v, out_hbm.at[pl.ds(s * RPT, RPT)])


_agg2 = functools.partial(
    pl.kernel,
    out_type=jax.ShapeDtypeStruct((NPAD,), jnp.float32),
    mesh=_mesh,
    compiler_params=pltpu.CompilerParams(needs_layout_passes=False),
    scratch_types=[
        pltpu.VMEM((NPAD,), jnp.float32),
        pltpu.VMEM((_A2E,), jnp.int32),
        pltpu.VMEM((_A2NC, 128), jnp.int32),
        pltpu.VMEM((_A2E,), jnp.float32),
        pltpu.VMEM((RPT,), jnp.float32),
        pltpu.VMEM((16,), jnp.float32),
        pltpu.VMEM((RPT,), jnp.float32),
        pltpu.VMEM_SHARED((NPAD,), jnp.float32),
        pltpu.SemaphoreType.DMA,
        pltpu.SemaphoreType.DMA,
    ],
)(_agg2_body)


def kernel(x, edge_index, W1, b1, W2, b2):
    x = x.astype(jnp.float32)
    ei = edge_index.astype(jnp.int32)
    src = ei[0]
    dst = ei[1]
    dst32 = dst.reshape(32, NCH2, CH)
    srcs16 = src.reshape(16, NCH1, CH)
    dst16 = dst.reshape(16, NCH1, CH)
    padn = 16 * _A2E - E
    pidx = jnp.arange(padn, dtype=jnp.int32)
    srcs_a2 = jnp.concatenate([src, (pidx * 97) % N])
    dst_a2 = jnp.concatenate([dst, N + (pidx % (NPAD - N))]).reshape(
        16, _A2NC, 128)

    p0, p1 = _deg(dst32)
    xs, d = _prep(x, p0, p1)
    xs2 = xs.reshape(2 * NPAD, F_H)
    acc = _agg1(xs2, srcs16, dst16)
    zs = _mm(acc, d, W1.astype(jnp.bfloat16), b1.reshape(1, H),
             W2.astype(jnp.bfloat16))
    out = _agg2(zs, srcs_a2, dst_a2, d,
                jnp.broadcast_to(b2.astype(jnp.float32), (16,)))
    return out[:N]

# --- scband reference (transcript-rebuilt; emitter-appended) ---
"""Pipeline reference for scband-gcn-91250875171024 (READ-ONLY COPY).

The authoritative reference and input builder live on the scoring server;
editing this copy changes nothing except your own understanding.
"""

import jax, jax.numpy as jnp
import numpy as np

N_NODES = 10000
N_EDGES = 160000
IN_FEATS = 256
H_FEATS = 512


def gcn_conv(x, edge_index, W, b):
    # Faithful PyG-style GCNConv: add self-loops, symmetric normalization,
    # linear transform, scatter-add aggregation, bias.
    n = x.shape[0]
    src = edge_index[0]
    dst = edge_index[1]
    loop = jnp.arange(n, dtype=src.dtype)
    src = jnp.concatenate([src, loop])
    dst = jnp.concatenate([dst, loop])
    ew = jnp.ones(src.shape[0], dtype=x.dtype)
    deg = jnp.zeros((n,), dtype=x.dtype).at[dst].add(ew)
    deg_inv_sqrt = jnp.where(deg > 0, 1.0 / jnp.sqrt(deg), 0.0)
    norm = deg_inv_sqrt[src] * ew * deg_inv_sqrt[dst]
    xw = x @ W
    msg = xw[src] * norm[:, None]
    out = jnp.zeros((n, W.shape[1]), dtype=x.dtype).at[dst].add(msg)
    return out + b


def setup_inputs(seed: int = 0) -> dict:
    key = jax.random.key(seed)
    k1, k2, k3, k4 = jax.random.split(key, 4)
    x = jax.random.normal(k1, (N_NODES, IN_FEATS), dtype=jnp.float32)
    edge_index = jax.random.randint(k2, (2, N_EDGES), 0, N_NODES)
    # Glorot-initialized weights for conv1 (in->h) and conv2 (h->1)
    W1 = jax.random.normal(k3, (IN_FEATS, H_FEATS), dtype=jnp.float32) * np.sqrt(2.0 / (IN_FEATS + H_FEATS))
    b1 = jnp.zeros((H_FEATS,), dtype=jnp.float32)
    W2 = jax.random.normal(k4, (H_FEATS, 1), dtype=jnp.float32) * np.sqrt(2.0 / (H_FEATS + 1))
    b2 = jnp.zeros((1,), dtype=jnp.float32)
    return {"x": x, "edge_index": edge_index, "W1": W1, "b1": b1, "W2": W2, "b2": b2}


def reference(x, edge_index, W1, b1, W2, b2):
    # forward of GCN (eval mode: dropout is identity)
    h = jax.nn.relu(gcn_conv(x, edge_index, W1, b1))
    out = gcn_conv(h, edge_index, W2, b2).reshape(-1)
    return out

if __name__ == "__main__":
    import jax
    _d = setup_inputs()
    print(jax.jit(kernel)(*tuple(_d.values())))

</pallas_src>

<mosaic_0001>
#map = affine_map<(d0, d1) -> (0, 0)>
#map1 = affine_map<(d0, d1) -> (0, 0, 0)>
module attributes {stable_mosaic.version = 14 : i64} {
  func.func @_agg1_body(%arg0: i32, %arg1: i32, %arg2: memref<20480x128xf32, #tpu.memory_space<hbm>>, %arg3: memref<16x80x125xi32, #tpu.memory_space<hbm>>, %arg4: memref<16x80x125xi32, #tpu.memory_space<hbm>>, %arg5: memref<2x10240x128xf32, #tpu.memory_space<hbm>>, %arg6: memref<40x125xi32, #tpu.memory_space<vmem>>, %arg7: memref<40x125xi32, #tpu.memory_space<vmem>>, %arg8: memref<256x128xf32, #tpu.memory_space<vmem>>, %arg9: memref<10240x128xf32, #tpu.memory_space<vmem_shared>>, %arg10: memref<!tpu.dma_semaphore, #tpu.memory_space<semaphore_mem>>, %arg11: memref<!tpu.dma_semaphore, #tpu.memory_space<semaphore_mem>>, %arg12: memref<!tpu.dma_semaphore, #tpu.memory_space<semaphore_mem>>, %arg13: memref<!tpu.dma_semaphore, #tpu.memory_space<semaphore_mem>>) attributes {dimension_semantics = [#tpu.dimension_semantics<core_parallel>, #tpu.dimension_semantics<subcore_parallel>], iteration_bounds = array<i64: 2, 16>, scalar_prefetch = 0 : i64, scratch_operands = 8 : i64, tpu.core_type = #tpu.core_type<sc_vector_subcore>, window_params = [{transform_indices = #map}, {transform_indices = #map1}, {transform_indices = #map1}, {transform_indices = #map1}]} {
    %mul3A = arith.constant 10240 : i32
    %mul3A_0 = arith.muli %arg0, %mul3A : i32
    %mul3A_1 = arith.constant 640 : i32
    %mul3A_2 = arith.muli %arg1, %mul3A_1 : i32
    %add3A = arith.addi %mul3A_0, %mul3A_2 : i32
    %mul3A_3 = arith.constant 640 : i32
    %mul3A_4 = arith.muli %arg1, %mul3A_3 : i32
    "tpu.region"() ({
      %run_scoped3A = tpu.sem_alloc : memref<!tpu.dma_semaphore, #tpu.memory_space<semaphore_mem>>
      %dma_start3A_70 = arith.constant 0 : i32
      %dma_start3A_71 = tpu.memref_slice %arg9[%mul3A_4, %dma_start3A_70] : memref<10240x128xf32, #tpu.memory_space<vmem_shared>> -> memref<640x128xf32, #tpu.memory_space<vmem_shared>>
      %dma_start3A_72 = arith.constant 0 : i32
      %dma_start3A_73 = tpu.memref_slice %arg2[%add3A, %dma_start3A_72] : memref<20480x128xf32, #tpu.memory_space<hbm>> -> memref<640x128xf32, #tpu.memory_space<hbm>>
      tpu.enqueue_dma source(%dma_start3A_73 : memref<640x128xf32, #tpu.memory_space<hbm>>) target(%dma_start3A_71 : memref<640x128xf32, #tpu.memory_space<vmem_shared>>) target_semaphore(%run_scoped3A : memref<!tpu.dma_semaphore, #tpu.memory_space<semaphore_mem>>)
      %dma_wait3A = arith.constant 0 : i32
      %dma_wait3A_74 = tpu.memref_slice %arg9[%mul3A_4, %dma_wait3A] : memref<10240x128xf32, #tpu.memory_space<vmem_shared>> -> memref<640x128xf32, #tpu.memory_space<vmem_shared>>
      %dma_wait3A_75 = arith.constant 0 : i32
      %dma_wait3A_76 = tpu.memref_slice %arg2[%add3A, %dma_wait3A_75] : memref<20480x128xf32, #tpu.memory_space<hbm>> -> memref<640x128xf32, #tpu.memory_space<hbm>>
      tpu.wait_dma2 semaphore(%run_scoped3A : memref<!tpu.dma_semaphore, #tpu.memory_space<semaphore_mem>>) src(%dma_wait3A_76 : memref<640x128xf32, #tpu.memory_space<hbm>>) dst(%dma_wait3A_74 : memref<640x128xf32, #tpu.memory_space<vmem_shared>>)
      tpu.yield
    }) : () -> ()
    %barrier3A = arith.constant 0 : index
    tpu.barrier barrier_id(%barrier3A)
    %mul3A_5 = arith.constant 10240 : i32
    %mul3A_6 = arith.muli %arg0, %mul3A_5 : i32
    "tpu.region"() ({
      %run_scoped3A = tpu.sem_alloc : memref<!tpu.dma_semaphore, #tpu.memory_space<semaphore_mem>>
      %dma_start3A_70 = arith.constant 0 : i32
      %dma_start3A_71 = arith.constant 0 : i32
      %dma_start3A_72 = tpu.memref_slice %arg3[%arg1, %dma_start3A_70, %dma_start3A_71] : memref<16x80x125xi32, #tpu.memory_space<hbm>> -> memref<1x40x125xi32, #tpu.memory_space<hbm>>
      %dma_start3A_73 = tpu.memref_squeeze %dma_start3A_72 : memref<1x40x125xi32, #tpu.memory_space<hbm>> -> memref<40x125xi32, #tpu.memory_space<hbm>>
      %dma_start3A_74 = arith.constant 0 : i32
      %dma_start3A_75 = arith.constant 0 : i32
      %dma_start3A_76 = tpu.memref_slice %arg3[%arg1, %dma_start3A_74, %dma_start3A_75] : memref<16x80x125xi32, #tpu.memory_space<hbm>> -> memref<1x40x125xi32, #tpu.memory_space<hbm>>
      %dma_start3A_77 = tpu.memref_squeeze %dma_start3A_76 : memref<1x40x125xi32, #tpu.memory_space<hbm>> -> memref<40x125xi32, #tpu.memory_space<hbm>>
      tpu.enqueue_dma source(%dma_start3A_77 : memref<40x125xi32, #tpu.memory_space<hbm>>) target(%arg6 : memref<40x125xi32, #tpu.memory_space<vmem>>) target_semaphore(%run_scoped3A : memref<!tpu.dma_semaphore, #tpu.memory_space<semaphore_mem>>)
      %dma_wait3A = arith.constant 0 : i32
      %dma_wait3A_78 = arith.constant 0 : i32
      %dma_wait3A_79 = tpu.memref_slice %arg3[%arg1, %dma_wait3A, %dma_wait3A_78] : memref<16x80x125xi32, #tpu.memory_space<hbm>> -> memref<1x40x125xi32, #tpu.memory_space<hbm>>
      %dma_wait3A_80 = tpu.memref_squeeze %dma_wait3A_79 : memref<1x40x125xi32, #tpu.memory_space<hbm>> -> memref<40x125xi32, #tpu.memory_space<hbm>>
      %dma_wait3A_81 = arith.constant 0 : i32
      %dma_wait3A_82 = arith.constant 0 : i32
      %dma_wait3A_83 = tpu.memref_slice %arg3[%arg1, %dma_wait3A_81, %dma_wait3A_82] : memref<16x80x125xi32, #tpu.memory_space<hbm>> -> memref<1x40x125xi32, #tpu.memory_space<hbm>>
      %dma_wait3A_84 = tpu.memref_squeeze %dma_wait3A_83 : memref<1x40x125xi32, #tpu.memory_space<hbm>> -> memref<40x125xi32, #tpu.memory_space<hbm>>
      tpu.wait_dma2 semaphore(%run_scoped3A : memref<!tpu.dma_semaphore, #tpu.memory_space<semaphore_mem>>) src(%dma_wait3A_84 : memref<40x125xi32, #tpu.memory_space<hbm>>) dst(%arg6 : memref<40x125xi32, #tpu.memory_space<vmem>>)
      tpu.yield
    }) : () -> ()
    "tpu.region"() ({
      %run_scoped3A = tpu.sem_alloc : memref<!tpu.dma_semaphore, #tpu.memory_space<semaphore_mem>>
      %dma_start3A_70 = arith.constant 0 : i32
      %dma_start3A_71 = arith.constant 0 : i32
      %dma_start3A_72 = tpu.memref_slice %arg4[%arg1, %dma_start3A_70, %dma_start3A_71] : memref<16x80x125xi32, #tpu.memory_space<hbm>> -> memref<1x40x125xi32, #tpu.memory_space<hbm>>
      %dma_start3A_73 = tpu.memref_squeeze %dma_start3A_72 : memref<1x40x125xi32, #tpu.memory_space<hbm>> -> memref<40x125xi32, #tpu.memory_space<hbm>>
      %dma_start3A_74 = arith.constant 0 : i32
      %dma_start3A_75 = arith.constant 0 : i32
      %dma_start3A_76 = tpu.memref_slice %arg4[%arg1, %dma_start3A_74, %dma_start3A_75] : memref<16x80x125xi32, #tpu.memory_space<hbm>> -> memref<1x40x125xi32, #tpu.memory_space<hbm>>
      %dma_start3A_77 = tpu.memref_squeeze %dma_start3A_76 : memref<1x40x125xi32, #tpu.memory_space<hbm>> -> memref<40x125xi32, #tpu.memory_space<hbm>>
      tpu.enqueue_dma source(%dma_start3A_77 : memref<40x125xi32, #tpu.memory_space<hbm>>) target(%arg7 : memref<40x125xi32, #tpu.memory_space<vmem>>) target_semaphore(%run_scoped3A : memref<!tpu.dma_semaphore, #tpu.memory_space<semaphore_mem>>)
      %dma_wait3A = arith.constant 0 : i32
      %dma_wait3A_78 = arith.constant 0 : i32
      %dma_wait3A_79 = tpu.memref_slice %arg4[%arg1, %dma_wait3A, %dma_wait3A_78] : memref<16x80x125xi32, #tpu.memory_space<hbm>> -> memref<1x40x125xi32, #tpu.memory_space<hbm>>
      %dma_wait3A_80 = tpu.memref_squeeze %dma_wait3A_79 : memref<1x40x125xi32, #tpu.memory_space<hbm>> -> memref<40x125xi32, #tpu.memory_space<hbm>>
      %dma_wait3A_81 = arith.constant 0 : i32
      %dma_wait3A_82 = arith.constant 0 : i32
      %dma_wait3A_83 = tpu.memref_slice %arg4[%arg1, %dma_wait3A_81, %dma_wait3A_82] : memref<16x80x125xi32, #tpu.memory_space<hbm>> -> memref<1x40x125xi32, #tpu.memory_space<hbm>>
      %dma_wait3A_84 = tpu.memref_squeeze %dma_wait3A_83 : memref<1x40x125xi32, #tpu.memory_space<hbm>> -> memref<40x125xi32, #tpu.memory_space<hbm>>
      tpu.wait_dma2 semaphore(%run_scoped3A : memref<!tpu.dma_semaphore, #tpu.memory_space<semaphore_mem>>) src(%dma_wait3A_84 : memref<40x125xi32, #tpu.memory_space<hbm>>) dst(%arg7 : memref<40x125xi32, #tpu.memory_space<vmem>>)
      tpu.yield
    }) : () -> ()
    %dma_start3A = arith.constant 0 : i32
    %dma_start3A_7 = arith.constant 0 : i32
    %dma_start3A_8 = arith.constant 0 : i32
    %dma_start3A_9 = tpu.memref_slice %arg8[%dma_start3A_7, %dma_start3A_8] : memref<256x128xf32, #tpu.memory_space<vmem>> -> memref<125x128xf32, #tpu.memory_space<vmem>>
    %dma_start3A_10 = arith.constant 0 : i32
    %dma_start3A_11 = tpu.memref_slice %arg6[%dma_start3A, %dma_start3A_10] : memref<40x125xi32, #tpu.memory_space<vmem>> -> memref<1x125xi32, #tpu.memory_space<vmem>>
    %dma_start3A_12 = tpu.memref_squeeze %dma_start3A_11 : memref<1x125xi32, #tpu.memory_space<vmem>> -> memref<125xi32, #tpu.memory_space<vmem>>
    %dma_start3A_13 = arith.constant 0 : i32
    %dma_start3A_14 = tpu.memref_slice %arg2[%mul3A_6, %dma_start3A_13] : memref<20480x128xf32, #tpu.memory_space<hbm>> -> memref<10240x128xf32, #tpu.memory_space<hbm>>
    %dma_start3A_15 = arith.constant 0 : i32
    %dma_start3A_16 = arith.constant 0 : i32
    %dma_start3A_17 = tpu.memref_slice %dma_start3A_14[%dma_start3A_15, %dma_start3A_16] : memref<10240x128xf32, #tpu.memory_space<hbm>> -> memref<10240x128xf32, #tpu.memory_space<hbm>>
    tpu.enqueue_indirect_dma source(%dma_start3A_17 : memref<10240x128xf32, #tpu.memory_space<hbm>>) target(%dma_start3A_9 : memref<125x128xf32, #tpu.memory_space<vmem>>) offsets(%dma_start3A_12 : memref<125xi32, #tpu.memory_space<vmem>>) semaphore(%arg10 : memref<!tpu.dma_semaphore, #tpu.memory_space<semaphore_mem>>)
    %dma_start3A_18 = arith.constant 1 : i32
    %dma_start3A_19 = arith.constant 128 : i32
    %dma_start3A_20 = arith.constant 0 : i32
    %dma_start3A_21 = tpu.memref_slice %arg8[%dma_start3A_19, %dma_start3A_20] : memref<256x128xf32, #tpu.memory_space<vmem>> -> memref<125x128xf32, #tpu.memory_space<vmem>>
    %dma_start3A_22 = arith.constant 0 : i32
    %dma_start3A_23 = tpu.memref_slice %arg6[%dma_start3A_18, %dma_start3A_22] : memref<40x125xi32, #tpu.memory_space<vmem>> -> memref<1x125xi32, #tpu.memory_space<vmem>>
    %dma_start3A_24 = tpu.memref_squeeze %dma_start3A_23 : memref<1x125xi32, #tpu.memory_space<vmem>> -> memref<125xi32, #tpu.memory_space<vmem>>
    %dma_start3A_25 = arith.constant 0 : i32
    %dma_start3A_26 = tpu.memref_slice %arg2[%mul3A_6, %dma_start3A_25] : memref<20480x128xf32, #tpu.memory_space<hbm>> -> memref<10240x128xf32, #tpu.memory_space<hbm>>
    %dma_start3A_27 = arith.constant 0 : i32
    %dma_start3A_28 = arith.constant 0 : i32
    %dma_start3A_29 = tpu.memref_slice %dma_start3A_26[%dma_start3A_27, %dma_start3A_28] : memref<10240x128xf32, #tpu.memory_space<hbm>> -> memref<10240x128xf32, #tpu.memory_space<hbm>>
    tpu.enqueue_indirect_dma source(%dma_start3A_29 : memref<10240x128xf32, #tpu.memory_space<hbm>>) target(%dma_start3A_21 : memref<125x128xf32, #tpu.memory_space<vmem>>) offsets(%dma_start3A_24 : memref<125xi32, #tpu.memory_space<vmem>>) semaphore(%arg11 : memref<!tpu.dma_semaphore, #tpu.memory_space<semaphore_mem>>)
    %scan3A = arith.constant 0 : i32
    %scan3A_30 = arith.constant 0 : i32
    %scan3A_31 = arith.constant 20 : i32
    %scan3A_32 = arith.addi %scan3A_30, %scan3A_31 : i32
    %scan3A_33 = arith.constant 1 : i32
    scf.for %scan3A_70 = %scan3A_30 to %scan3A_32 step %scan3A_33  : i32 {
      %mul3A_71 = arith.constant 2 : i32
      %mul3A_72 = arith.muli %scan3A_70, %mul3A_71 : i32
      %dma_wait3A = arith.constant 0 : i32
      %dma_wait3A_73 = arith.constant 0 : i32
      %dma_wait3A_74 = arith.constant 0 : i32
      %dma_wait3A_75 = tpu.memref_slice %arg8[%dma_wait3A_73, %dma_wait3A_74] : memref<256x128xf32, #tpu.memory_space<vmem>> -> memref<125x128xf32, #tpu.memory_space<vmem>>
      %dma_wait3A_76 = arith.constant 0 : i32
      %dma_wait3A_77 = tpu.memref_slice %arg6[%dma_wait3A, %dma_wait3A_76] : memref<40x125xi32, #tpu.memory_space<vmem>> -> memref<1x125xi32, #tpu.memory_space<vmem>>
      %dma_wait3A_78 = tpu.memref_squeeze %dma_wait3A_77 : memref<1x125xi32, #tpu.memory_space<vmem>> -> memref<125xi32, #tpu.memory_space<vmem>>
      %dma_wait3A_79 = arith.constant 0 : i32
      %dma_wait3A_80 = tpu.memref_slice %arg2[%mul3A_6, %dma_wait3A_79] : memref<20480x128xf32, #tpu.memory_space<hbm>> -> memref<10240x128xf32, #tpu.memory_space<hbm>>
      %dma_wait3A_81 = arith.constant 0 : i32
      %dma_wait3A_82 = arith.constant 0 : i32
      %dma_wait3A_83 = tpu.memref_slice %dma_wait3A_80[%dma_wait3A_81, %dma_wait3A_82] : memref<10240x128xf32, #tpu.memory_space<hbm>> -> memref<10240x128xf32, #tpu.memory_space<hbm>>
      tpu.wait_indirect_dma semaphore(%arg10 : memref<!tpu.dma_semaphore, #tpu.memory_space<semaphore_mem>>) src(%dma_wait3A_83 : memref<10240x128xf32, #tpu.memory_space<hbm>>) dst(%dma_wait3A_75 : memref<125x128xf32, #tpu.memory_space<vmem>>)
      %dma_start3A_84 = arith.constant 0 : i32
      %dma_start3A_85 = arith.constant 0 : i32
      %dma_start3A_86 = tpu.memref_slice %arg8[%dma_start3A_84, %dma_start3A_85] : memref<256x128xf32, #tpu.memory_space<vmem>> -> memref<125x128xf32, #tpu.memory_space<vmem>>
      %dma_start3A_87 = arith.constant 0 : i32
      %dma_start3A_88 = tpu.memref_slice %arg7[%mul3A_72, %dma_start3A_87] : memref<40x125xi32, #tpu.memory_space<vmem>> -> memref<1x125xi32, #tpu.memory_space<vmem>>
      %dma_start3A_89 = tpu.memref_squeeze %dma_start3A_88 : memref<1x125xi32, #tpu.memory_space<vmem>> -> memref<125xi32, #tpu.memory_space<vmem>>
      %dma_start3A_90 = arith.constant 0 : i32
      %dma_start3A_91 = arith.constant 0 : i32
      %dma_start3A_92 = tpu.memref_slice %arg9[%dma_start3A_90, %dma_start3A_91] : memref<10240x128xf32, #tpu.memory_space<vmem_shared>> -> memref<10240x128xf32, #tpu.memory_space<vmem_shared>>
      tpu.enqueue_indirect_dma source(%dma_start3A_86 : memref<125x128xf32, #tpu.memory_space<vmem>>) target(%dma_start3A_92 : memref<10240x128xf32, #tpu.memory_space<vmem_shared>>) offsets(%dma_start3A_89 : memref<125xi32, #tpu.memory_space<vmem>>) semaphore(%arg12 : memref<!tpu.dma_semaphore, #tpu.memory_space<semaphore_mem>>) {add = true}
      %dma_wait3A_93 = arith.constant 0 : i32
      %dma_wait3A_94 = arith.constant 128 : i32
      %dma_wait3A_95 = arith.constant 0 : i32
      %dma_wait3A_96 = tpu.memref_slice %arg8[%dma_wait3A_94, %dma_wait3A_95] : memref<256x128xf32, #tpu.memory_space<vmem>> -> memref<125x128xf32, #tpu.memory_space<vmem>>
      %dma_wait3A_97 = arith.constant 0 : i32
      %dma_wait3A_98 = tpu.memref_slice %arg6[%dma_wait3A_93, %dma_wait3A_97] : memref<40x125xi32, #tpu.memory_space<vmem>> -> memref<1x125xi32, #tpu.memory_space<vmem>>
      %dma_wait3A_99 = tpu.memref_squeeze %dma_wait3A_98 : memref<1x125xi32, #tpu.memory_space<vmem>> -> memref<125xi32, #tpu.memory_space<vmem>>
      %dma_wait3A_100 = arith.constant 0 : i32
      %dma_wait3A_101 = tpu.memref_slice %arg2[%mul3A_6, %dma_wait3A_100] : memref<20480x128xf32, #tpu.memory_space<hbm>> -> memref<10240x128xf32, #tpu.memory_space<hbm>>
      %dma_wait3A_102 = arith.constant 0 : i32
      %dma_wait3A_103 = arith.constant 0 : i32
      %dma_wait3A_104 = tpu.memref_slice %dma_wait3A_101[%dma_wait3A_102, %dma_wait3A_103] : memref<10240x128xf32, #tpu.memory_space<hbm>> -> memref<10240x128xf32, #tpu.memory_space<hbm>>
      tpu.wait_indirect_dma semaphore(%arg11 : memref<!tpu.dma_semaphore, #tpu.memory_space<semaphore_mem>>) src(%dma_wait3A_104 : memref<10240x128xf32, #tpu.memory_space<hbm>>) dst(%dma_wait3A_96 : memref<125x128xf32, #tpu.memory_space<vmem>>)
      %add3A_105 = arith.constant 1 : i32
      %add3A_106 = arith.addi %mul3A_72, %add3A_105 : i32
      %dma_start3A_107 = arith.constant 128 : i32
      %dma_start3A_108 = arith.constant 0 : i32
      %dma_start3A_109 = tpu.memref_slice %arg8[%dma_start3A_107, %dma_start3A_108] : memref<256x128xf32, #tpu.memory_space<vmem>> -> memref<125x128xf32, #tpu.memory_space<vmem>>
      %dma_start3A_110 = arith.constant 0 : i32
      %dma_start3A_111 = tpu.memref_slice %arg7[%add3A_106, %dma_start3A_110] : memref<40x125xi32, #tpu.memory_space<vmem>> -> memref<1x125xi32, #tpu.memory_space<vmem>>
      %dma_start3A_112 = tpu.memref_squeeze %dma_start3A_111 : memref<1x125xi32, #tpu.memory_space<vmem>> -> memref<125xi32, #tpu.memory_space<vmem>>
      %dma_start3A_113 = arith.constant 0 : i32
      %dma_start3A_114 = arith.constant 0 : i32
      %dma_start3A_115 = tpu.memref_slice %arg9[%dma_start3A_113, %dma_start3A_114] : memref<10240x128xf32, #tpu.memory_space<vmem_shared>> -> memref<10240x128xf32, #tpu.memory_space<vmem_shared>>
      tpu.enqueue_indirect_dma source(%dma_start3A_109 : memref<125x128xf32, #tpu.memory_space<vmem>>) target(%dma_start3A_115 : memref<10240x128xf32, #tpu.memory_space<vmem_shared>>) offsets(%dma_start3A_112 : memref<125xi32, #tpu.memory_space<vmem>>) semaphore(%arg13 : memref<!tpu.dma_semaphore, #tpu.memory_space<semaphore_mem>>) {add = true}
      %dma_wait3A_116 = arith.constant 0 : i32
      %dma_wait3A_117 = arith.constant 0 : i32
      %dma_wait3A_118 = arith.constant 0 : i32
      %dma_wait3A_119 = tpu.memref_slice %arg8[%dma_wait3A_117, %dma_wait3A_118] : memref<256x128xf32, #tpu.memory_space<vmem>> -> memref<125x128xf32, #tpu.memory_space<vmem>>
      %dma_wait3A_120 = arith.constant 0 : i32
      %dma_wait3A_121 = tpu.memref_slice %arg7[%dma_wait3A_116, %dma_wait3A_120] : memref<40x125xi32, #tpu.memory_space<vmem>> -> memref<1x125xi32, #tpu.memory_space<vmem>>
      %dma_wait3A_122 = tpu.memref_squeeze %dma_wait3A_121 : memref<1x125xi32, #tpu.memory_space<vmem>> -> memref<125xi32, #tpu.memory_space<vmem>>
      %dma_wait3A_123 = arith.constant 0 : i32
      %dma_wait3A_124 = arith.constant 0 : i32
      %dma_wait3A_125 = tpu.memref_slice %arg9[%dma_wait3A_123, %dma_wait3A_124] : memref<10240x128xf32, #tpu.memory_space<vmem_shared>> -> memref<10240x128xf32, #tpu.memory_space<vmem_shared>>
      tpu.wait_indirect_dma semaphore(%arg12 : memref<!tpu.dma_semaphore, #tpu.memory_space<semaphore_mem>>) src(%dma_wait3A_119 : memref<125x128xf32, #tpu.memory_space<vmem>>) dst(%dma_wait3A_125 : memref<10240x128xf32, #tpu.memory_space<vmem_shared>>)
      %add3A_126 = arith.constant 2 : i32
      %add3A_127 = arith.addi %mul3A_72, %add3A_126 : i32
      %lt3A = arith.constant 40 : i32
      %lt3A_128 = arith.cmpi slt, %add3A_127, %lt3A : i32
      %convert_element_type3A = arith.extui %lt3A_128 : i1 to i32
      %cond3A = arith.constant 0 : i32
      %cond3A_129 = arith.cmpi ne, %convert_element_type3A, %cond3A : i32
      scf.if %cond3A_129 {
        %add3A_147 = arith.constant 2 : i32
        %add3A_148 = arith.addi %mul3A_72, %add3A_147 : i32
        %dma_start3A_149 = arith.constant 0 : i32
        %dma_start3A_150 = arith.constant 0 : i32
        %dma_start3A_151 = tpu.memref_slice %arg8[%dma_start3A_149, %dma_start3A_150] : memref<256x128xf32, #tpu.memory_space<vmem>> -> memref<125x128xf32, #tpu.memory_space<vmem>>
        %dma_start3A_152 = arith.constant 0 : i32
        %dma_start3A_153 = tpu.memref_slice %arg6[%add3A_148, %dma_start3A_152] : memref<40x125xi32, #tpu.memory_space<vmem>> -> memref<1x125xi32, #tpu.memory_space<vmem>>
        %dma_start3A_154 = tpu.memref_squeeze %dma_start3A_153 : memref<1x125xi32, #tpu.memory_space<vmem>> -> memref<125xi32, #tpu.memory_space<vmem>>
        %dma_start3A_155 = arith.constant 0 : i32
        %dma_start3A_156 = tpu.memref_slice %arg2[%mul3A_6, %dma_start3A_155] : memref<20480x128xf32, #tpu.memory_space<hbm>> -> memref<10240x128xf32, #tpu.memory_space<hbm>>
        %dma_start3A_157 = arith.constant 0 : i32
        %dma_start3A_158 = arith.constant 0 : i32
        %dma_start3A_159 = tpu.memref_slice %dma_start3A_156[%dma_start3A_157, %dma_start3A_158] : memref<10240x128xf32, #tpu.memory_space<hbm>> -> memref<10240x128xf32, #tpu.memory_space<hbm>>
        tpu.enqueue_indirect_dma source(%dma_start3A_159 : memref<10240x128xf32, #tpu.memory_space<hbm>>) target(%dma_start3A_151 : memref<125x128xf32, #tpu.memory_space<vmem>>) offsets(%dma_start3A_154 : memref<125xi32, #tpu.memory_space<vmem>>) semaphore(%arg10 : memref<!tpu.dma_semaphore, #tpu.memory_space<semaphore_mem>>)
      } else {
      }
      %dma_wait3A_130 = arith.constant 0 : i32
      %dma_wait3A_131 = arith.constant 128 : i32
      %dma_wait3A_132 = arith.constant 0 : i32
      %dma_wait3A_133 = tpu.memref_slice %arg8[%dma_wait3A_131, %dma_wait3A_132] : memref<256x128xf32, #tpu.memory_space<vmem>> -> memref<125x128xf32, #tpu.memory_space<vmem>>
      %dma_wait3A_134 = arith.constant 0 : i32
      %dma_wait3A_135 = tpu.memref_slice %arg7[%dma_wait3A_130, %dma_wait3A_134] : memref<40x125xi32, #tpu.memory_space<vmem>> -> memref<1x125xi32, #tpu.memory_space<vmem>>
      %dma_wait3A_136 = tpu.memref_squeeze %dma_wait3A_135 : memref<1x125xi32, #tpu.memory_space<vmem>> -> memref<125xi32, #tpu.memory_space<vmem>>
      %dma_wait3A_137 = arith.constant 0 : i32
      %dma_wait3A_138 = arith.constant 0 : i32
      %dma_wait3A_139 = tpu.memref_slice %arg9[%dma_wait3A_137, %dma_wait3A_138] : memref<10240x128xf32, #tpu.memory_space<vmem_shared>> -> memref<10240x128xf32, #tpu.memory_space<vmem_shared>>
      tpu.wait_indirect_dma semaphore(%arg13 : memref<!tpu.dma_semaphore, #tpu.memory_space<semaphore_mem>>) src(%dma_wait3A_133 : memref<125x128xf32, #tpu.memory_space<vmem>>) dst(%dma_wait3A_139 : memref<10240x128xf32, #tpu.memory_space<vmem_shared>>)
      %add3A_140 = arith.constant 3 : i32
      %add3A_141 = arith.addi %mul3A_72, %add3A_140 : i32
      %lt3A_142 = arith.constant 40 : i32
      %lt3A_143 = arith.cmpi slt, %add3A_141, %lt3A_142 : i32
      %convert_element_type3A_144 = arith.extui %lt3A_143 : i1 to i32
      %cond3A_145 = arith.constant 0 : i32
      %cond3A_146 = arith.cmpi ne, %convert_element_type3A_144, %cond3A_145 : i32
      scf.if %cond3A_146 {
        %add3A_147 = arith.constant 3 : i32
        %add3A_148 = arith.addi %mul3A_72, %add3A_147 : i32
        %dma_start3A_149 = arith.constant 128 : i32
        %dma_start3A_150 = arith.constant 0 : i32
        %dma_start3A_151 = tpu.memref_slice %arg8[%dma_start3A_149, %dma_start3A_150] : memref<256x128xf32, #tpu.memory_space<vmem>> -> memref<125x128xf32, #tpu.memory_space<vmem>>
        %dma_start3A_152 = arith.constant 0 : i32
        %dma_start3A_153 = tpu.memref_slice %arg6[%add3A_148, %dma_start3A_152] : memref<40x125xi32, #tpu.memory_space<vmem>> -> memref<1x125xi32, #tpu.memory_space<vmem>>
        %dma_start3A_154 = tpu.memref_squeeze %dma_start3A_153 : memref<1x125xi32, #tpu.memory_space<vmem>> -> memref<125xi32, #tpu.memory_space<vmem>>
        %dma_start3A_155 = arith.constant 0 : i32
        %dma_start3A_156 = tpu.memref_slice %arg2[%mul3A_6, %dma_start3A_155] : memref<20480x128xf32, #tpu.memory_space<hbm>> -> memref<10240x128xf32, #tpu.memory_space<hbm>>
        %dma_start3A_157 = arith.constant 0 : i32
        %dma_start3A_158 = arith.constant 0 : i32
        %dma_start3A_159 = tpu.memref_slice %dma_start3A_156[%dma_start3A_157, %dma_start3A_158] : memref<10240x128xf32, #tpu.memory_space<hbm>> -> memref<10240x128xf32, #tpu.memory_space<hbm>>
        tpu.enqueue_indirect_dma source(%dma_start3A_159 : memref<10240x128xf32, #tpu.memory_space<hbm>>) target(%dma_start3A_151 : memref<125x128xf32, #tpu.memory_space<vmem>>) offsets(%dma_start3A_154 : memref<125xi32, #tpu.memory_space<vmem>>) semaphore(%arg11 : memref<!tpu.dma_semaphore, #tpu.memory_space<semaphore_mem>>)
      } else {
      }
    }
    %scan3A_34 = arith.constant 20 : i32
    "tpu.region"() ({
      %run_scoped3A = tpu.sem_alloc : memref<!tpu.dma_semaphore, #tpu.memory_space<semaphore_mem>>
      %dma_start3A_70 = arith.constant 40 : i32
      %dma_start3A_71 = arith.constant 0 : i32
      %dma_start3A_72 = tpu.memref_slice %arg3[%arg1, %dma_start3A_70, %dma_start3A_71] : memref<16x80x125xi32, #tpu.memory_space<hbm>> -> memref<1x40x125xi32, #tpu.memory_space<hbm>>
      %dma_start3A_73 = tpu.memref_squeeze %dma_start3A_72 : memref<1x40x125xi32, #tpu.memory_space<hbm>> -> memref<40x125xi32, #tpu.memory_space<hbm>>
      %dma_start3A_74 = arith.constant 40 : i32
      %dma_start3A_75 = arith.constant 0 : i32
      %dma_start3A_76 = tpu.memref_slice %arg3[%arg1, %dma_start3A_74, %dma_start3A_75] : memref<16x80x125xi32, #tpu.memory_space<hbm>> -> memref<1x40x125xi32, #tpu.memory_space<hbm>>
      %dma_start3A_77 = tpu.memref_squeeze %dma_start3A_76 : memref<1x40x125xi32, #tpu.memory_space<hbm>> -> memref<40x125xi32, #tpu.memory_space<hbm>>
      tpu.enqueue_dma source(%dma_start3A_77 : memref<40x125xi32, #tpu.memory_space<hbm>>) target(%arg6 : memref<40x125xi32, #tpu.memory_space<vmem>>) target_semaphore(%run_scoped3A : memref<!tpu.dma_semaphore, #tpu.memory_space<semaphore_mem>>)
      %dma_wait3A = arith.constant 40 : i32
      %dma_wait3A_78 = arith.constant 0 : i32
      %dma_wait3A_79 = tpu.memref_slice %arg3[%arg1, %dma_wait3A, %dma_wait3A_78] : memref<16x80x125xi32, #tpu.memory_space<hbm>> -> memref<1x40x125xi32, #tpu.memory_space<hbm>>
      %dma_wait3A_80 = tpu.memref_squeeze %dma_wait3A_79 : memref<1x40x125xi32, #tpu.memory_space<hbm>> -> memref<40x125xi32, #tpu.memory_space<hbm>>
      %dma_wait3A_81 = arith.constant 40 : i32
      %dma_wait3A_82 = arith.constant 0 : i32
      %dma_wait3A_83 = tpu.memref_slice %arg3[%arg1, %dma_wait3A_81, %dma_wait3A_82] : memref<16x80x125xi32, #tpu.memory_space<hbm>> -> memref<1x40x125xi32, #tpu.memory_space<hbm>>
      %dma_wait3A_84 = tpu.memref_squeeze %dma_wait3A_83 : memref<1x40x125xi32, #tpu.memory_space<hbm>> -> memref<40x125xi32, #tpu.memory_space<hbm>>
      tpu.wait_dma2 semaphore(%run_scoped3A : memref<!tpu.dma_semaphore, #tpu.memory_space<semaphore_mem>>) src(%dma_wait3A_84 : memref<40x125xi32, #tpu.memory_space<hbm>>) dst(%arg6 : memref<40x125xi32, #tpu.memory_space<vmem>>)
      tpu.yield
    }) : () -> ()
    "tpu.region"() ({
      %run_scoped3A = tpu.sem_alloc : memref<!tpu.dma_semaphore, #tpu.memory_space<semaphore_mem>>
      %dma_start3A_70 = arith.constant 40 : i32
      %dma_start3A_71 = arith.constant 0 : i32
      %dma_start3A_72 = tpu.memref_slice %arg4[%arg1, %dma_start3A_70, %dma_start3A_71] : memref<16x80x125xi32, #tpu.memory_space<hbm>> -> memref<1x40x125xi32, #tpu.memory_space<hbm>>
      %dma_start3A_73 = tpu.memref_squeeze %dma_start3A_72 : memref<1x40x125xi32, #tpu.memory_space<hbm>> -> memref<40x125xi32, #tpu.memory_space<hbm>>
      %dma_start3A_74 = arith.constant 40 : i32
      %dma_start3A_75 = arith.constant 0 : i32
      %dma_start3A_76 = tpu.memref_slice %arg4[%arg1, %dma_start3A_74, %dma_start3A_75] : memref<16x80x125xi32, #tpu.memory_space<hbm>> -> memref<1x40x125xi32, #tpu.memory_space<hbm>>
      %dma_start3A_77 = tpu.memref_squeeze %dma_start3A_76 : memref<1x40x125xi32, #tpu.memory_space<hbm>> -> memref<40x125xi32, #tpu.memory_space<hbm>>
      tpu.enqueue_dma source(%dma_start3A_77 : memref<40x125xi32, #tpu.memory_space<hbm>>) target(%arg7 : memref<40x125xi32, #tpu.memory_space<vmem>>) target_semaphore(%run_scoped3A : memref<!tpu.dma_semaphore, #tpu.memory_space<semaphore_mem>>)
      %dma_wait3A = arith.constant 40 : i32
      %dma_wait3A_78 = arith.constant 0 : i32
      %dma_wait3A_79 = tpu.memref_slice %arg4[%arg1, %dma_wait3A, %dma_wait3A_78] : memref<16x80x125xi32, #tpu.memory_space<hbm>> -> memref<1x40x125xi32, #tpu.memory_space<hbm>>
      %dma_wait3A_80 = tpu.memref_squeeze %dma_wait3A_79 : memref<1x40x125xi32, #tpu.memory_space<hbm>> -> memref<40x125xi32, #tpu.memory_space<hbm>>
      %dma_wait3A_81 = arith.constant 40 : i32
      %dma_wait3A_82 = arith.constant 0 : i32
      %dma_wait3A_83 = tpu.memref_slice %arg4[%arg1, %dma_wait3A_81, %dma_wait3A_82] : memref<16x80x125xi32, #tpu.memory_space<hbm>> -> memref<1x40x125xi32, #tpu.memory_space<hbm>>
      %dma_wait3A_84 = tpu.memref_squeeze %dma_wait3A_83 : memref<1x40x125xi32, #tpu.memory_space<hbm>> -> memref<40x125xi32, #tpu.memory_space<hbm>>
      tpu.wait_dma2 semaphore(%run_scoped3A : memref<!tpu.dma_semaphore, #tpu.memory_space<semaphore_mem>>) src(%dma_wait3A_84 : memref<40x125xi32, #tpu.memory_space<hbm>>) dst(%arg7 : memref<40x125xi32, #tpu.memory_space<vmem>>)
      tpu.yield
    }) : () -> ()
    %dma_start3A_35 = arith.constant 0 : i32
    %dma_start3A_36 = arith.constant 0 : i32
    %dma_start3A_37 = arith.constant 0 : i32
    %dma_start3A_38 = tpu.memref_slice %arg8[%dma_start3A_36, %dma_start3A_37] : memref<256x128xf32, #tpu.memory_space<vmem>> -> memref<125x128xf32, #tpu.memory_space<vmem>>
    %dma_start3A_39 = arith.constant 0 : i32
    %dma_start3A_40 = tpu.memref_slice %arg6[%dma_start3A_35, %dma_start3A_39] : memref<40x125xi32, #tpu.memory_space<vmem>> -> memref<1x125xi32, #tpu.memory_space<vmem>>
    %dma_start3A_41 = tpu.memref_squeeze %dma_start3A_40 : memref<1x125xi32, #tpu.memory_space<vmem>> -> memref<125xi32, #tpu.memory_space<vmem>>
    %dma_start3A_42 = arith.constant 0 : i32
    %dma_start3A_43 = tpu.memref_slice %arg2[%mul3A_6, %dma_start3A_42] : memref<20480x128xf32, #tpu.memory_space<hbm>> -> memref<10240x128xf32, #tpu.memory_space<hbm>>
    %dma_start3A_44 = arith.constant 0 : i32
    %dma_start3A_45 = arith.constant 0 : i32
    %dma_start3A_46 = tpu.memref_slice %dma_start3A_43[%dma_start3A_44, %dma_start3A_45] : memref<10240x128xf32, #tpu.memory_space<hbm>> -> memref<10240x128xf32, #tpu.memory_space<hbm>>
    tpu.enqueue_indirect_dma source(%dma_start3A_46 : memref<10240x128xf32, #tpu.memory_space<hbm>>) target(%dma_start3A_38 : memref<125x128xf32, #tpu.memory_space<vmem>>) offsets(%dma_start3A_41 : memref<125xi32, #tpu.memory_space<vmem>>) semaphore(%arg10 : memref<!tpu.dma_semaphore, #tpu.memory_space<semaphore_mem>>)
    %dma_start3A_47 = arith.constant 1 : i32
    %dma_start3A_48 = arith.constant 128 : i32
    %dma_start3A_49 = arith.constant 0 : i32
    %dma_start3A_50 = tpu.memref_slice %arg8[%dma_start3A_48, %dma_start3A_49] : memref<256x128xf32, #tpu.memory_space<vmem>> -> memref<125x128xf32, #tpu.memory_space<vmem>>
    %dma_start3A_51 = arith.constant 0 : i32
    %dma_start3A_52 = tpu.memref_slice %arg6[%dma_start3A_47, %dma_start3A_51] : memref<40x125xi32, #tpu.memory_space<vmem>> -> memref<1x125xi32, #tpu.memory_space<vmem>>
    %dma_start3A_53 = tpu.memref_squeeze %dma_start3A_52 : memref<1x125xi32, #tpu.memory_space<vmem>> -> memref<125xi32, #tpu.memory_space<vmem>>
    %dma_start3A_54 = arith.constant 0 : i32
    %dma_start3A_55 = tpu.memref_slice %arg2[%mul3A_6, %dma_start3A_54] : memref<20480x128xf32, #tpu.memory_space<hbm>> -> memref<10240x128xf32, #tpu.memory_space<hbm>>
    %dma_start3A_56 = arith.constant 0 : i32
    %dma_start3A_57 = arith.constant 0 : i32
    %dma_start3A_58 = tpu.memref_slice %dma_start3A_55[%dma_start3A_56, %dma_start3A_57] : memref<10240x128xf32, #tpu.memory_space<hbm>> -> memref<10240x128xf32, #tpu.memory_space<hbm>>
    tpu.enqueue_indirect_dma source(%dma_start3A_58 : memref<10240x128xf32, #tpu.memory_space<hbm>>) target(%dma_start3A_50 : memref<125x128xf32, #tpu.memory_space<vmem>>) offsets(%dma_start3A_53 : memref<125xi32, #tpu.memory_space<vmem>>) semaphore(%arg11 : memref<!tpu.dma_semaphore, #tpu.memory_space<semaphore_mem>>)
    %scan3A_59 = arith.constant 0 : i32
    %scan3A_60 = arith.constant 0 : i32
    %scan3A_61 = arith.constant 20 : i32
    %scan3A_62 = arith.addi %scan3A_60, %scan3A_61 : i32
    %scan3A_63 = arith.constant 1 : i32
    scf.for %scan3A_70 = %scan3A_60 to %scan3A_62 step %scan3A_63  : i32 {
      %mul3A_71 = arith.constant 2 : i32
      %mul3A_72 = arith.muli %scan3A_70, %mul3A_71 : i32
      %dma_wait3A = arith.constant 0 : i32
      %dma_wait3A_73 = arith.constant 0 : i32
      %dma_wait3A_74 = arith.constant 0 : i32
      %dma_wait3A_75 = tpu.memref_slice %arg8[%dma_wait3A_73, %dma_wait3A_74] : memref<256x128xf32, #tpu.memory_space<vmem>> -> memref<125x128xf32, #tpu.memory_space<vmem>>
      %dma_wait3A_76 = arith.constant 0 : i32
      %dma_wait3A_77 = tpu.memref_slice %arg6[%dma_wait3A, %dma_wait3A_76] : memref<40x125xi32, #tpu.memory_space<vmem>> -> memref<1x125xi32, #tpu.memory_space<vmem>>
      %dma_wait3A_78 = tpu.memref_squeeze %dma_wait3A_77 : memref<1x125xi32, #tpu.memory_space<vmem>> -> memref<125xi32, #tpu.memory_space<vmem>>
      %dma_wait3A_79 = arith.constant 0 : i32
      %dma_wait3A_80 = tpu.memref_slice %arg2[%mul3A_6, %dma_wait3A_79] : memref<20480x128xf32, #tpu.memory_space<hbm>> -> memref<10240x128xf32, #tpu.memory_space<hbm>>
      %dma_wait3A_81 = arith.constant 0 : i32
      %dma_wait3A_82 = arith.constant 0 : i32
      %dma_wait3A_83 = tpu.memref_slice %dma_wait3A_80[%dma_wait3A_81, %dma_wait3A_82] : memref<10240x128xf32, #tpu.memory_space<hbm>> -> memref<10240x128xf32, #tpu.memory_space<hbm>>
      tpu.wait_indirect_dma semaphore(%arg10 : memref<!tpu.dma_semaphore, #tpu.memory_space<semaphore_mem>>) src(%dma_wait3A_83 : memref<10240x128xf32, #tpu.memory_space<hbm>>) dst(%dma_wait3A_75 : memref<125x128xf32, #tpu.memory_space<vmem>>)
      %dma_start3A_84 = arith.constant 0 : i32
      %dma_start3A_85 = arith.constant 0 : i32
      %dma_start3A_86 = tpu.memref_slice %arg8[%dma_start3A_84, %dma_start3A_85] : memref<256x128xf32, #tpu.memory_space<vmem>> -> memref<125x128xf32, #tpu.memory_space<vmem>>
      %dma_start3A_87 = arith.constant 0 : i32
      %dma_start3A_88 = tpu.memref_slice %arg7[%mul3A_72, %dma_start3A_87] : memref<40x125xi32, #tpu.memory_space<vmem>> -> memref<1x125xi32, #tpu.memory_space<vmem>>
      %dma_start3A_89 = tpu.memref_squeeze %dma_start3A_88 : memref<1x125xi32, #tpu.memory_space<vmem>> -> memref<125xi32, #tpu.memory_space<vmem>>
      %dma_start3A_90 = arith.constant 0 : i32
      %dma_start3A_91 = arith.constant 0 : i32
      %dma_start3A_92 = tpu.memref_slice %arg9[%dma_start3A_90, %dma_start3A_91] : memref<10240x128xf32, #tpu.memory_space<vmem_shared>> -> memref<10240x128xf32, #tpu.memory_space<vmem_shared>>
      tpu.enqueue_indirect_dma source(%dma_start3A_86 : memref<125x128xf32, #tpu.memory_space<vmem>>) target(%dma_start3A_92 : memref<10240x128xf32, #tpu.memory_space<vmem_shared>>) offsets(%dma_start3A_89 : memref<125xi32, #tpu.memory_space<vmem>>) semaphore(%arg12 : memref<!tpu.dma_semaphore, #tpu.memory_space<semaphore_mem>>) {add = true}
      %dma_wait3A_93 = arith.constant 0 : i32
      %dma_wait3A_94 = arith.constant 128 : i32
      %dma_wait3A_95 = arith.constant 0 : i32
      %dma_wait3A_96 = tpu.memref_slice %arg8[%dma_wait3A_94, %dma_wait3A_95] : memref<256x128xf32, #tpu.memory_space<vmem>> -> memref<125x128xf32, #tpu.memory_space<vmem>>
      %dma_wait3A_97 = arith.constant 0 : i32
      %dma_wait3A_98 = tpu.memref_slice %arg6[%dma_wait3A_93, %dma_wait3A_97] : memref<40x125xi32, #tpu.memory_space<vmem>> -> memref<1x125xi32, #tpu.memory_space<vmem>>
      %dma_wait3A_99 = tpu.memref_squeeze %dma_wait3A_98 : memref<1x125xi32, #tpu.memory_space<vmem>> -> memref<125xi32, #tpu.memory_space<vmem>>
      %dma_wait3A_100 = arith.constant 0 : i32
      %dma_wait3A_101 = tpu.memref_slice %arg2[%mul3A_6, %dma_wait3A_100] : memref<20480x128xf32, #tpu.memory_space<hbm>> -> memref<10240x128xf32, #tpu.memory_space<hbm>>
      %dma_wait3A_102 = arith.constant 0 : i32
      %dma_wait3A_103 = arith.constant 0 : i32
      %dma_wait3A_104 = tpu.memref_slice %dma_wait3A_101[%dma_wait3A_102, %dma_wait3A_103] : memref<10240x128xf32, #tpu.memory_space<hbm>> -> memref<10240x128xf32, #tpu.memory_space<hbm>>
      tpu.wait_indirect_dma semaphore(%arg11 : memref<!tpu.dma_semaphore, #tpu.memory_space<semaphore_mem>>) src(%dma_wait3A_104 : memref<10240x128xf32, #tpu.memory_space<hbm>>) dst(%dma_wait3A_96 : memref<125x128xf32, #tpu.memory_space<vmem>>)
      %add3A_105 = arith.constant 1 : i32
      %add3A_106 = arith.addi %mul3A_72, %add3A_105 : i32
      %dma_start3A_107 = arith.constant 128 : i32
      %dma_start3A_108 = arith.constant 0 : i32
      %dma_start3A_109 = tpu.memref_slice %arg8[%dma_start3A_107, %dma_start3A_108] : memref<256x128xf32, #tpu.memory_space<vmem>> -> memref<125x128xf32, #tpu.memory_space<vmem>>
      %dma_start3A_110 = arith.constant 0 : i32
      %dma_start3A_111 = tpu.memref_slice %arg7[%add3A_106, %dma_start3A_110] : memref<40x125xi32, #tpu.memory_space<vmem>> -> memref<1x125xi32, #tpu.memory_space<vmem>>
      %dma_start3A_112 = tpu.memref_squeeze %dma_start3A_111 : memref<1x125xi32, #tpu.memory_space<vmem>> -> memref<125xi32, #tpu.memory_space<vmem>>
      %dma_start3A_113 = arith.constant 0 : i32
      %dma_start3A_114 = arith.constant 0 : i32
      %dma_start3A_115 = tpu.memref_slice %arg9[%dma_start3A_113, %dma_start3A_114] : memref<10240x128xf32, #tpu.memory_space<vmem_shared>> -> memref<10240x128xf32, #tpu.memory_space<vmem_shared>>
      tpu.enqueue_indirect_dma source(%dma_start3A_109 : memref<125x128xf32, #tpu.memory_space<vmem>>) target(%dma_start3A_115 : memref<10240x128xf32, #tpu.memory_space<vmem_shared>>) offsets(%dma_start3A_112 : memref<125xi32, #tpu.memory_space<vmem>>) semaphore(%arg13 : memref<!tpu.dma_semaphore, #tpu.memory_space<semaphore_mem>>) {add = true}
      %dma_wait3A_116 = arith.constant 0 : i32
      %dma_wait3A_117 = arith.constant 0 : i32
      %dma_wait3A_118 = arith.constant 0 : i32
      %dma_wait3A_119 = tpu.memref_slice %arg8[%dma_wait3A_117, %dma_wait3A_118] : memref<256x128xf32, #tpu.memory_space<vmem>> -> memref<125x128xf32, #tpu.memory_space<vmem>>
      %dma_wait3A_120 = arith.constant 0 : i32
      %dma_wait3A_121 = tpu.memref_slice %arg7[%dma_wait3A_116, %dma_wait3A_120] : memref<40x125xi32, #tpu.memory_space<vmem>> -> memref<1x125xi32, #tpu.memory_space<vmem>>
      %dma_wait3A_122 = tpu.memref_squeeze %dma_wait3A_121 : memref<1x125xi32, #tpu.memory_space<vmem>> -> memref<125xi32, #tpu.memory_space<vmem>>
      %dma_wait3A_123 = arith.constant 0 : i32
      %dma_wait3A_124 = arith.constant 0 : i32
      %dma_wait3A_125 = tpu.memref_slice %arg9[%dma_wait3A_123, %dma_wait3A_124] : memref<10240x128xf32, #tpu.memory_space<vmem_shared>> -> memref<10240x128xf32, #tpu.memory_space<vmem_shared>>
      tpu.wait_indirect_dma semaphore(%arg12 : memref<!tpu.dma_semaphore, #tpu.memory_space<semaphore_mem>>) src(%dma_wait3A_119 : memref<125x128xf32, #tpu.memory_space<vmem>>) dst(%dma_wait3A_125 : memref<10240x128xf32, #tpu.memory_space<vmem_shared>>)
      %add3A_126 = arith.constant 2 : i32
      %add3A_127 = arith.addi %mul3A_72, %add3A_126 : i32
      %lt3A = arith.constant 40 : i32
      %lt3A_128 = arith.cmpi slt, %add3A_127, %lt3A : i32
      %convert_element_type3A = arith.extui %lt3A_128 : i1 to i32
      %cond3A = arith.constant 0 : i32
      %cond3A_129 = arith.cmpi ne, %convert_element_type3A, %cond3A : i32
      scf.if %cond3A_129 {
        %add3A_147 = arith.constant 2 : i32
        %add3A_148 = arith.addi %mul3A_72, %add3A_147 : i32
        %dma_start3A_149 = arith.constant 0 : i32
        %dma_start3A_150 = arith.constant 0 : i32
        %dma_start3A_151 = tpu.memref_slice %arg8[%dma_start3A_149, %dma_start3A_150] : memref<256x128xf32, #tpu.memory_space<vmem>> -> memref<125x128xf32, #tpu.memory_space<vmem>>
        %dma_start3A_152 = arith.constant 0 : i32
        %dma_start3A_153 = tpu.memref_slice %arg6[%add3A_148, %dma_start3A_152] : memref<40x125xi32, #tpu.memory_space<vmem>> -> memref<1x125xi32, #tpu.memory_space<vmem>>
        %dma_start3A_154 = tpu.memref_squeeze %dma_start3A_153 : memref<1x125xi32, #tpu.memory_space<vmem>> -> memref<125xi32, #tpu.memory_space<vmem>>
        %dma_start3A_155 = arith.constant 0 : i32
        %dma_start3A_156 = tpu.memref_slice %arg2[%mul3A_6, %dma_start3A_155] : memref<20480x128xf32, #tpu.memory_space<hbm>> -> memref<10240x128xf32, #tpu.memory_space<hbm>>
        %dma_start3A_157 = arith.constant 0 : i32
        %dma_start3A_158 = arith.constant 0 : i32
        %dma_start3A_159 = tpu.memref_slice %dma_start3A_156[%dma_start3A_157, %dma_start3A_158] : memref<10240x128xf32, #tpu.memory_space<hbm>> -> memref<10240x128xf32, #tpu.memory_space<hbm>>
        tpu.enqueue_indirect_dma source(%dma_start3A_159 : memref<10240x128xf32, #tpu.memory_space<hbm>>) target(%dma_start3A_151 : memref<125x128xf32, #tpu.memory_space<vmem>>) offsets(%dma_start3A_154 : memref<125xi32, #tpu.memory_space<vmem>>) semaphore(%arg10 : memref<!tpu.dma_semaphore, #tpu.memory_space<semaphore_mem>>)
      } else {
      }
      %dma_wait3A_130 = arith.constant 0 : i32
      %dma_wait3A_131 = arith.constant 128 : i32
      %dma_wait3A_132 = arith.constant 0 : i32
      %dma_wait3A_133 = tpu.memref_slice %arg8[%dma_wait3A_131, %dma_wait3A_132] : memref<256x128xf32, #tpu.memory_space<vmem>> -> memref<125x128xf32, #tpu.memory_space<vmem>>
      %dma_wait3A_134 = arith.constant 0 : i32
      %dma_wait3A_135 = tpu.memref_slice %arg7[%dma_wait3A_130, %dma_wait3A_134] : memref<40x125xi32, #tpu.memory_space<vmem>> -> memref<1x125xi32, #tpu.memory_space<vmem>>
      %dma_wait3A_136 = tpu.memref_squeeze %dma_wait3A_135 : memref<1x125xi32, #tpu.memory_space<vmem>> -> memref<125xi32, #tpu.memory_space<vmem>>
      %dma_wait3A_137 = arith.constant 0 : i32
      %dma_wait3A_138 = arith.constant 0 : i32
      %dma_wait3A_139 = tpu.memref_slice %arg9[%dma_wait3A_137, %dma_wait3A_138] : memref<10240x128xf32, #tpu.memory_space<vmem_shared>> -> memref<10240x128xf32, #tpu.memory_space<vmem_shared>>
      tpu.wait_indirect_dma semaphore(%arg13 : memref<!tpu.dma_semaphore, #tpu.memory_space<semaphore_mem>>) src(%dma_wait3A_133 : memref<125x128xf32, #tpu.memory_space<vmem>>) dst(%dma_wait3A_139 : memref<10240x128xf32, #tpu.memory_space<vmem_shared>>)
      %add3A_140 = arith.constant 3 : i32
      %add3A_141 = arith.addi %mul3A_72, %add3A_140 : i32
      %lt3A_142 = arith.constant 40 : i32
      %lt3A_143 = arith.cmpi slt, %add3A_141, %lt3A_142 : i32
      %convert_element_type3A_144 = arith.extui %lt3A_143 : i1 to i32
      %cond3A_145 = arith.constant 0 : i32
      %cond3A_146 = arith.cmpi ne, %convert_element_type3A_144, %cond3A_145 : i32
      scf.if %cond3A_146 {
        %add3A_147 = arith.constant 3 : i32
        %add3A_148 = arith.addi %mul3A_72, %add3A_147 : i32
        %dma_start3A_149 = arith.constant 128 : i32
        %dma_start3A_150 = arith.constant 0 : i32
        %dma_start3A_151 = tpu.memref_slice %arg8[%dma_start3A_149, %dma_start3A_150] : memref<256x128xf32, #tpu.memory_space<vmem>> -> memref<125x128xf32, #tpu.memory_space<vmem>>
        %dma_start3A_152 = arith.constant 0 : i32
        %dma_start3A_153 = tpu.memref_slice %arg6[%add3A_148, %dma_start3A_152] : memref<40x125xi32, #tpu.memory_space<vmem>> -> memref<1x125xi32, #tpu.memory_space<vmem>>
        %dma_start3A_154 = tpu.memref_squeeze %dma_start3A_153 : memref<1x125xi32, #tpu.memory_space<vmem>> -> memref<125xi32, #tpu.memory_space<vmem>>
        %dma_start3A_155 = arith.constant 0 : i32
        %dma_start3A_156 = tpu.memref_slice %arg2[%mul3A_6, %dma_start3A_155] : memref<20480x128xf32, #tpu.memory_space<hbm>> -> memref<10240x128xf32, #tpu.memory_space<hbm>>
        %dma_start3A_157 = arith.constant 0 : i32
        %dma_start3A_158 = arith.constant 0 : i32
        %dma_start3A_159 = tpu.memref_slice %dma_start3A_156[%dma_start3A_157, %dma_start3A_158] : memref<10240x128xf32, #tpu.memory_space<hbm>> -> memref<10240x128xf32, #tpu.memory_space<hbm>>
        tpu.enqueue_indirect_dma source(%dma_start3A_159 : memref<10240x128xf32, #tpu.memory_space<hbm>>) target(%dma_start3A_151 : memref<125x128xf32, #tpu.memory_space<vmem>>) offsets(%dma_start3A_154 : memref<125xi32, #tpu.memory_space<vmem>>) semaphore(%arg11 : memref<!tpu.dma_semaphore, #tpu.memory_space<semaphore_mem>>)
      } else {
      }
    }
    %scan3A_64 = arith.constant 20 : i32
    %barrier3A_65 = arith.constant 0 : index
    tpu.barrier barrier_id(%barrier3A_65)
    %mul3A_66 = arith.constant 640 : i32
    %mul3A_67 = arith.muli %arg1, %mul3A_66 : i32
    %mul3A_68 = arith.constant 640 : i32
    %mul3A_69 = arith.muli %arg1, %mul3A_68 : i32
    "tpu.region"() ({
      %run_scoped3A = tpu.sem_alloc : memref<!tpu.dma_semaphore, #tpu.memory_space<semaphore_mem>>
      %dma_start3A_70 = arith.constant 0 : i32
      %dma_start3A_71 = tpu.memref_slice %arg5[%arg0, %mul3A_69, %dma_start3A_70] : memref<2x10240x128xf32, #tpu.memory_space<hbm>> -> memref<1x640x128xf32, #tpu.memory_space<hbm>>
      %dma_start3A_72 = tpu.memref_squeeze %dma_start3A_71 : memref<1x640x128xf32, #tpu.memory_space<hbm>> -> memref<640x128xf32, #tpu.memory_space<hbm>>
      %dma_start3A_73 = arith.constant 0 : i32
      %dma_start3A_74 = tpu.memref_slice %arg9[%mul3A_67, %dma_start3A_73] : memref<10240x128xf32, #tpu.memory_space<vmem_shared>> -> memref<640x128xf32, #tpu.memory_space<vmem_shared>>
      tpu.enqueue_dma source(%dma_start3A_74 : memref<640x128xf32, #tpu.memory_space<vmem_shared>>) target(%dma_start3A_72 : memref<640x128xf32, #tpu.memory_space<hbm>>) target_semaphore(%run_scoped3A : memref<!tpu.dma_semaphore, #tpu.memory_space<semaphore_mem>>)
      %dma_wait3A = arith.constant 0 : i32
      %dma_wait3A_75 = tpu.memref_slice %arg5[%arg0, %mul3A_69, %dma_wait3A] : memref<2x10240x128xf32, #tpu.memory_space<hbm>> -> memref<1x640x128xf32, #tpu.memory_space<hbm>>
      %dma_wait3A_76 = tpu.memref_squeeze %dma_wait3A_75 : memref<1x640x128xf32, #tpu.memory_space<hbm>> -> memref<640x128xf32, #tpu.memory_space<hbm>>
      %dma_wait3A_77 = arith.constant 0 : i32
      %dma_wait3A_78 = tpu.memref_slice %arg9[%mul3A_67, %dma_wait3A_77] : memref<10240x128xf32, #tpu.memory_space<vmem_shared>> -> memref<640x128xf32, #tpu.memory_space<vmem_shared>>
      tpu.wait_dma2 semaphore(%run_scoped3A : memref<!tpu.dma_semaphore, #tpu.memory_space<semaphore_mem>>) src(%dma_wait3A_78 : memref<640x128xf32, #tpu.memory_space<vmem_shared>>) dst(%dma_wait3A_76 : memref<640x128xf32, #tpu.memory_space<hbm>>)
      tpu.yield
    }) : () -> ()
    return
  }
}

#map = affine_map<(d0, d1) -> (0, 0, 0)>
#map1 = affine_map<(d0, d1) -> (0)>
module attributes {stable_mosaic.version = 14 : i64} {
  func.func @_deg_body(%arg0: i32, %arg1: i32, %arg2: memref<32x40x125xi32, #tpu.memory_space<hbm>>, %arg3: memref<10240xf32, #tpu.memory_space<hbm>>, %arg4: memref<10240xf32, #tpu.memory_space<hbm>>, %arg5: memref<40x125xi32, #tpu.memory_space<vmem>>, %arg6: memref<128xf32, #tpu.memory_space<vmem>>, %arg7: memref<640xf32, #tpu.memory_space<vmem>>, %arg8: memref<10240xf32, #tpu.memory_space<vmem_shared>>) attributes {dimension_semantics = [#tpu.dimension_semantics<core_parallel>, #tpu.dimension_semantics<subcore_parallel>], iteration_bounds = array<i64: 2, 16>, scalar_prefetch = 0 : i64, scratch_operands = 4 : i64, tpu.core_type = #tpu.core_type<sc_vector_subcore>, window_params = [{transform_indices = #map}, {transform_indices = #map1}, {transform_indices = #map1}]} {
    %mul3A = arith.constant 16 : i32
    %mul3A_0 = arith.muli %arg0, %mul3A : i32
    %add3A = arith.addi %mul3A_0, %arg1 : i32
    %broadcast_in_dim3A = arith.constant 1.000000e+00 : f32
    %broadcast_in_dim3A_1 = vector.broadcast %broadcast_in_dim3A : f32 to vector<16xf32>
    %swap3A = arith.constant 0 : index
    %swap3A_2 = tpu.vector_load %arg6[%swap3A] {strides = array<i32>} : memref<128xf32, #tpu.memory_space<vmem>>, vector<16xf32>,
    %swap3A_3 = vector.shape_cast %swap3A_2 : vector<16xf32> to vector<16xf32>
    %swap3A_4 = vector.shape_cast %broadcast_in_dim3A_1 : vector<16xf32> to vector<16xf32>
    tpu.vector_store %arg6[%swap3A], %swap3A_4 {strides = array<i32>} : memref<128xf32, #tpu.memory_space<vmem>>, vector<16xf32>,
    %broadcast_in_dim3A_5 = arith.constant 1.000000e+00 : f32
    %broadcast_in_dim3A_6 = vector.broadcast %broadcast_in_dim3A_5 : f32 to vector<16xf32>
    %swap3A_7 = arith.constant 16 : index
    %swap3A_8 = tpu.vector_load %arg6[%swap3A_7] {strides = array<i32>} : memref<128xf32, #tpu.memory_space<vmem>>, vector<16xf32>,
    %swap3A_9 = vector.shape_cast %swap3A_8 : vector<16xf32> to vector<16xf32>
    %swap3A_10 = vector.shape_cast %broadcast_in_dim3A_6 : vector<16xf32> to vector<16xf32>
    tpu.vector_store %arg6[%swap3A_7], %swap3A_10 {strides = array<i32>} : memref<128xf32, #tpu.memory_space<vmem>>, vector<16xf32>,
    %broadcast_in_dim3A_11 = arith.constant 1.000000e+00 : f32
    %broadcast_in_dim3A_12 = vector.broadcast %broadcast_in_dim3A_11 : f32 to vector<16xf32>
    %swap3A_13 = arith.constant 32 : index
    %swap3A_14 = tpu.vector_load %arg6[%swap3A_13] {strides = array<i32>} : memref<128xf32, #tpu.memory_space<vmem>>, vector<16xf32>,
    %swap3A_15 = vector.shape_cast %swap3A_14 : vector<16xf32> to vector<16xf32>
    %swap3A_16 = vector.shape_cast %broadcast_in_dim3A_12 : vector<16xf32> to vector<16xf32>
    tpu.vector_store %arg6[%swap3A_13], %swap3A_16 {strides = array<i32>} : memref<128xf32, #tpu.memory_space<vmem>>, vector<16xf32>,
    %broadcast_in_dim3A_17 = arith.constant 1.000000e+00 : f32
    %broadcast_in_dim3A_18 = vector.broadcast %broadcast_in_dim3A_17 : f32 to vector<16xf32>
    %swap3A_19 = arith.constant 48 : index
    %swap3A_20 = tpu.vector_load %arg6[%swap3A_19] {strides = array<i32>} : memref<128xf32, #tpu.memory_space<vmem>>, vector<16xf32>,
    %swap3A_21 = vector.shape_cast %swap3A_20 : vector<16xf32> to vector<16xf32>
    %swap3A_22 = vector.shape_cast %broadcast_in_dim3A_18 : vector<16xf32> to vector<16xf32>
    tpu.vector_store %arg6[%swap3A_19], %swap3A_22 {strides = array<i32>} : memref<128xf32, #tpu.memory_space<vmem>>, vector<16xf32>,
    %broadcast_in_dim3A_23 = arith.constant 1.000000e+00 : f32
    %broadcast_in_dim3A_24 = vector.broadcast %broadcast_in_dim3A_23 : f32 to vector<16xf32>
    %swap3A_25 = arith.constant 64 : index
    %swap3A_26 = tpu.vector_load %arg6[%swap3A_25] {strides = array<i32>} : memref<128xf32, #tpu.memory_space<vmem>>, vector<16xf32>,
    %swap3A_27 = vector.shape_cast %swap3A_26 : vector<16xf32> to vector<16xf32>
    %swap3A_28 = vector.shape_cast %broadcast_in_dim3A_24 : vector<16xf32> to vector<16xf32>
    tpu.vector_store %arg6[%swap3A_25], %swap3A_28 {strides = array<i32>} : memref<128xf32, #tpu.memory_space<vmem>>, vector<16xf32>,
    %broadcast_in_dim3A_29 = arith.constant 1.000000e+00 : f32
    %broadcast_in_dim3A_30 = vector.broadcast %broadcast_in_dim3A_29 : f32 to vector<16xf32>
    %swap3A_31 = arith.constant 80 : index
    %swap3A_32 = tpu.vector_load %arg6[%swap3A_31] {strides = array<i32>} : memref<128xf32, #tpu.memory_space<vmem>>, vector<16xf32>,
    %swap3A_33 = vector.shape_cast %swap3A_32 : vector<16xf32> to vector<16xf32>
    %swap3A_34 = vector.shape_cast %broadcast_in_dim3A_30 : vector<16xf32> to vector<16xf32>
    tpu.vector_store %arg6[%swap3A_31], %swap3A_34 {strides = array<i32>} : memref<128xf32, #tpu.memory_space<vmem>>, vector<16xf32>,
    %broadcast_in_dim3A_35 = arith.constant 1.000000e+00 : f32
    %broadcast_in_dim3A_36 = vector.broadcast %broadcast_in_dim3A_35 : f32 to vector<16xf32>
    %swap3A_37 = arith.constant 96 : index
    %swap3A_38 = tpu.vector_load %arg6[%swap3A_37] {strides = array<i32>} : memref<128xf32, #tpu.memory_space<vmem>>, vector<16xf32>,
    %swap3A_39 = vector.shape_cast %swap3A_38 : vector<16xf32> to vector<16xf32>
    %swap3A_40 = vector.shape_cast %broadcast_in_dim3A_36 : vector<16xf32> to vector<16xf32>
    tpu.vector_store %arg6[%swap3A_37], %swap3A_40 {strides = array<i32>} : memref<128xf32, #tpu.memory_space<vmem>>, vector<16xf32>,
    %broadcast_in_dim3A_41 = arith.constant 1.000000e+00 : f32
    %broadcast_in_dim3A_42 = vector.broadcast %broadcast_in_dim3A_41 : f32 to vector<16xf32>
    %swap3A_43 = arith.constant 112 : index
    %swap3A_44 = tpu.vector_load %arg6[%swap3A_43] {strides = array<i32>} : memref<128xf32, #tpu.memory_space<vmem>>, vector<16xf32>,
    %swap3A_45 = vector.shape_cast %swap3A_44 : vector<16xf32> to vector<16xf32>
    %swap3A_46 = vector.shape_cast %broadcast_in_dim3A_42 : vector<16xf32> to vector<16xf32>
    tpu.vector_store %arg6[%swap3A_43], %swap3A_46 {strides = array<i32>} : memref<128xf32, #tpu.memory_space<vmem>>, vector<16xf32>,
    %broadcast_in_dim3A_47 = arith.constant 0.000000e+00 : f32
    %broadcast_in_dim3A_48 = vector.broadcast %broadcast_in_dim3A_47 : f32 to vector<16xf32>
    %swap3A_49 = arith.constant 0 : index
    %swap3A_50 = tpu.vector_load %arg7[%swap3A_49] {strides = array<i32>} : memref<640xf32, #tpu.memory_space<vmem>>, vector<16xf32>,
    %swap3A_51 = vector.shape_cast %swap3A_50 : vector<16xf32> to vector<16xf32>
    %swap3A_52 = vector.shape_cast %broadcast_in_dim3A_48 : vector<16xf32> to vector<16xf32>
    tpu.vector_store %arg7[%swap3A_49], %swap3A_52 {strides = array<i32>} : memref<640xf32, #tpu.memory_space<vmem>>, vector<16xf32>,
    %broadcast_in_dim3A_53 = arith.constant 0.000000e+00 : f32
    %broadcast_in_dim3A_54 = vector.broadcast %broadcast_in_dim3A_53 : f32 to vector<16xf32>
    %swap3A_55 = arith.constant 16 : index
    %swap3A_56 = tpu.vector_load %arg7[%swap3A_55] {strides = array<i32>} : memref<640xf32, #tpu.memory_space<vmem>>, vector<16xf32>,
    %swap3A_57 = vector.shape_cast %swap3A_56 : vector<16xf32> to vector<16xf32>
    %swap3A_58 = vector.shape_cast %broadcast_in_dim3A_54 : vector<16xf32> to vector<16xf32>
    tpu.vector_store %arg7[%swap3A_55], %swap3A_58 {strides = array<i32>} : memref<640xf32, #tpu.memory_space<vmem>>, vector<16xf32>,
    %broadcast_in_dim3A_59 = arith.constant 0.000000e+00 : f32
    %broadcast_in_dim3A_60 = vector.broadcast %broadcast_in_dim3A_59 : f32 to vector<16xf32>
    %swap3A_61 = arith.constant 32 : index
    %swap3A_62 = tpu.vector_load %arg7[%swap3A_61] {strides = array<i32>} : memref<640xf32, #tpu.memory_space<vmem>>, vector<16xf32>,
    %swap3A_63 = vector.shape_cast %swap3A_62 : vector<16xf32> to vector<16xf32>
    %swap3A_64 = vector.shape_cast %broadcast_in_dim3A_60 : vector<16xf32> to vector<16xf32>
    tpu.vector_store %arg7[%swap3A_61], %swap3A_64 {strides = array<i32>} : memref<640xf32, #tpu.memory_space<vmem>>, vector<16xf32>,
    %broadcast_in_dim3A_65 = arith.constant 0.000000e+00 : f32
    %broadcast_in_dim3A_66 = vector.broadcast %broadcast_in_dim3A_65 : f32 to vector<16xf32>
    %swap3A_67 = arith.constant 48 : index
    %swap3A_68 = tpu.vector_load %arg7[%swap3A_67] {strides = array<i32>} : memref<640xf32, #tpu.memory_space<vmem>>, vector<16xf32>,
    %swap3A_69 = vector.shape_cast %swap3A_68 : vector<16xf32> to vector<16xf32>
    %swap3A_70 = vector.shape_cast %broadcast_in_dim3A_66 : vector<16xf32> to vector<16xf32>
    tpu.vector_store %arg7[%swap3A_67], %swap3A_70 {strides = array<i32>} : memref<640xf32, #tpu.memory_space<vmem>>, vector<16xf32>,
    %broadcast_in_dim3A_71 = arith.constant 0.000000e+00 : f32
    %broadcast_in_dim3A_72 = vector.broadcast %broadcast_in_dim3A_71 : f32 to vector<16xf32>
    %swap3A_73 = arith.constant 64 : index
    %swap3A_74 = tpu.vector_load %arg7[%swap3A_73] {strides = array<i32>} : memref<640xf32, #tpu.memory_space<vmem>>, vector<16xf32>,
    %swap3A_75 = vector.shape_cast %swap3A_74 : vector<16xf32> to vector<16xf32>
    %swap3A_76 = vector.shape_cast %broadcast_in_dim3A_72 : vector<16xf32> to vector<16xf32>
    tpu.vector_store %arg7[%swap3A_73], %swap3A_76 {strides = array<i32>} : memref<640xf32, #tpu.memory_space<vmem>>, vector<16xf32>,
    %broadcast_in_dim3A_77 = arith.constant 0.000000e+00 : f32
    %broadcast_in_dim3A_78 = vector.broadcast %broadcast_in_dim3A_77 : f32 to vector<16xf32>
    %swap3A_79 = arith.constant 80 : index
    %swap3A_80 = tpu.vector_load %arg7[%swap3A_79] {strides = array<i32>} : memref<640xf32, #tpu.memory_space<vmem>>, vector<16xf32>,
    %swap3A_81 = vector.shape_cast %swap3A_80 : vector<16xf32> to vector<16xf32>
    %swap3A_82 = vector.shape_cast %broadcast_in_dim3A_78 : vector<16xf32> to vector<16xf32>
    tpu.vector_store %arg7[%swap3A_79], %swap3A_82 {strides = array<i32>} : memref<640xf32, #tpu.memory_space<vmem>>, vector<16xf32>,
    %broadcast_in_dim3A_83 = arith.constant 0.000000e+00 : f32
    %broadcast_in_dim3A_84 = vector.broadcast %broadcast_in_dim3A_83 : f32 to vector<16xf32>
    %swap3A_85 = arith.constant 96 : index
    %swap3A_86 = tpu.vector_load %arg7[%swap3A_85] {strides = array<i32>} : memref<640xf32, #tpu.memory_space<vmem>>, vector<16xf32>,
    %swap3A_87 = vector.shape_cast %swap3A_86 : vector<16xf32> to vector<16xf32>
    %swap3A_88 = vector.shape_cast %broadcast_in_dim3A_84 : vector<16xf32> to vector<16xf32>
    tpu.vector_store %arg7[%swap3A_85], %swap3A_88 {strides = array<i32>} : memref<640xf32, #tpu.memory_space<vmem>>, vector<16xf32>,
    %broadcast_in_dim3A_89 = arith.constant 0.000000e+00 : f32
    %broadcast_in_dim3A_90 = vector.broadcast %broadcast_in_dim3A_89 : f32 to vector<16xf32>
    %swap3A_91 = arith.constant 112 : index
    %swap3A_92 = tpu.vector_load %arg7[%swap3A_91] {strides = array<i32>} : memref<640xf32, #tpu.memory_space<vmem>>, vector<16xf32>,
    %swap3A_93 = vector.shape_cast %swap3A_92 : vector<16xf32> to vector<16xf32>
    %swap3A_94 = vector.shape_cast %broadcast_in_dim3A_90 : vector<16xf32> to vector<16xf32>
    tpu.vector_store %arg7[%swap3A_91], %swap3A_94 {strides = array<i32>} : memref<640xf32, #tpu.memory_space<vmem>>, vector<16xf32>,
    %broadcast_in_dim3A_95 = arith.constant 0.000000e+00 : f32
    %broadcast_in_dim3A_96 = vector.broadcast %broadcast_in_dim3A_95 : f32 to vector<16xf32>
    %swap3A_97 = arith.constant 128 : index
    %swap3A_98 = tpu.vector_load %arg7[%swap3A_97] {strides = array<i32>} : memref<640xf32, #tpu.memory_space<vmem>>, vector<16xf32>,
    %swap3A_99 = vector.shape_cast %swap3A_98 : vector<16xf32> to vector<16xf32>
    %swap3A_100 = vector.shape_cast %broadcast_in_dim3A_96 : vector<16xf32> to vector<16xf32>
    tpu.vector_store %arg7[%swap3A_97], %swap3A_100 {strides = array<i32>} : memref<640xf32, #tpu.memory_space<vmem>>, vector<16xf32>,
    %broadcast_in_dim3A_101 = arith.constant 0.000000e+00 : f32
    %broadcast_in_dim3A_102 = vector.broadcast %broadcast_in_dim3A_101 : f32 to vector<16xf32>
    %swap3A_103 = arith.constant 144 : index
    %swap3A_104 = tpu.vector_load %arg7[%swap3A_103] {strides = array<i32>} : memref<640xf32, #tpu.memory_space<vmem>>, vector<16xf32>,
    %swap3A_105 = vector.shape_cast %swap3A_104 : vector<16xf32> to vector<16xf32>
    %swap3A_106 = vector.shape_cast %broadcast_in_dim3A_102 : vector<16xf32> to vector<16xf32>
    tpu.vector_store %arg7[%swap3A_103], %swap3A_106 {strides = array<i32>} : memref<640xf32, #tpu.memory_space<vmem>>, vector<16xf32>,
    %broadcast_in_dim3A_107 = arith.constant 0.000000e+00 : f32
    %broadcast_in_dim3A_108 = vector.broadcast %broadcast_in_dim3A_107 : f32 to vector<16xf32>
    %swap3A_109 = arith.constant 160 : index
    %swap3A_110 = tpu.vector_load %arg7[%swap3A_109] {strides = array<i32>} : memref<640xf32, #tpu.memory_space<vmem>>, vector<16xf32>,
    %swap3A_111 = vector.shape_cast %swap3A_110 : vector<16xf32> to vector<16xf32>
    %swap3A_112 = vector.shape_cast %broadcast_in_dim3A_108 : vector<16xf32> to vector<16xf32>
    tpu.vector_store %arg7[%swap3A_109], %swap3A_112 {strides = array<i32>} : memref<640xf32, #tpu.memory_space<vmem>>, vector<16xf32>,
    %broadcast_in_dim3A_113 = arith.constant 0.000000e+00 : f32
    %broadcast_in_dim3A_114 = vector.broadcast %broadcast_in_dim3A_113 : f32 to vector<16xf32>
    %swap3A_115 = arith.constant 176 : index
    %swap3A_116 = tpu.vector_load %arg7[%swap3A_115] {strides = array<i32>} : memref<640xf32, #tpu.memory_space<vmem>>, vector<16xf32>,
    %swap3A_117 = vector.shape_cast %swap3A_116 : vector<16xf32> to vector<16xf32>
    %swap3A_118 = vector.shape_cast %broadcast_in_dim3A_114 : vector<16xf32> to vector<16xf32>
    tpu.vector_store %arg7[%swap3A_115], %swap3A_118 {strides = array<i32>} : memref<640xf32, #tpu.memory_space<vmem>>, vector<16xf32>,
    %broadcast_in_dim3A_119 = arith.constant 0.000000e+00 : f32
    %broadcast_in_dim3A_120 = vector.broadcast %broadcast_in_dim3A_119 : f32 to vector<16xf32>
    %swap3A_121 = arith.constant 192 : index
    %swap3A_122 = tpu.vector_load %arg7[%swap3A_121] {strides = array<i32>} : memref<640xf32, #tpu.memory_space<vmem>>, vector<16xf32>,
    %swap3A_123 = vector.shape_cast %swap3A_122 : vector<16xf32> to vector<16xf32>
    %swap3A_124 = vector.shape_cast %broadcast_in_dim3A_120 : vector<16xf32> to vector<16xf32>
    tpu.vector_store %arg7[%swap3A_121], %swap3A_124 {strides = array<i32>} : memref<640xf32, #tpu.memory_space<vmem>>, vector<16xf32>,
    %broadcast_in_dim3A_125 = arith.constant 0.000000e+00 : f32
    %broadcast_in_dim3A_126 = vector.broadcast %broadcast_in_dim3A_125 : f32 to vector<16xf32>
    %swap3A_127 = arith.constant 208 : index
    %swap3A_128 = tpu.vector_load %arg7[%swap3A_127] {strides = array<i32>} : memref<640xf32, #tpu.memory_space<vmem>>, vector<16xf32>,
    %swap3A_129 = vector.shape_cast %swap3A_128 : vector<16xf32> to vector<16xf32>
    %swap3A_130 = vector.shape_cast %broadcast_in_dim3A_126 : vector<16xf32> to vector<16xf32>
    tpu.vector_store %arg7[%swap3A_127], %swap3A_130 {strides = array<i32>} : memref<640xf32, #tpu.memory_space<vmem>>, vector<16xf32>,
    %broadcast_in_dim3A_131 = arith.constant 0.000000e+00 : f32
    %broadcast_in_dim3A_132 = vector.broadcast %broadcast_in_dim3A_131 : f32 to vector<16xf32>
    %swap3A_133 = arith.constant 224 : index
    %swap3A_134 = tpu.vector_load %arg7[%swap3A_133] {strides = array<i32>} : memref<640xf32, #tpu.memory_space<vmem>>, vector<16xf32>,
    %swap3A_135 = vector.shape_cast %swap3A_134 : vector<16xf32> to vector<16xf32>
    %swap3A_136 = vector.shape_cast %broadcast_in_dim3A_132 : vector<16xf32> to vector<16xf32>
    tpu.vector_store %arg7[%swap3A_133], %swap3A_136 {strides = array<i32>} : memref<640xf32, #tpu.memory_space<vmem>>, vector<16xf32>,
    %broadcast_in_dim3A_137 = arith.constant 0.000000e+00 : f32
    %broadcast_in_dim3A_138 = vector.broadcast %broadcast_in_dim3A_137 : f32 to vector<16xf32>
    %swap3A_139 = arith.constant 240 : index
    %swap3A_140 = tpu.vector_load %arg7[%swap3A_139] {strides = array<i32>} : memref<640xf32, #tpu.memory_space<vmem>>, vector<16xf32>,
    %swap3A_141 = vector.shape_cast %swap3A_140 : vector<16xf32> to vector<16xf32>
    %swap3A_142 = vector.shape_cast %broadcast_in_dim3A_138 : vector<16xf32> to vector<16xf32>
    tpu.vector_store %arg7[%swap3A_139], %swap3A_142 {strides = array<i32>} : memref<640xf32, #tpu.memory_space<vmem>>, vector<16xf32>,
    %broadcast_in_dim3A_143 = arith.constant 0.000000e+00 : f32
    %broadcast_in_dim3A_144 = vector.broadcast %broadcast_in_dim3A_143 : f32 to vector<16xf32>
    %swap3A_145 = arith.constant 256 : index
    %swap3A_146 = tpu.vector_load %arg7[%swap3A_145] {strides = array<i32>} : memref<640xf32, #tpu.memory_space<vmem>>, vector<16xf32>,
    %swap3A_147 = vector.shape_cast %swap3A_146 : vector<16xf32> to vector<16xf32>
    %swap3A_148 = vector.shape_cast %broadcast_in_dim3A_144 : vector<16xf32> to vector<16xf32>
    tpu.vector_store %arg7[%swap3A_145], %swap3A_148 {strides = array<i32>} : memref<640xf32, #tpu.memory_space<vmem>>, vector<16xf32>,
    %broadcast_in_dim3A_149 = arith.constant 0.000000e+00 : f32
    %broadcast_in_dim3A_150 = vector.broadcast %broadcast_in_dim3A_149 : f32 to vector<16xf32>
    %swap3A_151 = arith.constant 272 : index
    %swap3A_152 = tpu.vector_load %arg7[%swap3A_151] {strides = array<i32>} : memref<640xf32, #tpu.memory_space<vmem>>, vector<16xf32>,
    %swap3A_153 = vector.shape_cast %swap3A_152 : vector<16xf32> to vector<16xf32>
    %swap3A_154 = vector.shape_cast %broadcast_in_dim3A_150 : vector<16xf32> to vector<16xf32>
    tpu.vector_store %arg7[%swap3A_151], %swap3A_154 {strides = array<i32>} : memref<640xf32, #tpu.memory_space<vmem>>, vector<16xf32>,
    %broadcast_in_dim3A_155 = arith.constant 0.000000e+00 : f32
    %broadcast_in_dim3A_156 = vector.broadcast %broadcast_in_dim3A_155 : f32 to vector<16xf32>
    %swap3A_157 = arith.constant 288 : index
    %swap3A_158 = tpu.vector_load %arg7[%swap3A_157] {strides = array<i32>} : memref<640xf32, #tpu.memory_space<vmem>>, vector<16xf32>,
    %swap3A_159 = vector.shape_cast %swap3A_158 : vector<16xf32> to vector<16xf32>
    %swap3A_160 = vector.shape_cast %broadcast_in_dim3A_156 : vector<16xf32> to vector<16xf32>
    tpu.vector_store %arg7[%swap3A_157], %swap3A_160 {strides = array<i32>} : memref<640xf32, #tpu.memory_space<vmem>>, vector<16xf32>,
    %broadcast_in_dim3A_161 = arith.constant 0.000000e+00 : f32
    %broadcast_in_dim3A_162 = vector.broadcast %broadcast_in_dim3A_161 : f32 to vector<16xf32>
    %swap3A_163 = arith.constant 304 : index
    %swap3A_164 = tpu.vector_load %arg7[%swap3A_163] {strides = array<i32>} : memref<640xf32, #tpu.memory_space<vmem>>, vector<16xf32>,
    %swap3A_165 = vector.shape_cast %swap3A_164 : vector<16xf32> to vector<16xf32>
    %swap3A_166 = vector.shape_cast %broadcast_in_dim3A_162 : vector<16xf32> to vector<16xf32>
    tpu.vector_store %arg7[%swap3A_163], %swap3A_166 {strides = array<i32>} : memref<640xf32, #tpu.memory_space<vmem>>, vector<16xf32>,
    %broadcast_in_dim3A_167 = arith.constant 0.000000e+00 : f32
    %broadcast_in_dim3A_168 = vector.broadcast %broadcast_in_dim3A_167 : f32 to vector<16xf32>
    %swap3A_169 = arith.constant 320 : index
    %swap3A_170 = tpu.vector_load %arg7[%swap3A_169] {strides = array<i32>} : memref<640xf32, #tpu.memory_space<vmem>>, vector<16xf32>,
    %swap3A_171 = vector.shape_cast %swap3A_170 : vector<16xf32> to vector<16xf32>
    %swap3A_172 = vector.shape_cast %broadcast_in_dim3A_168 : vector<16xf32> to vector<16xf32>
    tpu.vector_store %arg7[%swap3A_169], %swap3A_172 {strides = array<i32>} : memref<640xf32, #tpu.memory_space<vmem>>, vector<16xf32>,
    %broadcast_in_dim3A_173 = arith.constant 0.000000e+00 : f32
    %broadcast_in_dim3A_174 = vector.broadcast %broadcast_in_dim3A_173 : f32 to vector<16xf32>
    %swap3A_175 = arith.constant 336 : index
    %swap3A_176 = tpu.vector_load %arg7[%swap3A_175] {strides = array<i32>} : memref<640xf32, #tpu.memory_space<vmem>>, vector<16xf32>,
    %swap3A_177 = vector.shape_cast %swap3A_176 : vector<16xf32> to vector<16xf32>
    %swap3A_178 = vector.shape_cast %broadcast_in_dim3A_174 : vector<16xf32> to vector<16xf32>
    tpu.vector_store %arg7[%swap3A_175], %swap3A_178 {strides = array<i32>} : memref<640xf32, #tpu.memory_space<vmem>>, vector<16xf32>,
    %broadcast_in_dim3A_179 = arith.constant 0.000000e+00 : f32
    %broadcast_in_dim3A_180 = vector.broadcast %broadcast_in_dim3A_179 : f32 to vector<16xf32>
    %swap3A_181 = arith.constant 352 : index
    %swap3A_182 = tpu.vector_load %arg7[%swap3A_181] {strides = array<i32>} : memref<640xf32, #tpu.memory_space<vmem>>, vector<16xf32>,
    %swap3A_183 = vector.shape_cast %swap3A_182 : vector<16xf32> to vector<16xf32>
    %swap3A_184 = vector.shape_cast %broadcast_in_dim3A_180 : vector<16xf32> to vector<16xf32>
    tpu.vector_store %arg7[%swap3A_181], %swap3A_184 {strides = array<i32>} : memref<640xf32, #tpu.memory_space<vmem>>, vector<16xf32>,
    %broadcast_in_dim3A_185 = arith.constant 0.000000e+00 : f32
    %broadcast_in_dim3A_186 = vector.broadcast %broadcast_in_dim3A_185 : f32 to vector<16xf32>
    %swap3A_187 = arith.constant 368 : index
    %swap3A_188 = tpu.vector_load %arg7[%swap3A_187] {strides = array<i32>} : memref<640xf32, #tpu.memory_space<vmem>>, vector<16xf32>,
    %swap3A_189 = vector.shape_cast %swap3A_188 : vector<16xf32> to vector<16xf32>
    %swap3A_190 = vector.shape_cast %broadcast_in_dim3A_186 : vector<16xf32> to vector<16xf32>
    tpu.vector_store %arg7[%swap3A_187], %swap3A_190 {strides = array<i32>} : memref<640xf32, #tpu.memory_space<vmem>>, vector<16xf32>,
    %broadcast_in_dim3A_191 = arith.constant 0.000000e+00 : f32
    %broadcast_in_dim3A_192 = vector.broadcast %broadcast_in_dim3A_191 : f32 to vector<16xf32>
    %swap3A_193 = arith.constant 384 : index
    %swap3A_194 = tpu.vector_load %arg7[%swap3A_193] {strides = array<i32>} : memref<640xf32, #tpu.memory_space<vmem>>, vector<16xf32>,
    %swap3A_195 = vector.shape_cast %swap3A_194 : vector<16xf32> to vector<16xf32>
    %swap3A_196 = vector.shape_cast %broadcast_in_dim3A_192 : vector<16xf32> to vector<16xf32>
    tpu.vector_store %arg7[%swap3A_193], %swap3A_196 {strides = array<i32>} : memref<640xf32, #tpu.memory_space<vmem>>, vector<16xf32>,
    %broadcast_in_dim3A_197 = arith.constant 0.000000e+00 : f32
    %broadcast_in_dim3A_198 = vector.broadcast %broadcast_in_dim3A_197 : f32 to vector<16xf32>
    %swap3A_199 = arith.constant 400 : index
    %swap3A_200 = tpu.vector_load %arg7[%swap3A_199] {strides = array<i32>} : memref<640xf32, #tpu.memory_space<vmem>>, vector<16xf32>,
    %swap3A_201 = vector.shape_cast %swap3A_200 : vector<16xf32> to vector<16xf32>
    %swap3A_202 = vector.shape_cast %broadcast_in_dim3A_198 : vector<16xf32> to vector<16xf32>
    tpu.vector_store %arg7[%swap3A_199], %swap3A_202 {strides = array<i32>} : memref<640xf32, #tpu.memory_space<vmem>>, vector<16xf32>,
    %broadcast_in_dim3A_203 = arith.constant 0.000000e+00 : f32
    %broadcast_in_dim3A_204 = vector.broadcast %broadcast_in_dim3A_203 : f32 to vector<16xf32>
    %swap3A_205 = arith.constant 416 : index
    %swap3A_206 = tpu.vector_load %arg7[%swap3A_205] {strides = array<i32>} : memref<640xf32, #tpu.memory_space<vmem>>, vector<16xf32>,
    %swap3A_207 = vector.shape_cast %swap3A_206 : vector<16xf32> to vector<16xf32>
    %swap3A_208 = vector.shape_cast %broadcast_in_dim3A_204 : vector<16xf32> to vector<16xf32>
    tpu.vector_store %arg7[%swap3A_205], %swap3A_208 {strides = array<i32>} : memref<640xf32, #tpu.memory_space<vmem>>, vector<16xf32>,
    %broadcast_in_dim3A_209 = arith.constant 0.000000e+00 : f32
    %broadcast_in_dim3A_210 = vector.broadcast %broadcast_in_dim3A_209 : f32 to vector<16xf32>
    %swap3A_211 = arith.constant 432 : index
    %swap3A_212 = tpu.vector_load %arg7[%swap3A_211] {strides = array<i32>} : memref<640xf32, #tpu.memory_space<vmem>>, vector<16xf32>,
    %swap3A_213 = vector.shape_cast %swap3A_212 : vector<16xf32> to vector<16xf32>
    %swap3A_214 = vector.shape_cast %broadcast_in_dim3A_210 : vector<16xf32> to vector<16xf32>
    tpu.vector_store %arg7[%swap3A_211], %swap3A_214 {strides = array<i32>} : memref<640xf32, #tpu.memory_space<vmem>>, vector<16xf32>,
    %broadcast_in_dim3A_215 = arith.constant 0.000000e+00 : f32
    %broadcast_in_dim3A_216 = vector.broadcast %broadcast_in_dim3A_215 : f32 to vector<16xf32>
    %swap3A_217 = arith.constant 448 : index
    %swap3A_218 = tpu.vector_load %arg7[%swap3A_217] {strides = array<i32>} : memref<640xf32, #tpu.memory_space<vmem>>, vector<16xf32>,
    %swap3A_219 = vector.shape_cast %swap3A_218 : vector<16xf32> to vector<16xf32>
    %swap3A_220 = vector.shape_cast %broadcast_in_dim3A_216 : vector<16xf32> to vector<16xf32>
    tpu.vector_store %arg7[%swap3A_217], %swap3A_220 {strides = array<i32>} : memref<640xf32, #tpu.memory_space<vmem>>, vector<16xf32>,
    %broadcast_in_dim3A_221 = arith.constant 0.000000e+00 : f32
    %broadcast_in_dim3A_222 = vector.broadcast %broadcast_in_dim3A_221 : f32 to vector<16xf32>
    %swap3A_223 = arith.constant 464 : index
    %swap3A_224 = tpu.vector_load %arg7[%swap3A_223] {strides = array<i32>} : memref<640xf32, #tpu.memory_space<vmem>>, vector<16xf32>,
    %swap3A_225 = vector.shape_cast %swap3A_224 : vector<16xf32> to vector<16xf32>
    %swap3A_226 = vector.shape_cast %broadcast_in_dim3A_222 : vector<16xf32> to vector<16xf32>
    tpu.vector_store %arg7[%swap3A_223], %swap3A_226 {strides = array<i32>} : memref<640xf32, #tpu.memory_space<vmem>>, vector<16xf32>,
    %broadcast_in_dim3A_227 = arith.constant 0.000000e+00 : f32
    %broadcast_in_dim3A_228 = vector.broadcast %broadcast_in_dim3A_227 : f32 to vector<16xf32>
    %swap3A_229 = arith.constant 480 : index
    %swap3A_230 = tpu.vector_load %arg7[%swap3A_229] {strides = array<i32>} : memref<640xf32, #tpu.memory_space<vmem>>, vector<16xf32>,
    %swap3A_231 = vector.shape_cast %swap3A_230 : vector<16xf32> to vector<16xf32>
    %swap3A_232 = vector.shape_cast %broadcast_in_dim3A_228 : vector<16xf32> to vector<16xf32>
    tpu.vector_store %arg7[%swap3A_229], %swap3A_232 {strides = array<i32>} : memref<640xf32, #tpu.memory_space<vmem>>, vector<16xf32>,
    %broadcast_in_dim3A_233 = arith.constant 0.000000e+00 : f32
    %broadcast_in_dim3A_234 = vector.broadcast %broadcast_in_dim3A_233 : f32 to vector<16xf32>
    %swap3A_235 = arith.constant 496 : index
    %swap3A_236 = tpu.vector_load %arg7[%swap3A_235] {strides = array<i32>} : memref<640xf32, #tpu.memory_space<vmem>>, vector<16xf32>,
    %swap3A_237 = vector.shape_cast %swap3A_236 : vector<16xf32> to vector<16xf32>
    %swap3A_238 = vector.shape_cast %broadcast_in_dim3A_234 : vector<16xf32> to vector<16xf32>
    tpu.vector_store %arg7[%swap3A_235], %swap3A_238 {strides = array<i32>} : memref<640xf32, #tpu.memory_space<vmem>>, vector<16xf32>,
    %broadcast_in_dim3A_239 = arith.constant 0.000000e+00 : f32
    %broadcast_in_dim3A_240 = vector.broadcast %broadcast_in_dim3A_239 : f32 to vector<16xf32>
    %swap3A_241 = arith.constant 512 : index
    %swap3A_242 = tpu.vector_load %arg7[%swap3A_241] {strides = array<i32>} : memref<640xf32, #tpu.memory_space<vmem>>, vector<16xf32>,
    %swap3A_243 = vector.shape_cast %swap3A_242 : vector<16xf32> to vector<16xf32>
    %swap3A_244 = vector.shape_cast %broadcast_in_dim3A_240 : vector<16xf32> to vector<16xf32>
    tpu.vector_store %arg7[%swap3A_241], %swap3A_244 {strides = array<i32>} : memref<640xf32, #tpu.memory_space<vmem>>, vector<16xf32>,
    %broadcast_in_dim3A_245 = arith.constant 0.000000e+00 : f32
    %broadcast_in_dim3A_246 = vector.broadcast %broadcast_in_dim3A_245 : f32 to vector<16xf32>
    %swap3A_247 = arith.constant 528 : index
    %swap3A_248 = tpu.vector_load %arg7[%swap3A_247] {strides = array<i32>} : memref<640xf32, #tpu.memory_space<vmem>>, vector<16xf32>,
    %swap3A_249 = vector.shape_cast %swap3A_248 : vector<16xf32> to vector<16xf32>
    %swap3A_250 = vector.shape_cast %broadcast_in_dim3A_246 : vector<16xf32> to vector<16xf32>
    tpu.vector_store %arg7[%swap3A_247], %swap3A_250 {strides = array<i32>} : memref<640xf32, #tpu.memory_space<vmem>>, vector<16xf32>,
    %broadcast_in_dim3A_251 = arith.constant 0.000000e+00 : f32
    %broadcast_in_dim3A_252 = vector.broadcast %broadcast_in_dim3A_251 : f32 to vector<16xf32>
    %swap3A_253 = arith.constant 544 : index
    %swap3A_254 = tpu.vector_load %arg7[%swap3A_253] {strides = array<i32>} : memref<640xf32, #tpu.memory_space<vmem>>, vector<16xf32>,
    %swap3A_255 = vector.shape_cast %swap3A_254 : vector<16xf32> to vector<16xf32>
    %swap3A_256 = vector.shape_cast %broadcast_in_dim3A_252 : vector<16xf32> to vector<16xf32>
    tpu.vector_store %arg7[%swap3A_253], %swap3A_256 {strides = array<i32>} : memref<640xf32, #tpu.memory_space<vmem>>, vector<16xf32>,
    %broadcast_in_dim3A_257 = arith.constant 0.000000e+00 : f32
    %broadcast_in_dim3A_258 = vector.broadcast %broadcast_in_dim3A_257 : f32 to vector<16xf32>
    %swap3A_259 = arith.constant 560 : index
    %swap3A_260 = tpu.vector_load %arg7[%swap3A_259] {strides = array<i32>} : memref<640xf32, #tpu.memory_space<vmem>>, vector<16xf32>,
    %swap3A_261 = vector.shape_cast %swap3A_260 : vector<16xf32> to vector<16xf32>
    %swap3A_262 = vector.shape_cast %broadcast_in_dim3A_258 : vector<16xf32> to vector<16xf32>
    tpu.vector_store %arg7[%swap3A_259], %swap3A_262 {strides = array<i32>} : memref<640xf32, #tpu.memory_space<vmem>>, vector<16xf32>,
    %broadcast_in_dim3A_263 = arith.constant 0.000000e+00 : f32
    %broadcast_in_dim3A_264 = vector.broadcast %broadcast_in_dim3A_263 : f32 to vector<16xf32>
    %swap3A_265 = arith.constant 576 : index
    %swap3A_266 = tpu.vector_load %arg7[%swap3A_265] {strides = array<i32>} : memref<640xf32, #tpu.memory_space<vmem>>, vector<16xf32>,
    %swap3A_267 = vector.shape_cast %swap3A_266 : vector<16xf32> to vector<16xf32>
    %swap3A_268 = vector.shape_cast %broadcast_in_dim3A_264 : vector<16xf32> to vector<16xf32>
    tpu.vector_store %arg7[%swap3A_265], %swap3A_268 {strides = array<i32>} : memref<640xf32, #tpu.memory_space<vmem>>, vector<16xf32>,
    %broadcast_in_dim3A_269 = arith.constant 0.000000e+00 : f32
    %broadcast_in_dim3A_270 = vector.broadcast %broadcast_in_dim3A_269 : f32 to vector<16xf32>
    %swap3A_271 = arith.constant 592 : index
    %swap3A_272 = tpu.vector_load %arg7[%swap3A_271] {strides = array<i32>} : memref<640xf32, #tpu.memory_space<vmem>>, vector<16xf32>,
    %swap3A_273 = vector.shape_cast %swap3A_272 : vector<16xf32> to vector<16xf32>
    %swap3A_274 = vector.shape_cast %broadcast_in_dim3A_270 : vector<16xf32> to vector<16xf32>
    tpu.vector_store %arg7[%swap3A_271], %swap3A_274 {strides = array<i32>} : memref<640xf32, #tpu.memory_space<vmem>>, vector<16xf32>,
    %broadcast_in_dim3A_275 = arith.constant 0.000000e+00 : f32
    %broadcast_in_dim3A_276 = vector.broadcast %broadcast_in_dim3A_275 : f32 to vector<16xf32>
    %swap3A_277 = arith.constant 608 : index
    %swap3A_278 = tpu.vector_load %arg7[%swap3A_277] {strides = array<i32>} : memref<640xf32, #tpu.memory_space<vmem>>, vector<16xf32>,
    %swap3A_279 = vector.shape_cast %swap3A_278 : vector<16xf32> to vector<16xf32>
    %swap3A_280 = vector.shape_cast %broadcast_in_dim3A_276 : vector<16xf32> to vector<16xf32>
    tpu.vector_store %arg7[%swap3A_277], %swap3A_280 {strides = array<i32>} : memref<640xf32, #tpu.memory_space<vmem>>, vector<16xf32>,
    %broadcast_in_dim3A_281 = arith.constant 0.000000e+00 : f32
    %broadcast_in_dim3A_282 = vector.broadcast %broadcast_in_dim3A_281 : f32 to vector<16xf32>
    %swap3A_283 = arith.constant 624 : index
    %swap3A_284 = tpu.vector_load %arg7[%swap3A_283] {strides = array<i32>} : memref<640xf32, #tpu.memory_space<vmem>>, vector<16xf32>,
    %swap3A_285 = vector.shape_cast %swap3A_284 : vector<16xf32> to vector<16xf32>
    %swap3A_286 = vector.shape_cast %broadcast_in_dim3A_282 : vector<16xf32> to vector<16xf32>
    tpu.vector_store %arg7[%swap3A_283], %swap3A_286 {strides = array<i32>} : memref<640xf32, #tpu.memory_space<vmem>>, vector<16xf32>,
    "tpu.region"() ({
      %run_scoped3A = tpu.sem_alloc : memref<!tpu.dma_semaphore, #tpu.memory_space<semaphore_mem>>
      %dma_start3A = arith.constant 0 : i32
      %dma_start3A_302 = arith.constant 0 : i32
      %dma_start3A_303 = tpu.memref_slice %arg2[%add3A, %dma_start3A, %dma_start3A_302] : memref<32x40x125xi32, #tpu.memory_space<hbm>> -> memref<1x40x125xi32, #tpu.memory_space<hbm>>
      %dma_start3A_304 = tpu.memref_squeeze %dma_start3A_303 : memref<1x40x125xi32, #tpu.memory_space<hbm>> -> memref<40x125xi32, #tpu.memory_space<hbm>>
      %dma_start3A_305 = arith.constant 0 : i32
      %dma_start3A_306 = arith.constant 0 : i32
      %dma_start3A_307 = tpu.memref_slice %arg2[%add3A, %dma_start3A_305, %dma_start3A_306] : memref<32x40x125xi32, #tpu.memory_space<hbm>> -> memref<1x40x125xi32, #tpu.memory_space<hbm>>
      %dma_start3A_308 = tpu.memref_squeeze %dma_start3A_307 : memref<1x40x125xi32, #tpu.memory_space<hbm>> -> memref<40x125xi32, #tpu.memory_space<hbm>>
      tpu.enqueue_dma source(%dma_start3A_308 : memref<40x125xi32, #tpu.memory_space<hbm>>) target(%arg5 : memref<40x125xi32, #tpu.memory_space<vmem>>) target_semaphore(%run_scoped3A : memref<!tpu.dma_semaphore, #tpu.memory_space<semaphore_mem>>)
      %dma_wait3A = arith.constant 0 : i32
      %dma_wait3A_309 = arith.constant 0 : i32
      %dma_wait3A_310 = tpu.memref_slice %arg2[%add3A, %dma_wait3A, %dma_wait3A_309] : memref<32x40x125xi32, #tpu.memory_space<hbm>> -> memref<1x40x125xi32, #tpu.memory_space<hbm>>
      %dma_wait3A_311 = tpu.memref_squeeze %dma_wait3A_310 : memref<1x40x125xi32, #tpu.memory_space<hbm>> -> memref<40x125xi32, #tpu.memory_space<hbm>>
      %dma_wait3A_312 = arith.constant 0 : i32
      %dma_wait3A_313 = arith.constant 0 : i32
      %dma_wait3A_314 = tpu.memref_slice %arg2[%add3A, %dma_wait3A_312, %dma_wait3A_313] : memref<32x40x125xi32, #tpu.memory_space<hbm>> -> memref<1x40x125xi32, #tpu.memory_space<hbm>>
      %dma_wait3A_315 = tpu.memref_squeeze %dma_wait3A_314 : memref<1x40x125xi32, #tpu.memory_space<hbm>> -> memref<40x125xi32, #tpu.memory_space<hbm>>
      tpu.wait_dma2 semaphore(%run_scoped3A : memref<!tpu.dma_semaphore, #tpu.memory_space<semaphore_mem>>) src(%dma_wait3A_315 : memref<40x125xi32, #tpu.memory_space<hbm>>) dst(%arg5 : memref<40x125xi32, #tpu.memory_space<vmem>>)
      tpu.yield
    }) : () -> ()
    %mul3A_287 = arith.constant 640 : i32
    %mul3A_288 = arith.muli %arg1, %mul3A_287 : i32
    "tpu.region"() ({
      %run_scoped3A = tpu.sem_alloc : memref<!tpu.dma_semaphore, #tpu.memory_space<semaphore_mem>>
      %dma_start3A = tpu.memref_slice %arg8[%mul3A_288] : memref<10240xf32, #tpu.memory_space<vmem_shared>> -> memref<640xf32, #tpu.memory_space<vmem_shared>>
      %dma_start3A_302 = tpu.memref_slice %arg8[%mul3A_288] : memref<10240xf32, #tpu.memory_space<vmem_shared>> -> memref<640xf32, #tpu.memory_space<vmem_shared>>
      tpu.enqueue_dma source(%arg7 : memref<640xf32, #tpu.memory_space<vmem>>) target(%dma_start3A_302 : memref<640xf32, #tpu.memory_space<vmem_shared>>) target_semaphore(%run_scoped3A : memref<!tpu.dma_semaphore, #tpu.memory_space<semaphore_mem>>)
      %dma_wait3A = tpu.memref_slice %arg8[%mul3A_288] : memref<10240xf32, #tpu.memory_space<vmem_shared>> -> memref<640xf32, #tpu.memory_space<vmem_shared>>
      %dma_wait3A_303 = tpu.memref_slice %arg8[%mul3A_288] : memref<10240xf32, #tpu.memory_space<vmem_shared>> -> memref<640xf32, #tpu.memory_space<vmem_shared>>
      tpu.wait_dma2 semaphore(%run_scoped3A : memref<!tpu.dma_semaphore, #tpu.memory_space<semaphore_mem>>) src(%arg7 : memref<640xf32, #tpu.memory_space<vmem>>) dst(%dma_wait3A_303 : memref<640xf32, #tpu.memory_space<vmem_shared>>)
      tpu.yield
    }) : () -> ()
    %barrier3A = arith.constant 0 : index
    tpu.barrier barrier_id(%barrier3A)
    %scan3A = arith.constant 0 : i32
    %scan3A_289 = arith.constant 0 : i32
    %scan3A_290 = arith.constant 40 : i32
    %scan3A_291 = arith.addi %scan3A_289, %scan3A_290 : i32
    %scan3A_292 = arith.constant 1 : i32
    scf.for %scan3A_302 = %scan3A_289 to %scan3A_291 step %scan3A_292  : i32 {
      "tpu.region"() ({
        %run_scoped3A = tpu.sem_alloc : memref<!tpu.dma_semaphore, #tpu.memory_space<semaphore_mem>>
        %dma_start3A = arith.constant 0 : i32
        %dma_start3A_303 = tpu.memref_slice %arg6[%dma_start3A] : memref<128xf32, #tpu.memory_space<vmem>> -> memref<125xf32, #tpu.memory_space<vmem>>
        %dma_start3A_304 = arith.constant 0 : i32
        %dma_start3A_305 = tpu.memref_slice %arg5[%scan3A_302, %dma_start3A_304] : memref<40x125xi32, #tpu.memory_space<vmem>> -> memref<1x125xi32, #tpu.memory_space<vmem>>
        %dma_start3A_306 = tpu.memref_squeeze %dma_start3A_305 : memref<1x125xi32, #tpu.memory_space<vmem>> -> memref<125xi32, #tpu.memory_space<vmem>>
        %dma_start3A_307 = arith.constant 0 : i32
        %dma_start3A_308 = tpu.memref_slice %arg8[%dma_start3A_307] : memref<10240xf32, #tpu.memory_space<vmem_shared>> -> memref<10240xf32, #tpu.memory_space<vmem_shared>>
        tpu.enqueue_indirect_dma source(%dma_start3A_303 : memref<125xf32, #tpu.memory_space<vmem>>) target(%dma_start3A_308 : memref<10240xf32, #tpu.memory_space<vmem_shared>>) offsets(%dma_start3A_306 : memref<125xi32, #tpu.memory_space<vmem>>) semaphore(%run_scoped3A : memref<!tpu.dma_semaphore, #tpu.memory_space<semaphore_mem>>) {add = true}
        %dma_wait3A = arith.constant 0 : i32
        %dma_wait3A_309 = tpu.memref_slice %arg6[%dma_wait3A] : memref<128xf32, #tpu.memory_space<vmem>> -> memref<125xf32, #tpu.memory_space<vmem>>
        %dma_wait3A_310 = arith.constant 0 : i32
        %dma_wait3A_311 = tpu.memref_slice %arg5[%scan3A_302, %dma_wait3A_310] : memref<40x125xi32, #tpu.memory_space<vmem>> -> memref<1x125xi32, #tpu.memory_space<vmem>>
        %dma_wait3A_312 = tpu.memref_squeeze %dma_wait3A_311 : memref<1x125xi32, #tpu.memory_space<vmem>> -> memref<125xi32, #tpu.memory_space<vmem>>
        %dma_wait3A_313 = arith.constant 0 : i32
        %dma_wait3A_314 = tpu.memref_slice %arg8[%dma_wait3A_313] : memref<10240xf32, #tpu.memory_space<vmem_shared>> -> memref<10240xf32, #tpu.memory_space<vmem_shared>>
        tpu.wait_indirect_dma semaphore(%run_scoped3A : memref<!tpu.dma_semaphore, #tpu.memory_space<semaphore_mem>>) src(%dma_wait3A_309 : memref<125xf32, #tpu.memory_space<vmem>>) dst(%dma_wait3A_314 : memref<10240xf32, #tpu.memory_space<vmem_shared>>)
        tpu.yield
      }) : () -> ()
    }
    %scan3A_293 = arith.constant 40 : i32
    %barrier3A_294 = arith.constant 0 : index
    tpu.barrier barrier_id(%barrier3A_294)
    %eq3A = arith.constant 0 : i32
    %eq3A_295 = arith.cmpi eq, %arg0, %eq3A : i32
    %convert_element_type3A = arith.extui %eq3A_295 : i1 to i32
    %cond3A = arith.constant 0 : i32
    %cond3A_296 = arith.cmpi ne, %convert_element_type3A, %cond3A : i32
    scf.if %cond3A_296 {
      %mul3A_302 = arith.constant 640 : i32
      %mul3A_303 = arith.muli %arg1, %mul3A_302 : i32
      %mul3A_304 = arith.constant 640 : i32
      %mul3A_305 = arith.muli %arg1, %mul3A_304 : i32
      "tpu.region"() ({
        %run_scoped3A = tpu.sem_alloc : memref<!tpu.dma_semaphore, #tpu.memory_space<semaphore_mem>>
        %dma_start3A = tpu.memref_slice %arg3[%mul3A_305] : memref<10240xf32, #tpu.memory_space<hbm>> -> memref<640xf32, #tpu.memory_space<hbm>>
        %dma_start3A_306 = tpu.memref_slice %arg8[%mul3A_303] : memref<10240xf32, #tpu.memory_space<vmem_shared>> -> memref<640xf32, #tpu.memory_space<vmem_shared>>
        tpu.enqueue_dma source(%dma_start3A_306 : memref<640xf32, #tpu.memory_space<vmem_shared>>) target(%dma_start3A : memref<640xf32, #tpu.memory_space<hbm>>) target_semaphore(%run_scoped3A : memref<!tpu.dma_semaphore, #tpu.memory_space<semaphore_mem>>)
        %dma_wait3A = tpu.memref_slice %arg3[%mul3A_305] : memref<10240xf32, #tpu.memory_space<hbm>> -> memref<640xf32, #tpu.memory_space<hbm>>
        %dma_wait3A_307 = tpu.memref_slice %arg8[%mul3A_303] : memref<10240xf32, #tpu.memory_space<vmem_shared>> -> memref<640xf32, #tpu.memory_space<vmem_shared>>
        tpu.wait_dma2 semaphore(%run_scoped3A : memref<!tpu.dma_semaphore, #tpu.memory_space<semaphore_mem>>) src(%dma_wait3A_307 : memref<640xf32, #tpu.memory_space<vmem_shared>>) dst(%dma_wait3A : memref<640xf32, #tpu.memory_space<hbm>>)
        tpu.yield
      }) : () -> ()
    } else {
    }
    %eq3A_297 = arith.constant 1 : i32
    %eq3A_298 = arith.cmpi eq, %arg0, %eq3A_297 : i32
    %convert_element_type3A_299 = arith.extui %eq3A_298 : i1 to i32
    %cond3A_300 = arith.constant 0 : i32
    %cond3A_301 = arith.cmpi ne, %convert_element_type3A_299, %cond3A_300 : i32
    scf.if %cond3A_301 {
      %mul3A_302 = arith.constant 640 : i32
      %mul3A_303 = arith.muli %arg1, %mul3A_302 : i32
      %mul3A_304 = arith.constant 640 : i32
      %mul3A_305 = arith.muli %arg1, %mul3A_304 : i32
      "tpu.region"() ({
        %run_scoped3A = tpu.sem_alloc : memref<!tpu.dma_semaphore, #tpu.memory_space<semaphore_mem>>
        %dma_start3A = tpu.memref_slice %arg4[%mul3A_305] : memref<10240xf32, #tpu.memory_space<hbm>> -> memref<640xf32, #tpu.memory_space<hbm>>
        %dma_start3A_306 = tpu.memref_slice %arg8[%mul3A_303] : memref<10240xf32, #tpu.memory_space<vmem_shared>> -> memref<640xf32, #tpu.memory_space<vmem_shared>>
        tpu.enqueue_dma source(%dma_start3A_306 : memref<640xf32, #tpu.memory_space<vmem_shared>>) target(%dma_start3A : memref<640xf32, #tpu.memory_space<hbm>>) target_semaphore(%run_scoped3A : memref<!tpu.dma_semaphore, #tpu.memory_space<semaphore_mem>>)
        %dma_wait3A = tpu.memref_slice %arg4[%mul3A_305] : memref<10240xf32, #tpu.memory_space<hbm>> -> memref<640xf32, #tpu.memory_space<hbm>>
        %dma_wait3A_307 = tpu.memref_slice %arg8[%mul3A_303] : memref<10240xf32, #tpu.memory_space<vmem_shared>> -> memref<640xf32, #tpu.memory_space<vmem_shared>>
        tpu.wait_dma2 semaphore(%run_scoped3A : memref<!tpu.dma_semaphore, #tpu.memory_space<semaphore_mem>>) src(%dma_wait3A_307 : memref<640xf32, #tpu.memory_space<vmem_shared>>) dst(%dma_wait3A : memref<640xf32, #tpu.memory_space<hbm>>)
        tpu.yield
      }) : () -> ()
    } else {
    }
    return
  }
}

#map = affine_map<(d0, d1) -> (0)>
#map1 = affine_map<(d0, d1) -> (0, 0, 0)>
module attributes {stable_mosaic.version = 14 : i64} {
  func.func @_agg2_body(%arg0: i32, %arg1: i32, %arg2: memref<10240xf32, #tpu.memory_space<hbm>>, %arg3: memref<163840xi32, #tpu.memory_space<hbm>>, %arg4: memref<16x80x128xi32, #tpu.memory_space<hbm>>, %arg5: memref<10240xf32, #tpu.memory_space<hbm>>, %arg6: memref<16xf32, #tpu.memory_space<hbm>>, %arg7: memref<10240xf32, #tpu.memory_space<hbm>>, %arg8: memref<10240xf32, #tpu.memory_space<vmem>>, %arg9: memref<10240xi32, #tpu.memory_space<vmem>>, %arg10: memref<80x128xi32, #tpu.memory_space<vmem>>, %arg11: memref<10240xf32, #tpu.memory_space<vmem>>, %arg12: memref<640xf32, #tpu.memory_space<vmem>>, %arg13: memref<16xf32, #tpu.memory_space<vmem>>, %arg14: memref<640xf32, #tpu.memory_space<vmem>>, %arg15: memref<10240xf32, #tpu.memory_space<vmem_shared>>, %arg16: memref<!tpu.dma_semaphore, #tpu.memory_space<semaphore_mem>>, %arg17: memref<!tpu.dma_semaphore, #tpu.memory_space<semaphore_mem>>) attributes {dimension_semantics = [#tpu.dimension_semantics<core_parallel>, #tpu.dimension_semantics<subcore_parallel>], iteration_bounds = array<i64: 2, 16>, scalar_prefetch = 0 : i64, scratch_operands = 10 : i64, tpu.core_type = #tpu.core_type<sc_vector_subcore>, window_params = [{transform_indices = #map}, {transform_indices = #map}, {transform_indices = #map1}, {transform_indices = #map}, {transform_indices = #map}, {transform_indices = #map}]} {
    %eq3A = arith.constant 0 : i32
    %eq3A_0 = arith.cmpi eq, %arg0, %eq3A : i32
    %convert_element_type3A = arith.extui %eq3A_0 : i1 to i32
    %cond3A = arith.constant 0 : i32
    %cond3A_1 = arith.cmpi ne, %convert_element_type3A, %cond3A : i32
    scf.if %cond3A_1 {
      "tpu.region"() ({
        %run_scoped3A = tpu.sem_alloc : memref<!tpu.dma_semaphore, #tpu.memory_space<semaphore_mem>>
        tpu.enqueue_dma source(%arg2 : memref<10240xf32, #tpu.memory_space<hbm>>) target(%arg8 : memref<10240xf32, #tpu.memory_space<vmem>>) target_semaphore(%run_scoped3A : memref<!tpu.dma_semaphore, #tpu.memory_space<semaphore_mem>>)
        tpu.wait_dma2 semaphore(%run_scoped3A : memref<!tpu.dma_semaphore, #tpu.memory_space<semaphore_mem>>) src(%arg2 : memref<10240xf32, #tpu.memory_space<hbm>>) dst(%arg8 : memref<10240xf32, #tpu.memory_space<vmem>>)
        tpu.yield
      }) : () -> ()
      %mul3A = arith.constant 10240 : i32
      %mul3A_2 = arith.muli %arg1, %mul3A : i32
      "tpu.region"() ({
        %run_scoped3A = tpu.sem_alloc : memref<!tpu.dma_semaphore, #tpu.memory_space<semaphore_mem>>
        %dma_start3A = tpu.memref_slice %arg3[%mul3A_2] : memref<163840xi32, #tpu.memory_space<hbm>> -> memref<10240xi32, #tpu.memory_space<hbm>>
        %dma_start3A_424 = tpu.memref_slice %arg3[%mul3A_2] : memref<163840xi32, #tpu.memory_space<hbm>> -> memref<10240xi32, #tpu.memory_space<hbm>>
        tpu.enqueue_dma source(%dma_start3A_424 : memref<10240xi32, #tpu.memory_space<hbm>>) target(%arg9 : memref<10240xi32, #tpu.memory_space<vmem>>) target_semaphore(%run_scoped3A : memref<!tpu.dma_semaphore, #tpu.memory_space<semaphore_mem>>)
        %dma_wait3A = tpu.memref_slice %arg3[%mul3A_2] : memref<163840xi32, #tpu.memory_space<hbm>> -> memref<10240xi32, #tpu.memory_space<hbm>>
        %dma_wait3A_425 = tpu.memref_slice %arg3[%mul3A_2] : memref<163840xi32, #tpu.memory_space<hbm>> -> memref<10240xi32, #tpu.memory_space<hbm>>
        tpu.wait_dma2 semaphore(%run_scoped3A : memref<!tpu.dma_semaphore, #tpu.memory_space<semaphore_mem>>) src(%dma_wait3A_425 : memref<10240xi32, #tpu.memory_space<hbm>>) dst(%arg9 : memref<10240xi32, #tpu.memory_space<vmem>>)
        tpu.yield
      }) : () -> ()
      "tpu.region"() ({
        %run_scoped3A = tpu.sem_alloc : memref<!tpu.dma_semaphore, #tpu.memory_space<semaphore_mem>>
        %dma_start3A = arith.constant 0 : i32
        %dma_start3A_424 = arith.constant 0 : i32
        %dma_start3A_425 = tpu.memref_slice %arg4[%arg1, %dma_start3A, %dma_start3A_424] : memref<16x80x128xi32, #tpu.memory_space<hbm>> -> memref<1x80x128xi32, #tpu.memory_space<hbm>>
        %dma_start3A_426 = tpu.memref_squeeze %dma_start3A_425 : memref<1x80x128xi32, #tpu.memory_space<hbm>> -> memref<80x128xi32, #tpu.memory_space<hbm>>
        %dma_start3A_427 = arith.constant 0 : i32
        %dma_start3A_428 = arith.constant 0 : i32
        %dma_start3A_429 = tpu.memref_slice %arg4[%arg1, %dma_start3A_427, %dma_start3A_428] : memref<16x80x128xi32, #tpu.memory_space<hbm>> -> memref<1x80x128xi32, #tpu.memory_space<hbm>>
        %dma_start3A_430 = tpu.memref_squeeze %dma_start3A_429 : memref<1x80x128xi32, #tpu.memory_space<hbm>> -> memref<80x128xi32, #tpu.memory_space<hbm>>
        tpu.enqueue_dma source(%dma_start3A_430 : memref<80x128xi32, #tpu.memory_space<hbm>>) target(%arg10 : memref<80x128xi32, #tpu.memory_space<vmem>>) target_semaphore(%run_scoped3A : memref<!tpu.dma_semaphore, #tpu.memory_space<semaphore_mem>>)
        %dma_wait3A = arith.constant 0 : i32
        %dma_wait3A_431 = arith.constant 0 : i32
        %dma_wait3A_432 = tpu.memref_slice %arg4[%arg1, %dma_wait3A, %dma_wait3A_431] : memref<16x80x128xi32, #tpu.memory_space<hbm>> -> memref<1x80x128xi32, #tpu.memory_space<hbm>>
        %dma_wait3A_433 = tpu.memref_squeeze %dma_wait3A_432 : memref<1x80x128xi32, #tpu.memory_space<hbm>> -> memref<80x128xi32, #tpu.memory_space<hbm>>
        %dma_wait3A_434 = arith.constant 0 : i32
        %dma_wait3A_435 = arith.constant 0 : i32
        %dma_wait3A_436 = tpu.memref_slice %arg4[%arg1, %dma_wait3A_434, %dma_wait3A_435] : memref<16x80x128xi32, #tpu.memory_space<hbm>> -> memref<1x80x128xi32, #tpu.memory_space<hbm>>
        %dma_wait3A_437 = tpu.memref_squeeze %dma_wait3A_436 : memref<1x80x128xi32, #tpu.memory_space<hbm>> -> memref<80x128xi32, #tpu.memory_space<hbm>>
        tpu.wait_dma2 semaphore(%run_scoped3A : memref<!tpu.dma_semaphore, #tpu.memory_space<semaphore_mem>>) src(%dma_wait3A_437 : memref<80x128xi32, #tpu.memory_space<hbm>>) dst(%arg10 : memref<80x128xi32, #tpu.memory_space<vmem>>)
        tpu.yield
      }) : () -> ()
      %mul3A_3 = arith.constant 640 : i32
      %mul3A_4 = arith.muli %arg1, %mul3A_3 : i32
      "tpu.region"() ({
        %run_scoped3A = tpu.sem_alloc : memref<!tpu.dma_semaphore, #tpu.memory_space<semaphore_mem>>
        %dma_start3A = tpu.memref_slice %arg5[%mul3A_4] : memref<10240xf32, #tpu.memory_space<hbm>> -> memref<640xf32, #tpu.memory_space<hbm>>
        %dma_start3A_424 = tpu.memref_slice %arg5[%mul3A_4] : memref<10240xf32, #tpu.memory_space<hbm>> -> memref<640xf32, #tpu.memory_space<hbm>>
        tpu.enqueue_dma source(%dma_start3A_424 : memref<640xf32, #tpu.memory_space<hbm>>) target(%arg12 : memref<640xf32, #tpu.memory_space<vmem>>) target_semaphore(%run_scoped3A : memref<!tpu.dma_semaphore, #tpu.memory_space<semaphore_mem>>)
        %dma_wait3A = tpu.memref_slice %arg5[%mul3A_4] : memref<10240xf32, #tpu.memory_space<hbm>> -> memref<640xf32, #tpu.memory_space<hbm>>
        %dma_wait3A_425 = tpu.memref_slice %arg5[%mul3A_4] : memref<10240xf32, #tpu.memory_space<hbm>> -> memref<640xf32, #tpu.memory_space<hbm>>
        tpu.wait_dma2 semaphore(%run_scoped3A : memref<!tpu.dma_semaphore, #tpu.memory_space<semaphore_mem>>) src(%dma_wait3A_425 : memref<640xf32, #tpu.memory_space<hbm>>) dst(%arg12 : memref<640xf32, #tpu.memory_space<vmem>>)
        tpu.yield
      }) : () -> ()
      "tpu.region"() ({
        %run_scoped3A = tpu.sem_alloc : memref<!tpu.dma_semaphore, #tpu.memory_space<semaphore_mem>>
        tpu.enqueue_dma source(%arg6 : memref<16xf32, #tpu.memory_space<hbm>>) target(%arg13 : memref<16xf32, #tpu.memory_space<vmem>>) target_semaphore(%run_scoped3A : memref<!tpu.dma_semaphore, #tpu.memory_space<semaphore_mem>>)
        tpu.wait_dma2 semaphore(%run_scoped3A : memref<!tpu.dma_semaphore, #tpu.memory_space<semaphore_mem>>) src(%arg6 : memref<16xf32, #tpu.memory_space<hbm>>) dst(%arg13 : memref<16xf32, #tpu.memory_space<vmem>>)
        tpu.yield
      }) : () -> ()
      %mul3A_5 = arith.constant 640 : i32
      %mul3A_6 = arith.muli %arg1, %mul3A_5 : i32
      %mul3A_7 = arith.constant 640 : i32
      %mul3A_8 = arith.muli %arg1, %mul3A_7 : i32
      "tpu.region"() ({
        %run_scoped3A = tpu.sem_alloc : memref<!tpu.dma_semaphore, #tpu.memory_space<semaphore_mem>>
        %dma_start3A = tpu.memref_slice %arg15[%mul3A_8] : memref<10240xf32, #tpu.memory_space<vmem_shared>> -> memref<640xf32, #tpu.memory_space<vmem_shared>>
        %dma_start3A_424 = tpu.memref_slice %arg2[%mul3A_6] : memref<10240xf32, #tpu.memory_space<hbm>> -> memref<640xf32, #tpu.memory_space<hbm>>
        tpu.enqueue_dma source(%dma_start3A_424 : memref<640xf32, #tpu.memory_space<hbm>>) target(%dma_start3A : memref<640xf32, #tpu.memory_space<vmem_shared>>) target_semaphore(%run_scoped3A : memref<!tpu.dma_semaphore, #tpu.memory_space<semaphore_mem>>)
        %dma_wait3A = tpu.memref_slice %arg15[%mul3A_8] : memref<10240xf32, #tpu.memory_space<vmem_shared>> -> memref<640xf32, #tpu.memory_space<vmem_shared>>
        %dma_wait3A_425 = tpu.memref_slice %arg2[%mul3A_6] : memref<10240xf32, #tpu.memory_space<hbm>> -> memref<640xf32, #tpu.memory_space<hbm>>
        tpu.wait_dma2 semaphore(%run_scoped3A : memref<!tpu.dma_semaphore, #tpu.memory_space<semaphore_mem>>) src(%dma_wait3A_425 : memref<640xf32, #tpu.memory_space<hbm>>) dst(%dma_wait3A : memref<640xf32, #tpu.memory_space<vmem_shared>>)
        tpu.yield
      }) : () -> ()
      %barrier3A = arith.constant 0 : index
      tpu.barrier barrier_id(%barrier3A)
      %scan3A = arith.constant 0 : i32
      %scan3A_9 = arith.constant 0 : i32
      %scan3A_10 = arith.constant 640 : i32
      %scan3A_11 = arith.addi %scan3A_9, %scan3A_10 : i32
      %scan3A_12 = arith.constant 1 : i32
      scf.for %scan3A_424 = %scan3A_9 to %scan3A_11 step %scan3A_12  : i32 {
        %mul3A_425 = arith.constant 16 : i32
        %mul3A_426 = arith.muli %scan3A_424, %mul3A_425 : i32
        %get3A_427 = arith.index_cast %mul3A_426 : i32 to index
        %get3A_428 = tpu.vector_load %arg9[%get3A_427] {strides = array<i32>} : memref<10240xi32, #tpu.memory_space<vmem>>, vector<16xi32>,
        %gather3A = tpu.vector_load_idx %arg8[%get3A_428] : memref<10240xf32, #tpu.memory_space<vmem>>[vector<16xi32>], vector<16xf32>,
        %mul3A_429 = arith.constant 16 : i32
        %mul3A_430 = arith.muli %scan3A_424, %mul3A_429 : i32
        %swap3A_431 = arith.index_cast %mul3A_430 : i32 to index
        %swap3A_432 = tpu.vector_load %arg11[%swap3A_431] {strides = array<i32>} : memref<10240xf32, #tpu.memory_space<vmem>>, vector<16xf32>,
        tpu.vector_store %arg11[%swap3A_431], %gather3A {strides = array<i32>} : memref<10240xf32, #tpu.memory_space<vmem>>, vector<16xf32>,
      }
      %scan3A_13 = arith.constant 640 : i32
      %scan3A_14 = arith.constant 0 : i32
      %scan3A_15 = arith.constant 0 : i32
      %scan3A_16 = arith.constant 40 : i32
      %scan3A_17 = arith.addi %scan3A_15, %scan3A_16 : i32
      %scan3A_18 = arith.constant 1 : i32
      scf.for %scan3A_424 = %scan3A_15 to %scan3A_17 step %scan3A_18  : i32 {
        %mul3A_425 = arith.constant 2 : i32
        %mul3A_426 = arith.muli %scan3A_424, %mul3A_425 : i32
        %mul3A_427 = arith.constant 128 : i32
        %mul3A_428 = arith.muli %mul3A_426, %mul3A_427 : i32
        %dma_start3A = tpu.memref_slice %arg11[%mul3A_428] : memref<10240xf32, #tpu.memory_space<vmem>> -> memref<128xf32, #tpu.memory_space<vmem>>
        %dma_start3A_429 = arith.constant 0 : i32
        %dma_start3A_430 = tpu.memref_slice %arg10[%mul3A_426, %dma_start3A_429] : memref<80x128xi32, #tpu.memory_space<vmem>> -> memref<1x128xi32, #tpu.memory_space<vmem>>
        %dma_start3A_431 = tpu.memref_squeeze %dma_start3A_430 : memref<1x128xi32, #tpu.memory_space<vmem>> -> memref<128xi32, #tpu.memory_space<vmem>>
        %dma_start3A_432 = arith.constant 0 : i32
        %dma_start3A_433 = tpu.memref_slice %arg15[%dma_start3A_432] : memref<10240xf32, #tpu.memory_space<vmem_shared>> -> memref<10240xf32, #tpu.memory_space<vmem_shared>>
        tpu.enqueue_indirect_dma source(%dma_start3A : memref<128xf32, #tpu.memory_space<vmem>>) target(%dma_start3A_433 : memref<10240xf32, #tpu.memory_space<vmem_shared>>) offsets(%dma_start3A_431 : memref<128xi32, #tpu.memory_space<vmem>>) semaphore(%arg16 : memref<!tpu.dma_semaphore, #tpu.memory_space<semaphore_mem>>) {add = true}
        %mul3A_434 = arith.constant 128 : i32
        %mul3A_435 = arith.muli %mul3A_426, %mul3A_434 : i32
        %add3A_436 = arith.constant 128 : i32
        %add3A_437 = arith.addi %mul3A_435, %add3A_436 : i32
        %add3A_438 = arith.constant 1 : i32
        %add3A_439 = arith.addi %mul3A_426, %add3A_438 : i32
        %dma_start3A_440 = tpu.memref_slice %arg11[%add3A_437] : memref<10240xf32, #tpu.memory_space<vmem>> -> memref<128xf32, #tpu.memory_space<vmem>>
        %dma_start3A_441 = arith.constant 0 : i32
        %dma_start3A_442 = tpu.memref_slice %arg10[%add3A_439, %dma_start3A_441] : memref<80x128xi32, #tpu.memory_space<vmem>> -> memref<1x128xi32, #tpu.memory_space<vmem>>
        %dma_start3A_443 = tpu.memref_squeeze %dma_start3A_442 : memref<1x128xi32, #tpu.memory_space<vmem>> -> memref<128xi32, #tpu.memory_space<vmem>>
        %dma_start3A_444 = arith.constant 0 : i32
        %dma_start3A_445 = tpu.memref_slice %arg15[%dma_start3A_444] : memref<10240xf32, #tpu.memory_space<vmem_shared>> -> memref<10240xf32, #tpu.memory_space<vmem_shared>>
        tpu.enqueue_indirect_dma source(%dma_start3A_440 : memref<128xf32, #tpu.memory_space<vmem>>) target(%dma_start3A_445 : memref<10240xf32, #tpu.memory_space<vmem_shared>>) offsets(%dma_start3A_443 : memref<128xi32, #tpu.memory_space<vmem>>) semaphore(%arg17 : memref<!tpu.dma_semaphore, #tpu.memory_space<semaphore_mem>>) {add = true}
        %dma_wait3A = tpu.memref_slice %arg11[%mul3A_428] : memref<10240xf32, #tpu.memory_space<vmem>> -> memref<128xf32, #tpu.memory_space<vmem>>
        %dma_wait3A_446 = arith.constant 0 : i32
        %dma_wait3A_447 = tpu.memref_slice %arg10[%mul3A_426, %dma_wait3A_446] : memref<80x128xi32, #tpu.memory_space<vmem>> -> memref<1x128xi32, #tpu.memory_space<vmem>>
        %dma_wait3A_448 = tpu.memref_squeeze %dma_wait3A_447 : memref<1x128xi32, #tpu.memory_space<vmem>> -> memref<128xi32, #tpu.memory_space<vmem>>
        %dma_wait3A_449 = arith.constant 0 : i32
        %dma_wait3A_450 = tpu.memref_slice %arg15[%dma_wait3A_449] : memref<10240xf32, #tpu.memory_space<vmem_shared>> -> memref<10240xf32, #tpu.memory_space<vmem_shared>>
        tpu.wait_indirect_dma semaphore(%arg16 : memref<!tpu.dma_semaphore, #tpu.memory_space<semaphore_mem>>) src(%dma_wait3A : memref<128xf32, #tpu.memory_space<vmem>>) dst(%dma_wait3A_450 : memref<10240xf32, #tpu.memory_space<vmem_shared>>)
        %dma_wait3A_451 = tpu.memref_slice %arg11[%add3A_437] : memref<10240xf32, #tpu.memory_space<vmem>> -> memref<128xf32, #tpu.memory_space<vmem>>
        %dma_wait3A_452 = arith.constant 0 : i32
        %dma_wait3A_453 = tpu.memref_slice %arg10[%add3A_439, %dma_wait3A_452] : memref<80x128xi32, #tpu.memory_space<vmem>> -> memref<1x128xi32, #tpu.memory_space<vmem>>
        %dma_wait3A_454 = tpu.memref_squeeze %dma_wait3A_453 : memref<1x128xi32, #tpu.memory_space<vmem>> -> memref<128xi32, #tpu.memory_space<vmem>>
        %dma_wait3A_455 = arith.constant 0 : i32
        %dma_wait3A_456 = tpu.memref_slice %arg15[%dma_wait3A_455] : memref<10240xf32, #tpu.memory_space<vmem_shared>> -> memref<10240xf32, #tpu.memory_space<vmem_shared>>
        tpu.wait_indirect_dma semaphore(%arg17 : memref<!tpu.dma_semaphore, #tpu.memory_space<semaphore_mem>>) src(%dma_wait3A_451 : memref<128xf32, #tpu.memory_space<vmem>>) dst(%dma_wait3A_456 : memref<10240xf32, #tpu.memory_space<vmem_shared>>)
      }
      %scan3A_19 = arith.constant 40 : i32
      %barrier3A_20 = arith.constant 0 : index
      tpu.barrier barrier_id(%barrier3A_20)
      %mul3A_21 = arith.constant 640 : i32
      %mul3A_22 = arith.muli %arg1, %mul3A_21 : i32
      "tpu.region"() ({
        %run_scoped3A = tpu.sem_alloc : memref<!tpu.dma_semaphore, #tpu.memory_space<semaphore_mem>>
        %dma_start3A = tpu.memref_slice %arg15[%mul3A_22] : memref<10240xf32, #tpu.memory_space<vmem_shared>> -> memref<640xf32, #tpu.memory_space<vmem_shared>>
        %dma_start3A_424 = tpu.memref_slice %arg15[%mul3A_22] : memref<10240xf32, #tpu.memory_space<vmem_shared>> -> memref<640xf32, #tpu.memory_space<vmem_shared>>
        tpu.enqueue_dma source(%dma_start3A_424 : memref<640xf32, #tpu.memory_space<vmem_shared>>) target(%arg14 : memref<640xf32, #tpu.memory_space<vmem>>) target_semaphore(%run_scoped3A : memref<!tpu.dma_semaphore, #tpu.memory_space<semaphore_mem>>)
        %dma_wait3A = tpu.memref_slice %arg15[%mul3A_22] : memref<10240xf32, #tpu.memory_space<vmem_shared>> -> memref<640xf32, #tpu.memory_space<vmem_shared>>
        %dma_wait3A_425 = tpu.memref_slice %arg15[%mul3A_22] : memref<10240xf32, #tpu.memory_space<vmem_shared>> -> memref<640xf32, #tpu.memory_space<vmem_shared>>
        tpu.wait_dma2 semaphore(%run_scoped3A : memref<!tpu.dma_semaphore, #tpu.memory_space<semaphore_mem>>) src(%dma_wait3A_425 : memref<640xf32, #tpu.memory_space<vmem_shared>>) dst(%arg14 : memref<640xf32, #tpu.memory_space<vmem>>)
        tpu.yield
      }) : () -> ()
      %get3A = arith.constant 0 : index
      %get3A_23 = tpu.vector_load %arg13[%get3A] {strides = array<i32>} : memref<16xf32, #tpu.memory_space<vmem>>, vector<16xf32>,
      %get3A_24 = arith.constant 0 : index
      %get3A_25 = tpu.vector_load %arg12[%get3A_24] {strides = array<i32>} : memref<640xf32, #tpu.memory_space<vmem>>, vector<16xf32>,
      %get3A_26 = arith.constant 0 : index
      %get3A_27 = tpu.vector_load %arg14[%get3A_26] {strides = array<i32>} : memref<640xf32, #tpu.memory_space<vmem>>, vector<16xf32>,
      %mul3A_28 = arith.mulf %get3A_25, %get3A_27 : vector<16xf32>
      %add3A = arith.addf %mul3A_28, %get3A_23 : vector<16xf32>
      %swap3A = arith.constant 0 : index
      %swap3A_29 = tpu.vector_load %arg14[%swap3A] {strides = array<i32>} : memref<640xf32, #tpu.memory_space<vmem>>, vector<16xf32>,
      %swap3A_30 = vector.shape_cast %swap3A_29 : vector<16xf32> to vector<16xf32>
      %swap3A_31 = vector.shape_cast %add3A : vector<16xf32> to vector<16xf32>
      tpu.vector_store %arg14[%swap3A], %swap3A_31 {strides = array<i32>} : memref<640xf32, #tpu.memory_space<vmem>>, vector<16xf32>,
      %get3A_32 = arith.constant 16 : index
      %get3A_33 = tpu.vector_load %arg12[%get3A_32] {strides = array<i32>} : memref<640xf32, #tpu.memory_space<vmem>>, vector<16xf32>,
      %get3A_34 = arith.constant 16 : index
      %get3A_35 = tpu.vector_load %arg14[%get3A_34] {strides = array<i32>} : memref<640xf32, #tpu.memory_space<vmem>>, vector<16xf32>,
      %mul3A_36 = arith.mulf %get3A_33, %get3A_35 : vector<16xf32>
      %add3A_37 = arith.addf %mul3A_36, %get3A_23 : vector<16xf32>
      %swap3A_38 = arith.constant 16 : index
      %swap3A_39 = tpu.vector_load %arg14[%swap3A_38] {strides = array<i32>} : memref<640xf32, #tpu.memory_space<vmem>>, vector<16xf32>,
      %swap3A_40 = vector.shape_cast %swap3A_39 : vector<16xf32> to vector<16xf32>
      %swap3A_41 = vector.shape_cast %add3A_37 : vector<16xf32> to vector<16xf32>
      tpu.vector_store %arg14[%swap3A_38], %swap3A_41 {strides = array<i32>} : memref<640xf32, #tpu.memory_space<vmem>>, vector<16xf32>,
      %get3A_42 = arith.constant 32 : index
      %get3A_43 = tpu.vector_load %arg12[%get3A_42] {strides = array<i32>} : memref<640xf32, #tpu.memory_space<vmem>>, vector<16xf32>,
      %get3A_44 = arith.constant 32 : index
      %get3A_45 = tpu.vector_load %arg14[%get3A_44] {strides = array<i32>} : memref<640xf32, #tpu.memory_space<vmem>>, vector<16xf32>,
      %mul3A_46 = arith.mulf %get3A_43, %get3A_45 : vector<16xf32>
      %add3A_47 = arith.addf %mul3A_46, %get3A_23 : vector<16xf32>
      %swap3A_48 = arith.constant 32 : index
      %swap3A_49 = tpu.vector_load %arg14[%swap3A_48] {strides = array<i32>} : memref<640xf32, #tpu.memory_space<vmem>>, vector<16xf32>,
      %swap3A_50 = vector.shape_cast %swap3A_49 : vector<16xf32> to vector<16xf32>
      %swap3A_51 = vector.shape_cast %add3A_47 : vector<16xf32> to vector<16xf32>
      tpu.vector_store %arg14[%swap3A_48], %swap3A_51 {strides = array<i32>} : memref<640xf32, #tpu.memory_space<vmem>>, vector<16xf32>,
      %get3A_52 = arith.constant 48 : index
      %get3A_53 = tpu.vector_load %arg12[%get3A_52] {strides = array<i32>} : memref<640xf32, #tpu.memory_space<vmem>>, vector<16xf32>,
      %get3A_54 = arith.constant 48 : index
      %get3A_55 = tpu.vector_load %arg14[%get3A_54] {strides = array<i32>} : memref<640xf32, #tpu.memory_space<vmem>>, vector<16xf32>,
      %mul3A_56 = arith.mulf %get3A_53, %get3A_55 : vector<16xf32>
      %add3A_57 = arith.addf %mul3A_56, %get3A_23 : vector<16xf32>
      %swap3A_58 = arith.constant 48 : index
      %swap3A_59 = tpu.vector_load %arg14[%swap3A_58] {strides = array<i32>} : memref<640xf32, #tpu.memory_space<vmem>>, vector<16xf32>,
      %swap3A_60 = vector.shape_cast %swap3A_59 : vector<16xf32> to vector<16xf32>
      %swap3A_61 = vector.shape_cast %add3A_57 : vector<16xf32> to vector<16xf32>
      tpu.vector_store %arg14[%swap3A_58], %swap3A_61 {strides = array<i32>} : memref<640xf32, #tpu.memory_space<vmem>>, vector<16xf32>,
      %get3A_62 = arith.constant 64 : index
      %get3A_63 = tpu.vector_load %arg12[%get3A_62] {strides = array<i32>} : memref<640xf32, #tpu.memory_space<vmem>>, vector<16xf32>,
      %get3A_64 = arith.constant 64 : index
      %get3A_65 = tpu.vector_load %arg14[%get3A_64] {strides = array<i32>} : memref<640xf32, #tpu.memory_space<vmem>>, vector<16xf32>,
      %mul3A_66 = arith.mulf %get3A_63, %get3A_65 : vector<16xf32>
      %add3A_67 = arith.addf %mul3A_66, %get3A_23 : vector<16xf32>
      %swap3A_68 = arith.constant 64 : index
      %swap3A_69 = tpu.vector_load %arg14[%swap3A_68] {strides = array<i32>} : memref<640xf32, #tpu.memory_space<vmem>>, vector<16xf32>,
      %swap3A_70 = vector.shape_cast %swap3A_69 : vector<16xf32> to vector<16xf32>
      %swap3A_71 = vector.shape_cast %add3A_67 : vector<16xf32> to vector<16xf32>
      tpu.vector_store %arg14[%swap3A_68], %swap3A_71 {strides = array<i32>} : memref<640xf32, #tpu.memory_space<vmem>>, vector<16xf32>,
      %get3A_72 = arith.constant 80 : index
      %get3A_73 = tpu.vector_load %arg12[%get3A_72] {strides = array<i32>} : memref<640xf32, #tpu.memory_space<vmem>>, vector<16xf32>,
      %get3A_74 = arith.constant 80 : index
      %get3A_75 = tpu.vector_load %arg14[%get3A_74] {strides = array<i32>} : memref<640xf32, #tpu.memory_space<vmem>>, vector<16xf32>,
      %mul3A_76 = arith.mulf %get3A_73, %get3A_75 : vector<16xf32>
      %add3A_77 = arith.addf %mul3A_76, %get3A_23 : vector<16xf32>
      %swap3A_78 = arith.constant 80 : index
      %swap3A_79 = tpu.vector_load %arg14[%swap3A_78] {strides = array<i32>} : memref<640xf32, #tpu.memory_space<vmem>>, vector<16xf32>,
      %swap3A_80 = vector.shape_cast %swap3A_79 : vector<16xf32> to vector<16xf32>
      %swap3A_81 = vector.shape_cast %add3A_77 : vector<16xf32> to vector<16xf32>
      tpu.vector_store %arg14[%swap3A_78], %swap3A_81 {strides = array<i32>} : memref<640xf32, #tpu.memory_space<vmem>>, vector<16xf32>,
      %get3A_82 = arith.constant 96 : index
      %get3A_83 = tpu.vector_load %arg12[%get3A_82] {strides = array<i32>} : memref<640xf32, #tpu.memory_space<vmem>>, vector<16xf32>,
      %get3A_84 = arith.constant 96 : index
      %get3A_85 = tpu.vector_load %arg14[%get3A_84] {strides = array<i32>} : memref<640xf32, #tpu.memory_space<vmem>>, vector<16xf32>,
      %mul3A_86 = arith.mulf %get3A_83, %get3A_85 : vector<16xf32>
      %add3A_87 = arith.addf %mul3A_86, %get3A_23 : vector<16xf32>
      %swap3A_88 = arith.constant 96 : index
      %swap3A_89 = tpu.vector_load %arg14[%swap3A_88] {strides = array<i32>} : memref<640xf32, #tpu.memory_space<vmem>>, vector<16xf32>,
      %swap3A_90 = vector.shape_cast %swap3A_89 : vector<16xf32> to vector<16xf32>
      %swap3A_91 = vector.shape_cast %add3A_87 : vector<16xf32> to vector<16xf32>
      tpu.vector_store %arg14[%swap3A_88], %swap3A_91 {strides = array<i32>} : memref<640xf32, #tpu.memory_space<vmem>>, vector<16xf32>,
      %get3A_92 = arith.constant 112 : index
      %get3A_93 = tpu.vector_load %arg12[%get3A_92] {strides = array<i32>} : memref<640xf32, #tpu.memory_space<vmem>>, vector<16xf32>,
      %get3A_94 = arith.constant 112 : index
      %get3A_95 = tpu.vector_load %arg14[%get3A_94] {strides = array<i32>} : memref<640xf32, #tpu.memory_space<vmem>>, vector<16xf32>,
      %mul3A_96 = arith.mulf %get3A_93, %get3A_95 : vector<16xf32>
      %add3A_97 = arith.addf %mul3A_96, %get3A_23 : vector<16xf32>
      %swap3A_98 = arith.constant 112 : index
      %swap3A_99 = tpu.vector_load %arg14[%swap3A_98] {strides = array<i32>} : memref<640xf32, #tpu.memory_space<vmem>>, vector<16xf32>,
      %swap3A_100 = vector.shape_cast %swap3A_99 : vector<16xf32> to vector<16xf32>
      %swap3A_101 = vector.shape_cast %add3A_97 : vector<16xf32> to vector<16xf32>
      tpu.vector_store %arg14[%swap3A_98], %swap3A_101 {strides = array<i32>} : memref<640xf32, #tpu.memory_space<vmem>>, vector<16xf32>,
      %get3A_102 = arith.constant 128 : index
      %get3A_103 = tpu.vector_load %arg12[%get3A_102] {strides = array<i32>} : memref<640xf32, #tpu.memory_space<vmem>>, vector<16xf32>,
      %get3A_104 = arith.constant 128 : index
      %get3A_105 = tpu.vector_load %arg14[%get3A_104] {strides = array<i32>} : memref<640xf32, #tpu.memory_space<vmem>>, vector<16xf32>,
      %mul3A_106 = arith.mulf %get3A_103, %get3A_105 : vector<16xf32>
      %add3A_107 = arith.addf %mul3A_106, %get3A_23 : vector<16xf32>
      %swap3A_108 = arith.constant 128 : index
      %swap3A_109 = tpu.vector_load %arg14[%swap3A_108] {strides = array<i32>} : memref<640xf32, #tpu.memory_space<vmem>>, vector<16xf32>,
      %swap3A_110 = vector.shape_cast %swap3A_109 : vector<16xf32> to vector<16xf32>
      %swap3A_111 = vector.shape_cast %add3A_107 : vector<16xf32> to vector<16xf32>
      tpu.vector_store %arg14[%swap3A_108], %swap3A_111 {strides = array<i32>} : memref<640xf32, #tpu.memory_space<vmem>>, vector<16xf32>,
      %get3A_112 = arith.constant 144 : index
      %get3A_113 = tpu.vector_load %arg12[%get3A_112] {strides = array<i32>} : memref<640xf32, #tpu.memory_space<vmem>>, vector<16xf32>,
      %get3A_114 = arith.constant 144 : index
      %get3A_115 = tpu.vector_load %arg14[%get3A_114] {strides = array<i32>} : memref<640xf32, #tpu.memory_space<vmem>>, vector<16xf32>,
      %mul3A_116 = arith.mulf %get3A_113, %get3A_115 : vector<16xf32>
      %add3A_117 = arith.addf %mul3A_116, %get3A_23 : vector<16xf32>
      %swap3A_118 = arith.constant 144 : index
      %swap3A_119 = tpu.vector_load %arg14[%swap3A_118] {strides = array<i32>} : memref<640xf32, #tpu.memory_space<vmem>>, vector<16xf32>,
      %swap3A_120 = vector.shape_cast %swap3A_119 : vector<16xf32> to vector<16xf32>
      %swap3A_121 = vector.shape_cast %add3A_117 : vector<16xf32> to vector<16xf32>
      tpu.vector_store %arg14[%swap3A_118], %swap3A_121 {strides = array<i32>} : memref<640xf32, #tpu.memory_space<vmem>>, vector<16xf32>,
      %get3A_122 = arith.constant 160 : index
      %get3A_123 = tpu.vector_load %arg12[%get3A_122] {strides = array<i32>} : memref<640xf32, #tpu.memory_space<vmem>>, vector<16xf32>,
      %get3A_124 = arith.constant 160 : index
      %get3A_125 = tpu.vector_load %arg14[%get3A_124] {strides = array<i32>} : memref<640xf32, #tpu.memory_space<vmem>>, vector<16xf32>,
      %mul3A_126 = arith.mulf %get3A_123, %get3A_125 : vector<16xf32>
      %add3A_127 = arith.addf %mul3A_126, %get3A_23 : vector<16xf32>
      %swap3A_128 = arith.constant 160 : index
      %swap3A_129 = tpu.vector_load %arg14[%swap3A_128] {strides = array<i32>} : memref<640xf32, #tpu.memory_space<vmem>>, vector<16xf32>,
      %swap3A_130 = vector.shape_cast %swap3A_129 : vector<16xf32> to vector<16xf32>
      %swap3A_131 = vector.shape_cast %add3A_127 : vector<16xf32> to vector<16xf32>
      tpu.vector_store %arg14[%swap3A_128], %swap3A_131 {strides = array<i32>} : memref<640xf32, #tpu.memory_space<vmem>>, vector<16xf32>,
      %get3A_132 = arith.constant 176 : index
      %get3A_133 = tpu.vector_load %arg12[%get3A_132] {strides = array<i32>} : memref<640xf32, #tpu.memory_space<vmem>>, vector<16xf32>,
      %get3A_134 = arith.constant 176 : index
      %get3A_135 = tpu.vector_load %arg14[%get3A_134] {strides = array<i32>} : memref<640xf32, #tpu.memory_space<vmem>>, vector<16xf32>,
      %mul3A_136 = arith.mulf %get3A_133, %get3A_135 : vector<16xf32>
      %add3A_137 = arith.addf %mul3A_136, %get3A_23 : vector<16xf32>
      %swap3A_138 = arith.constant 176 : index
      %swap3A_139 = tpu.vector_load %arg14[%swap3A_138] {strides = array<i32>} : memref<640xf32, #tpu.memory_space<vmem>>, vector<16xf32>,
      %swap3A_140 = vector.shape_cast %swap3A_139 : vector<16xf32> to vector<16xf32>
      %swap3A_141 = vector.shape_cast %add3A_137 : vector<16xf32> to vector<16xf32>
      tpu.vector_store %arg14[%swap3A_138], %swap3A_141 {strides = array<i32>} : memref<640xf32, #tpu.memory_space<vmem>>, vector<16xf32>,
      %get3A_142 = arith.constant 192 : index
      %get3A_143 = tpu.vector_load %arg12[%get3A_142] {strides = array<i32>} : memref<640xf32, #tpu.memory_space<vmem>>, vector<16xf32>,
      %get3A_144 = arith.constant 192 : index
      %get3A_145 = tpu.vector_load %arg14[%get3A_144] {strides = array<i32>} : memref<640xf32, #tpu.memory_space<vmem>>, vector<16xf32>,
      %mul3A_146 = arith.mulf %get3A_143, %get3A_145 : vector<16xf32>
      %add3A_147 = arith.addf %mul3A_146, %get3A_23 : vector<16xf32>
      %swap3A_148 = arith.constant 192 : index
      %swap3A_149 = tpu.vector_load %arg14[%swap3A_148] {strides = array<i32>} : memref<640xf32, #tpu.memory_space<vmem>>, vector<16xf32>,
      %swap3A_150 = vector.shape_cast %swap3A_149 : vector<16xf32> to vector<16xf32>
      %swap3A_151 = vector.shape_cast %add3A_147 : vector<16xf32> to vector<16xf32>
      tpu.vector_store %arg14[%swap3A_148], %swap3A_151 {strides = array<i32>} : memref<640xf32, #tpu.memory_space<vmem>>, vector<16xf32>,
      %get3A_152 = arith.constant 208 : index
      %get3A_153 = tpu.vector_load %arg12[%get3A_152] {strides = array<i32>} : memref<640xf32, #tpu.memory_space<vmem>>, vector<16xf32>,
      %get3A_154 = arith.constant 208 : index
      %get3A_155 = tpu.vector_load %arg14[%get3A_154] {strides = array<i32>} : memref<640xf32, #tpu.memory_space<vmem>>, vector<16xf32>,
      %mul3A_156 = arith.mulf %get3A_153, %get3A_155 : vector<16xf32>
      %add3A_157 = arith.addf %mul3A_156, %get3A_23 : vector<16xf32>
      %swap3A_158 = arith.constant 208 : index
      %swap3A_159 = tpu.vector_load %arg14[%swap3A_158] {strides = array<i32>} : memref<640xf32, #tpu.memory_space<vmem>>, vector<16xf32>,
      %swap3A_160 = vector.shape_cast %swap3A_159 : vector<16xf32> to vector<16xf32>
      %swap3A_161 = vector.shape_cast %add3A_157 : vector<16xf32> to vector<16xf32>
      tpu.vector_store %arg14[%swap3A_158], %swap3A_161 {strides = array<i32>} : memref<640xf32, #tpu.memory_space<vmem>>, vector<16xf32>,
      %get3A_162 = arith.constant 224 : index
      %get3A_163 = tpu.vector_load %arg12[%get3A_162] {strides = array<i32>} : memref<640xf32, #tpu.memory_space<vmem>>, vector<16xf32>,
      %get3A_164 = arith.constant 224 : index
      %get3A_165 = tpu.vector_load %arg14[%get3A_164] {strides = array<i32>} : memref<640xf32, #tpu.memory_space<vmem>>, vector<16xf32>,
      %mul3A_166 = arith.mulf %get3A_163, %get3A_165 : vector<16xf32>
      %add3A_167 = arith.addf %mul3A_166, %get3A_23 : vector<16xf32>
      %swap3A_168 = arith.constant 224 : index
      %swap3A_169 = tpu.vector_load %arg14[%swap3A_168] {strides = array<i32>} : memref<640xf32, #tpu.memory_space<vmem>>, vector<16xf32>,
      %swap3A_170 = vector.shape_cast %swap3A_169 : vector<16xf32> to vector<16xf32>
      %swap3A_171 = vector.shape_cast %add3A_167 : vector<16xf32> to vector<16xf32>
      tpu.vector_store %arg14[%swap3A_168], %swap3A_171 {strides = array<i32>} : memref<640xf32, #tpu.memory_space<vmem>>, vector<16xf32>,
      %get3A_172 = arith.constant 240 : index
      %get3A_173 = tpu.vector_load %arg12[%get3A_172] {strides = array<i32>} : memref<640xf32, #tpu.memory_space<vmem>>, vector<16xf32>,
      %get3A_174 = arith.constant 240 : index
      %get3A_175 = tpu.vector_load %arg14[%get3A_174] {strides = array<i32>} : memref<640xf32, #tpu.memory_space<vmem>>, vector<16xf32>,
      %mul3A_176 = arith.mulf %get3A_173, %get3A_175 : vector<16xf32>
      %add3A_177 = arith.addf %mul3A_176, %get3A_23 : vector<16xf32>
      %swap3A_178 = arith.constant 240 : index
      %swap3A_179 = tpu.vector_load %arg14[%swap3A_178] {strides = array<i32>} : memref<640xf32, #tpu.memory_space<vmem>>, vector<16xf32>,
      %swap3A_180 = vector.shape_cast %swap3A_179 : vector<16xf32> to vector<16xf32>
      %swap3A_181 = vector.shape_cast %add3A_177 : vector<16xf32> to vector<16xf32>
      tpu.vector_store %arg14[%swap3A_178], %swap3A_181 {strides = array<i32>} : memref<640xf32, #tpu.memory_space<vmem>>, vector<16xf32>,
      %get3A_182 = arith.constant 256 : index
      %get3A_183 = tpu.vector_load %arg12[%get3A_182] {strides = array<i32>} : memref<640xf32, #tpu.memory_space<vmem>>, vector<16xf32>,
      %get3A_184 = arith.constant 256 : index
      %get3A_185 = tpu.vector_load %arg14[%get3A_184] {strides = array<i32>} : memref<640xf32, #tpu.memory_space<vmem>>, vector<16xf32>,
      %mul3A_186 = arith.mulf %get3A_183, %get3A_185 : vector<16xf32>
      %add3A_187 = arith.addf %mul3A_186, %get3A_23 : vector<16xf32>
      %swap3A_188 = arith.constant 256 : index
      %swap3A_189 = tpu.vector_load %arg14[%swap3A_188] {strides = array<i32>} : memref<640xf32, #tpu.memory_space<vmem>>, vector<16xf32>,
      %swap3A_190 = vector.shape_cast %swap3A_189 : vector<16xf32> to vector<16xf32>
      %swap3A_191 = vector.shape_cast %add3A_187 : vector<16xf32> to vector<16xf32>
      tpu.vector_store %arg14[%swap3A_188], %swap3A_191 {strides = array<i32>} : memref<640xf32, #tpu.memory_space<vmem>>, vector<16xf32>,
      %get3A_192 = arith.constant 272 : index
      %get3A_193 = tpu.vector_load %arg12[%get3A_192] {strides = array<i32>} : memref<640xf32, #tpu.memory_space<vmem>>, vector<16xf32>,
      %get3A_194 = arith.constant 272 : index
      %get3A_195 = tpu.vector_load %arg14[%get3A_194] {strides = array<i32>} : memref<640xf32, #tpu.memory_space<vmem>>, vector<16xf32>,
      %mul3A_196 = arith.mulf %get3A_193, %get3A_195 : vector<16xf32>
      %add3A_197 = arith.addf %mul3A_196, %get3A_23 : vector<16xf32>
      %swap3A_198 = arith.constant 272 : index
      %swap3A_199 = tpu.vector_load %arg14[%swap3A_198] {strides = array<i32>} : memref<640xf32, #tpu.memory_space<vmem>>, vector<16xf32>,
      %swap3A_200 = vector.shape_cast %swap3A_199 : vector<16xf32> to vector<16xf32>
      %swap3A_201 = vector.shape_cast %add3A_197 : vector<16xf32> to vector<16xf32>
      tpu.vector_store %arg14[%swap3A_198], %swap3A_201 {strides = array<i32>} : memref<640xf32, #tpu.memory_space<vmem>>, vector<16xf32>,
      %get3A_202 = arith.constant 288 : index
      %get3A_203 = tpu.vector_load %arg12[%get3A_202] {strides = array<i32>} : memref<640xf32, #tpu.memory_space<vmem>>, vector<16xf32>,
      %get3A_204 = arith.constant 288 : index
      %get3A_205 = tpu.vector_load %arg14[%get3A_204] {strides = array<i32>} : memref<640xf32, #tpu.memory_space<vmem>>, vector<16xf32>,
      %mul3A_206 = arith.mulf %get3A_203, %get3A_205 : vector<16xf32>
      %add3A_207 = arith.addf %mul3A_206, %get3A_23 : vector<16xf32>
      %swap3A_208 = arith.constant 288 : index
      %swap3A_209 = tpu.vector_load %arg14[%swap3A_208] {strides = array<i32>} : memref<640xf32, #tpu.memory_space<vmem>>, vector<16xf32>,
      %swap3A_210 = vector.shape_cast %swap3A_209 : vector<16xf32> to vector<16xf32>
      %swap3A_211 = vector.shape_cast %add3A_207 : vector<16xf32> to vector<16xf32>
      tpu.vector_store %arg14[%swap3A_208], %swap3A_211 {strides = array<i32>} : memref<640xf32, #tpu.memory_space<vmem>>, vector<16xf32>,
      %get3A_212 = arith.constant 304 : index
      %get3A_213 = tpu.vector_load %arg12[%get3A_212] {strides = array<i32>} : memref<640xf32, #tpu.memory_space<vmem>>, vector<16xf32>,
      %get3A_214 = arith.constant 304 : index
      %get3A_215 = tpu.vector_load %arg14[%get3A_214] {strides = array<i32>} : memref<640xf32, #tpu.memory_space<vmem>>, vector<16xf32>,
      %mul3A_216 = arith.mulf %get3A_213, %get3A_215 : vector<16xf32>
      %add3A_217 = arith.addf %mul3A_216, %get3A_23 : vector<16xf32>
      %swap3A_218 = arith.constant 304 : index
      %swap3A_219 = tpu.vector_load %arg14[%swap3A_218] {strides = array<i32>} : memref<640xf32, #tpu.memory_space<vmem>>, vector<16xf32>,
      %swap3A_220 = vector.shape_cast %swap3A_219 : vector<16xf32> to vector<16xf32>
      %swap3A_221 = vector.shape_cast %add3A_217 : vector<16xf32> to vector<16xf32>
      tpu.vector_store %arg14[%swap3A_218], %swap3A_221 {strides = array<i32>} : memref<640xf32, #tpu.memory_space<vmem>>, vector<16xf32>,
      %get3A_222 = arith.constant 320 : index
      %get3A_223 = tpu.vector_load %arg12[%get3A_222] {strides = array<i32>} : memref<640xf32, #tpu.memory_space<vmem>>, vector<16xf32>,
      %get3A_224 = arith.constant 320 : index
      %get3A_225 = tpu.vector_load %arg14[%get3A_224] {strides = array<i32>} : memref<640xf32, #tpu.memory_space<vmem>>, vector<16xf32>,
      %mul3A_226 = arith.mulf %get3A_223, %get3A_225 : vector<16xf32>
      %add3A_227 = arith.addf %mul3A_226, %get3A_23 : vector<16xf32>
      %swap3A_228 = arith.constant 320 : index
      %swap3A_229 = tpu.vector_load %arg14[%swap3A_228] {strides = array<i32>} : memref<640xf32, #tpu.memory_space<vmem>>, vector<16xf32>,
      %swap3A_230 = vector.shape_cast %swap3A_229 : vector<16xf32> to vector<16xf32>
      %swap3A_231 = vector.shape_cast %add3A_227 : vector<16xf32> to vector<16xf32>
      tpu.vector_store %arg14[%swap3A_228], %swap3A_231 {strides = array<i32>} : memref<640xf32, #tpu.memory_space<vmem>>, vector<16xf32>,
      %get3A_232 = arith.constant 336 : index
      %get3A_233 = tpu.vector_load %arg12[%get3A_232] {strides = array<i32>} : memref<640xf32, #tpu.memory_space<vmem>>, vector<16xf32>,
      %get3A_234 = arith.constant 336 : index
      %get3A_235 = tpu.vector_load %arg14[%get3A_234] {strides = array<i32>} : memref<640xf32, #tpu.memory_space<vmem>>, vector<16xf32>,
      %mul3A_236 = arith.mulf %get3A_233, %get3A_235 : vector<16xf32>
      %add3A_237 = arith.addf %mul3A_236, %get3A_23 : vector<16xf32>
      %swap3A_238 = arith.constant 336 : index
      %swap3A_239 = tpu.vector_load %arg14[%swap3A_238] {strides = array<i32>} : memref<640xf32, #tpu.memory_space<vmem>>, vector<16xf32>,
      %swap3A_240 = vector.shape_cast %swap3A_239 : vector<16xf32> to vector<16xf32>
      %swap3A_241 = vector.shape_cast %add3A_237 : vector<16xf32> to vector<16xf32>
      tpu.vector_store %arg14[%swap3A_238], %swap3A_241 {strides = array<i32>} : memref<640xf32, #tpu.memory_space<vmem>>, vector<16xf32>,
      %get3A_242 = arith.constant 352 : index
      %get3A_243 = tpu.vector_load %arg12[%get3A_242] {strides = array<i32>} : memref<640xf32, #tpu.memory_space<vmem>>, vector<16xf32>,
      %get3A_244 = arith.constant 352 : index
      %get3A_245 = tpu.vector_load %arg14[%get3A_244] {strides = array<i32>} : memref<640xf32, #tpu.memory_space<vmem>>, vector<16xf32>,
      %mul3A_246 = arith.mulf %get3A_243, %get3A_245 : vector<16xf32>
      %add3A_247 = arith.addf %mul3A_246, %get3A_23 : vector<16xf32>
      %swap3A_248 = arith.constant 352 : index
      %swap3A_249 = tpu.vector_load %arg14[%swap3A_248] {strides = array<i32>} : memref<640xf32, #tpu.memory_space<vmem>>, vector<16xf32>,
      %swap3A_250 = vector.shape_cast %swap3A_249 : vector<16xf32> to vector<16xf32>
      %swap3A_251 = vector.shape_cast %add3A_247 : vector<16xf32> to vector<16xf32>
      tpu.vector_store %arg14[%swap3A_248], %swap3A_251 {strides = array<i32>} : memref<640xf32, #tpu.memory_space<vmem>>, vector<16xf32>,
      %get3A_252 = arith.constant 368 : index
      %get3A_253 = tpu.vector_load %arg12[%get3A_252] {strides = array<i32>} : memref<640xf32, #tpu.memory_space<vmem>>, vector<16xf32>,
      %get3A_254 = arith.constant 368 : index
      %get3A_255 = tpu.vector_load %arg14[%get3A_254] {strides = array<i32>} : memref<640xf32, #tpu.memory_space<vmem>>, vector<16xf32>,
      %mul3A_256 = arith.mulf %get3A_253, %get3A_255 : vector<16xf32>
      %add3A_257 = arith.addf %mul3A_256, %get3A_23 : vector<16xf32>
      %swap3A_258 = arith.constant 368 : index
      %swap3A_259 = tpu.vector_load %arg14[%swap3A_258] {strides = array<i32>} : memref<640xf32, #tpu.memory_space<vmem>>, vector<16xf32>,
      %swap3A_260 = vector.shape_cast %swap3A_259 : vector<16xf32> to vector<16xf32>
      %swap3A_261 = vector.shape_cast %add3A_257 : vector<16xf32> to vector<16xf32>
      tpu.vector_store %arg14[%swap3A_258], %swap3A_261 {strides = array<i32>} : memref<640xf32, #tpu.memory_space<vmem>>, vector<16xf32>,
      %get3A_262 = arith.constant 384 : index
      %get3A_263 = tpu.vector_load %arg12[%get3A_262] {strides = array<i32>} : memref<640xf32, #tpu.memory_space<vmem>>, vector<16xf32>,
      %get3A_264 = arith.constant 384 : index
      %get3A_265 = tpu.vector_load %arg14[%get3A_264] {strides = array<i32>} : memref<640xf32, #tpu.memory_space<vmem>>, vector<16xf32>,
      %mul3A_266 = arith.mulf %get3A_263, %get3A_265 : vector<16xf32>
      %add3A_267 = arith.addf %mul3A_266, %get3A_23 : vector<16xf32>
      %swap3A_268 = arith.constant 384 : index
      %swap3A_269 = tpu.vector_load %arg14[%swap3A_268] {strides = array<i32>} : memref<640xf32, #tpu.memory_space<vmem>>, vector<16xf32>,
      %swap3A_270 = vector.shape_cast %swap3A_269 : vector<16xf32> to vector<16xf32>
      %swap3A_271 = vector.shape_cast %add3A_267 : vector<16xf32> to vector<16xf32>
      tpu.vector_store %arg14[%swap3A_268], %swap3A_271 {strides = array<i32>} : memref<640xf32, #tpu.memory_space<vmem>>, vector<16xf32>,
      %get3A_272 = arith.constant 400 : index
      %get3A_273 = tpu.vector_load %arg12[%get3A_272] {strides = array<i32>} : memref<640xf32, #tpu.memory_space<vmem>>, vector<16xf32>,
      %get3A_274 = arith.constant 400 : index
      %get3A_275 = tpu.vector_load %arg14[%get3A_274] {strides = array<i32>} : memref<640xf32, #tpu.memory_space<vmem>>, vector<16xf32>,
      %mul3A_276 = arith.mulf %get3A_273, %get3A_275 : vector<16xf32>
      %add3A_277 = arith.addf %mul3A_276, %get3A_23 : vector<16xf32>
      %swap3A_278 = arith.constant 400 : index
      %swap3A_279 = tpu.vector_load %arg14[%swap3A_278] {strides = array<i32>} : memref<640xf32, #tpu.memory_space<vmem>>, vector<16xf32>,
      %swap3A_280 = vector.shape_cast %swap3A_279 : vector<16xf32> to vector<16xf32>
      %swap3A_281 = vector.shape_cast %add3A_277 : vector<16xf32> to vector<16xf32>
      tpu.vector_store %arg14[%swap3A_278], %swap3A_281 {strides = array<i32>} : memref<640xf32, #tpu.memory_space<vmem>>, vector<16xf32>,
      %get3A_282 = arith.constant 416 : index
      %get3A_283 = tpu.vector_load %arg12[%get3A_282] {strides = array<i32>} : memref<640xf32, #tpu.memory_space<vmem>>, vector<16xf32>,
      %get3A_284 = arith.constant 416 : index
      %get3A_285 = tpu.vector_load %arg14[%get3A_284] {strides = array<i32>} : memref<640xf32, #tpu.memory_space<vmem>>, vector<16xf32>,
      %mul3A_286 = arith.mulf %get3A_283, %get3A_285 : vector<16xf32>
      %add3A_287 = arith.addf %mul3A_286, %get3A_23 : vector<16xf32>
      %swap3A_288 = arith.constant 416 : index
      %swap3A_289 = tpu.vector_load %arg14[%swap3A_288] {strides = array<i32>} : memref<640xf32, #tpu.memory_space<vmem>>, vector<16xf32>,
      %swap3A_290 = vector.shape_cast %swap3A_289 : vector<16xf32> to vector<16xf32>
      %swap3A_291 = vector.shape_cast %add3A_287 : vector<16xf32> to vector<16xf32>
      tpu.vector_store %arg14[%swap3A_288], %swap3A_291 {strides = array<i32>} : memref<640xf32, #tpu.memory_space<vmem>>, vector<16xf32>,
      %get3A_292 = arith.constant 432 : index
      %get3A_293 = tpu.vector_load %arg12[%get3A_292] {strides = array<i32>} : memref<640xf32, #tpu.memory_space<vmem>>, vector<16xf32>,
      %get3A_294 = arith.constant 432 : index
      %get3A_295 = tpu.vector_load %arg14[%get3A_294] {strides = array<i32>} : memref<640xf32, #tpu.memory_space<vmem>>, vector<16xf32>,
      %mul3A_296 = arith.mulf %get3A_293, %get3A_295 : vector<16xf32>
      %add3A_297 = arith.addf %mul3A_296, %get3A_23 : vector<16xf32>
      %swap3A_298 = arith.constant 432 : index
      %swap3A_299 = tpu.vector_load %arg14[%swap3A_298] {strides = array<i32>} : memref<640xf32, #tpu.memory_space<vmem>>, vector<16xf32>,
      %swap3A_300 = vector.shape_cast %swap3A_299 : vector<16xf32> to vector<16xf32>
      %swap3A_301 = vector.shape_cast %add3A_297 : vector<16xf32> to vector<16xf32>
      tpu.vector_store %arg14[%swap3A_298], %swap3A_301 {strides = array<i32>} : memref<640xf32, #tpu.memory_space<vmem>>, vector<16xf32>,
      %get3A_302 = arith.constant 448 : index
      %get3A_303 = tpu.vector_load %arg12[%get3A_302] {strides = array<i32>} : memref<640xf32, #tpu.memory_space<vmem>>, vector<16xf32>,
      %get3A_304 = arith.constant 448 : index
      %get3A_305 = tpu.vector_load %arg14[%get3A_304] {strides = array<i32>} : memref<640xf32, #tpu.memory_space<vmem>>, vector<16xf32>,
      %mul3A_306 = arith.mulf %get3A_303, %get3A_305 : vector<16xf32>
      %add3A_307 = arith.addf %mul3A_306, %get3A_23 : vector<16xf32>
      %swap3A_308 = arith.constant 448 : index
      %swap3A_309 = tpu.vector_load %arg14[%swap3A_308] {strides = array<i32>} : memref<640xf32, #tpu.memory_space<vmem>>, vector<16xf32>,
      %swap3A_310 = vector.shape_cast %swap3A_309 : vector<16xf32> to vector<16xf32>
      %swap3A_311 = vector.shape_cast %add3A_307 : vector<16xf32> to vector<16xf32>
      tpu.vector_store %arg14[%swap3A_308], %swap3A_311 {strides = array<i32>} : memref<640xf32, #tpu.memory_space<vmem>>, vector<16xf32>,
      %get3A_312 = arith.constant 464 : index
      %get3A_313 = tpu.vector_load %arg12[%get3A_312] {strides = array<i32>} : memref<640xf32, #tpu.memory_space<vmem>>, vector<16xf32>,
      %get3A_314 = arith.constant 464 : index
      %get3A_315 = tpu.vector_load %arg14[%get3A_314] {strides = array<i32>} : memref<640xf32, #tpu.memory_space<vmem>>, vector<16xf32>,
      %mul3A_316 = arith.mulf %get3A_313, %get3A_315 : vector<16xf32>
      %add3A_317 = arith.addf %mul3A_316, %get3A_23 : vector<16xf32>
      %swap3A_318 = arith.constant 464 : index
      %swap3A_319 = tpu.vector_load %arg14[%swap3A_318] {strides = array<i32>} : memref<640xf32, #tpu.memory_space<vmem>>, vector<16xf32>,
      %swap3A_320 = vector.shape_cast %swap3A_319 : vector<16xf32> to vector<16xf32>
      %swap3A_321 = vector.shape_cast %add3A_317 : vector<16xf32> to vector<16xf32>
      tpu.vector_store %arg14[%swap3A_318], %swap3A_321 {strides = array<i32>} : memref<640xf32, #tpu.memory_space<vmem>>, vector<16xf32>,
      %get3A_322 = arith.constant 480 : index
      %get3A_323 = tpu.vector_load %arg12[%get3A_322] {strides = array<i32>} : memref<640xf32, #tpu.memory_space<vmem>>, vector<16xf32>,
      %get3A_324 = arith.constant 480 : index
      %get3A_325 = tpu.vector_load %arg14[%get3A_324] {strides = array<i32>} : memref<640xf32, #tpu.memory_space<vmem>>, vector<16xf32>,
      %mul3A_326 = arith.mulf %get3A_323, %get3A_325 : vector<16xf32>
      %add3A_327 = arith.addf %mul3A_326, %get3A_23 : vector<16xf32>
      %swap3A_328 = arith.constant 480 : index
      %swap3A_329 = tpu.vector_load %arg14[%swap3A_328] {strides = array<i32>} : memref<640xf32, #tpu.memory_space<vmem>>, vector<16xf32>,
      %swap3A_330 = vector.shape_cast %swap3A_329 : vector<16xf32> to vector<16xf32>
      %swap3A_331 = vector.shape_cast %add3A_327 : vector<16xf32> to vector<16xf32>
      tpu.vector_store %arg14[%swap3A_328], %swap3A_331 {strides = array<i32>} : memref<640xf32, #tpu.memory_space<vmem>>, vector<16xf32>,
      %get3A_332 = arith.constant 496 : index
      %get3A_333 = tpu.vector_load %arg12[%get3A_332] {strides = array<i32>} : memref<640xf32, #tpu.memory_space<vmem>>, vector<16xf32>,
      %get3A_334 = arith.constant 496 : index
      %get3A_335 = tpu.vector_load %arg14[%get3A_334] {strides = array<i32>} : memref<640xf32, #tpu.memory_space<vmem>>, vector<16xf32>,
      %mul3A_336 = arith.mulf %get3A_333, %get3A_335 : vector<16xf32>
      %add3A_337 = arith.addf %mul3A_336, %get3A_23 : vector<16xf32>
      %swap3A_338 = arith.constant 496 : index
      %swap3A_339 = tpu.vector_load %arg14[%swap3A_338] {strides = array<i32>} : memref<640xf32, #tpu.memory_space<vmem>>, vector<16xf32>,
      %swap3A_340 = vector.shape_cast %swap3A_339 : vector<16xf32> to vector<16xf32>
      %swap3A_341 = vector.shape_cast %add3A_337 : vector<16xf32> to vector<16xf32>
      tpu.vector_store %arg14[%swap3A_338], %swap3A_341 {strides = array<i32>} : memref<640xf32, #tpu.memory_space<vmem>>, vector<16xf32>,
      %get3A_342 = arith.constant 512 : index
      %get3A_343 = tpu.vector_load %arg12[%get3A_342] {strides = array<i32>} : memref<640xf32, #tpu.memory_space<vmem>>, vector<16xf32>,
      %get3A_344 = arith.constant 512 : index
      %get3A_345 = tpu.vector_load %arg14[%get3A_344] {strides = array<i32>} : memref<640xf32, #tpu.memory_space<vmem>>, vector<16xf32>,
      %mul3A_346 = arith.mulf %get3A_343, %get3A_345 : vector<16xf32>
      %add3A_347 = arith.addf %mul3A_346, %get3A_23 : vector<16xf32>
      %swap3A_348 = arith.constant 512 : index
      %swap3A_349 = tpu.vector_load %arg14[%swap3A_348] {strides = array<i32>} : memref<640xf32, #tpu.memory_space<vmem>>, vector<16xf32>,
      %swap3A_350 = vector.shape_cast %swap3A_349 : vector<16xf32> to vector<16xf32>
      %swap3A_351 = vector.shape_cast %add3A_347 : vector<16xf32> to vector<16xf32>
      tpu.vector_store %arg14[%swap3A_348], %swap3A_351 {strides = array<i32>} : memref<640xf32, #tpu.memory_space<vmem>>, vector<16xf32>,
      %get3A_352 = arith.constant 528 : index
      %get3A_353 = tpu.vector_load %arg12[%get3A_352] {strides = array<i32>} : memref<640xf32, #tpu.memory_space<vmem>>, vector<16xf32>,
      %get3A_354 = arith.constant 528 : index
      %get3A_355 = tpu.vector_load %arg14[%get3A_354] {strides = array<i32>} : memref<640xf32, #tpu.memory_space<vmem>>, vector<16xf32>,
      %mul3A_356 = arith.mulf %get3A_353, %get3A_355 : vector<16xf32>
      %add3A_357 = arith.addf %mul3A_356, %get3A_23 : vector<16xf32>
      %swap3A_358 = arith.constant 528 : index
      %swap3A_359 = tpu.vector_load %arg14[%swap3A_358] {strides = array<i32>} : memref<640xf32, #tpu.memory_space<vmem>>, vector<16xf32>,
      %swap3A_360 = vector.shape_cast %swap3A_359 : vector<16xf32> to vector<16xf32>
      %swap3A_361 = vector.shape_cast %add3A_357 : vector<16xf32> to vector<16xf32>
      tpu.vector_store %arg14[%swap3A_358], %swap3A_361 {strides = array<i32>} : memref<640xf32, #tpu.memory_space<vmem>>, vector<16xf32>,
      %get3A_362 = arith.constant 544 : index
      %get3A_363 = tpu.vector_load %arg12[%get3A_362] {strides = array<i32>} : memref<640xf32, #tpu.memory_space<vmem>>, vector<16xf32>,
      %get3A_364 = arith.constant 544 : index
      %get3A_365 = tpu.vector_load %arg14[%get3A_364] {strides = array<i32>} : memref<640xf32, #tpu.memory_space<vmem>>, vector<16xf32>,
      %mul3A_366 = arith.mulf %get3A_363, %get3A_365 : vector<16xf32>
      %add3A_367 = arith.addf %mul3A_366, %get3A_23 : vector<16xf32>
      %swap3A_368 = arith.constant 544 : index
      %swap3A_369 = tpu.vector_load %arg14[%swap3A_368] {strides = array<i32>} : memref<640xf32, #tpu.memory_space<vmem>>, vector<16xf32>,
      %swap3A_370 = vector.shape_cast %swap3A_369 : vector<16xf32> to vector<16xf32>
      %swap3A_371 = vector.shape_cast %add3A_367 : vector<16xf32> to vector<16xf32>
      tpu.vector_store %arg14[%swap3A_368], %swap3A_371 {strides = array<i32>} : memref<640xf32, #tpu.memory_space<vmem>>, vector<16xf32>,
      %get3A_372 = arith.constant 560 : index
      %get3A_373 = tpu.vector_load %arg12[%get3A_372] {strides = array<i32>} : memref<640xf32, #tpu.memory_space<vmem>>, vector<16xf32>,
      %get3A_374 = arith.constant 560 : index
      %get3A_375 = tpu.vector_load %arg14[%get3A_374] {strides = array<i32>} : memref<640xf32, #tpu.memory_space<vmem>>, vector<16xf32>,
      %mul3A_376 = arith.mulf %get3A_373, %get3A_375 : vector<16xf32>
      %add3A_377 = arith.addf %mul3A_376, %get3A_23 : vector<16xf32>
      %swap3A_378 = arith.constant 560 : index
      %swap3A_379 = tpu.vector_load %arg14[%swap3A_378] {strides = array<i32>} : memref<640xf32, #tpu.memory_space<vmem>>, vector<16xf32>,
      %swap3A_380 = vector.shape_cast %swap3A_379 : vector<16xf32> to vector<16xf32>
      %swap3A_381 = vector.shape_cast %add3A_377 : vector<16xf32> to vector<16xf32>
      tpu.vector_store %arg14[%swap3A_378], %swap3A_381 {strides = array<i32>} : memref<640xf32, #tpu.memory_space<vmem>>, vector<16xf32>,
      %get3A_382 = arith.constant 576 : index
      %get3A_383 = tpu.vector_load %arg12[%get3A_382] {strides = array<i32>} : memref<640xf32, #tpu.memory_space<vmem>>, vector<16xf32>,
      %get3A_384 = arith.constant 576 : index
      %get3A_385 = tpu.vector_load %arg14[%get3A_384] {strides = array<i32>} : memref<640xf32, #tpu.memory_space<vmem>>, vector<16xf32>,
      %mul3A_386 = arith.mulf %get3A_383, %get3A_385 : vector<16xf32>
      %add3A_387 = arith.addf %mul3A_386, %get3A_23 : vector<16xf32>
      %swap3A_388 = arith.constant 576 : index
      %swap3A_389 = tpu.vector_load %arg14[%swap3A_388] {strides = array<i32>} : memref<640xf32, #tpu.memory_space<vmem>>, vector<16xf32>,
      %swap3A_390 = vector.shape_cast %swap3A_389 : vector<16xf32> to vector<16xf32>
      %swap3A_391 = vector.shape_cast %add3A_387 : vector<16xf32> to vector<16xf32>
      tpu.vector_store %arg14[%swap3A_388], %swap3A_391 {strides = array<i32>} : memref<640xf32, #tpu.memory_space<vmem>>, vector<16xf32>,
      %get3A_392 = arith.constant 592 : index
      %get3A_393 = tpu.vector_load %arg12[%get3A_392] {strides = array<i32>} : memref<640xf32, #tpu.memory_space<vmem>>, vector<16xf32>,
      %get3A_394 = arith.constant 592 : index
      %get3A_395 = tpu.vector_load %arg14[%get3A_394] {strides = array<i32>} : memref<640xf32, #tpu.memory_space<vmem>>, vector<16xf32>,
      %mul3A_396 = arith.mulf %get3A_393, %get3A_395 : vector<16xf32>
      %add3A_397 = arith.addf %mul3A_396, %get3A_23 : vector<16xf32>
      %swap3A_398 = arith.constant 592 : index
      %swap3A_399 = tpu.vector_load %arg14[%swap3A_398] {strides = array<i32>} : memref<640xf32, #tpu.memory_space<vmem>>, vector<16xf32>,
      %swap3A_400 = vector.shape_cast %swap3A_399 : vector<16xf32> to vector<16xf32>
      %swap3A_401 = vector.shape_cast %add3A_397 : vector<16xf32> to vector<16xf32>
      tpu.vector_store %arg14[%swap3A_398], %swap3A_401 {strides = array<i32>} : memref<640xf32, #tpu.memory_space<vmem>>, vector<16xf32>,
      %get3A_402 = arith.constant 608 : index
      %get3A_403 = tpu.vector_load %arg12[%get3A_402] {strides = array<i32>} : memref<640xf32, #tpu.memory_space<vmem>>, vector<16xf32>,
      %get3A_404 = arith.constant 608 : index
      %get3A_405 = tpu.vector_load %arg14[%get3A_404] {strides = array<i32>} : memref<640xf32, #tpu.memory_space<vmem>>, vector<16xf32>,
      %mul3A_406 = arith.mulf %get3A_403, %get3A_405 : vector<16xf32>
      %add3A_407 = arith.addf %mul3A_406, %get3A_23 : vector<16xf32>
      %swap3A_408 = arith.constant 608 : index
      %swap3A_409 = tpu.vector_load %arg14[%swap3A_408] {strides = array<i32>} : memref<640xf32, #tpu.memory_space<vmem>>, vector<16xf32>,
      %swap3A_410 = vector.shape_cast %swap3A_409 : vector<16xf32> to vector<16xf32>
      %swap3A_411 = vector.shape_cast %add3A_407 : vector<16xf32> to vector<16xf32>
      tpu.vector_store %arg14[%swap3A_408], %swap3A_411 {strides = array<i32>} : memref<640xf32, #tpu.memory_space<vmem>>, vector<16xf32>,
      %get3A_412 = arith.constant 624 : index
      %get3A_413 = tpu.vector_load %arg12[%get3A_412] {strides = array<i32>} : memref<640xf32, #tpu.memory_space<vmem>>, vector<16xf32>,
      %get3A_414 = arith.constant 624 : index
      %get3A_415 = tpu.vector_load %arg14[%get3A_414] {strides = array<i32>} : memref<640xf32, #tpu.memory_space<vmem>>, vector<16xf32>,
      %mul3A_416 = arith.mulf %get3A_413, %get3A_415 : vector<16xf32>
      %add3A_417 = arith.addf %mul3A_416, %get3A_23 : vector<16xf32>
      %swap3A_418 = arith.constant 624 : index
      %swap3A_419 = tpu.vector_load %arg14[%swap3A_418] {strides = array<i32>} : memref<640xf32, #tpu.memory_space<vmem>>, vector<16xf32>,
      %swap3A_420 = vector.shape_cast %swap3A_419 : vector<16xf32> to vector<16xf32>
      %swap3A_421 = vector.shape_cast %add3A_417 : vector<16xf32> to vector<16xf32>
      tpu.vector_store %arg14[%swap3A_418], %swap3A_421 {strides = array<i32>} : memref<640xf32, #tpu.memory_space<vmem>>, vector<16xf32>,
      %mul3A_422 = arith.constant 640 : i32
      %mul3A_423 = arith.muli %arg1, %mul3A_422 : i32
      "tpu.region"() ({
        %run_scoped3A = tpu.sem_alloc : memref<!tpu.dma_semaphore, #tpu.memory_space<semaphore_mem>>
        %dma_start3A = tpu.memref_slice %arg7[%mul3A_423] : memref<10240xf32, #tpu.memory_space<hbm>> -> memref<640xf32, #tpu.memory_space<hbm>>
        %dma_start3A_424 = tpu.memref_slice %arg7[%mul3A_423] : memref<10240xf32, #tpu.memory_space<hbm>> -> memref<640xf32, #tpu.memory_space<hbm>>
        tpu.enqueue_dma source(%arg14 : memref<640xf32, #tpu.memory_space<vmem>>) target(%dma_start3A_424 : memref<640xf32, #tpu.memory_space<hbm>>) target_semaphore(%run_scoped3A : memref<!tpu.dma_semaphore, #tpu.memory_space<semaphore_mem>>)
        %dma_wait3A = tpu.memref_slice %arg7[%mul3A_423] : memref<10240xf32, #tpu.memory_space<hbm>> -> memref<640xf32, #tpu.memory_space<hbm>>
        %dma_wait3A_425 = tpu.memref_slice %arg7[%mul3A_423] : memref<10240xf32, #tpu.memory_space<hbm>> -> memref<640xf32, #tpu.memory_space<hbm>>
        tpu.wait_dma2 semaphore(%run_scoped3A : memref<!tpu.dma_semaphore, #tpu.memory_space<semaphore_mem>>) src(%arg14 : memref<640xf32, #tpu.memory_space<vmem>>) dst(%dma_wait3A_425 : memref<640xf32, #tpu.memory_space<hbm>>)
        tpu.yield
      }) : () -> ()
    } else {
    }
    return
  }
}

module attributes {stable_mosaic.version = 14 : i64} {
  func.func @_prep_body(%arg0: i32, %arg1: memref<2048x256xf32, #tpu.memory_space<vmem>>, %arg2: memref<2048xf32, #tpu.memory_space<vmem>>, %arg3: memref<2048xf32, #tpu.memory_space<vmem>>, %arg4: memref<2x2048x128xf32, #tpu.memory_space<vmem>>, %arg5: memref<2048xf32, #tpu.memory_space<vmem>>) attributes {dimension_semantics = [#tpu.dimension_semantics<arbitrary>], iteration_bounds = array<i64: 5>, scalar_prefetch = 0 : i64, scratch_operands = 0 : i64, tpu.core_type = #tpu.core_type<tc>, window_params = [{transform_indices = @transform_0, window_bounds = array<i64: 2048, 256>}, {transform_indices = @transform_1, window_bounds = array<i64: 2048>}, {transform_indices = @transform_2, window_bounds = array<i64: 2048>}, {transform_indices = @transform_3, window_bounds = array<i64: 2, 2048, 128>}, {transform_indices = @transform_4, window_bounds = array<i64: 2048>}]} {
    %get3A = arith.constant 0 : index
    %get3A_0 = vector.load %arg2[%get3A] : memref<2048xf32, #tpu.memory_space<vmem>>, vector<2048xf32>
    %get3A_1 = arith.constant 0 : index
    %get3A_2 = vector.load %arg3[%get3A_1] : memref<2048xf32, #tpu.memory_space<vmem>>, vector<2048xf32>
    %add3A = arith.addf %get3A_0, %get3A_2 : vector<2048xf32>
    %add3A_3 = arith.constant 1.000000e+00 : f32
    %add3A_4 = vector.broadcast %add3A_3 : f32 to vector<2048xf32>
    %add3A_5 = arith.addf %add3A, %add3A_4 : vector<2048xf32>
    %rsqrt3A = math.rsqrt %add3A_5 : vector<2048xf32>
    %swap3A = arith.constant 0 : index
    %swap3A_6 = vector.load %arg5[%swap3A] : memref<2048xf32, #tpu.memory_space<vmem>>, vector<2048xf32>
    tpu.vector_store %arg5[%swap3A], %rsqrt3A {strides = array<i32>} : memref<2048xf32, #tpu.memory_space<vmem>>, vector<2048xf32>,
    %broadcast_in_dim3A = vector.shape_cast %rsqrt3A : vector<2048xf32> to vector<2048x1xf32>
    %get3A_7 = arith.constant 0 : index
    %get3A_8 = arith.constant 0 : index
    %get3A_9 = vector.load %arg1[%get3A_7, %get3A_8] : memref<2048x256xf32, #tpu.memory_space<vmem>>, vector<2048x256xf32>
    %mul3A = vector.broadcast %broadcast_in_dim3A : vector<2048x1xf32> to vector<2048x256xf32>
    %mul3A_10 = arith.mulf %get3A_9, %mul3A : vector<2048x256xf32>
    %slice3A = vector.extract_strided_slice %mul3A_10 {offsets = [0, 0], sizes = [2048, 128], strides = [1, 1]} : vector<2048x256xf32> to vector<2048x128xf32>
    %swap3A_11 = arith.constant 0 : index
    %swap3A_12 = arith.constant 0 : index
    %swap3A_13 = arith.constant 0 : index
    %swap3A_14 = vector.load %arg4[%swap3A_11, %swap3A_12, %swap3A_13] : memref<2x2048x128xf32, #tpu.memory_space<vmem>>, vector<1x2048x128xf32>
    %swap3A_15 = vector.shape_cast %swap3A_14 : vector<1x2048x128xf32> to vector<2048x128xf32>
    %swap3A_16 = vector.shape_cast %slice3A : vector<2048x128xf32> to vector<1x2048x128xf32>
    tpu.vector_store %arg4[%swap3A_11, %swap3A_12, %swap3A_13], %swap3A_16 {strides = array<i32>} : memref<2x2048x128xf32, #tpu.memory_space<vmem>>, vector<1x2048x128xf32>,
    %slice3A_17 = vector.extract_strided_slice %mul3A_10 {offsets = [0, 128], sizes = [2048, 128], strides = [1, 1]} : vector<2048x256xf32> to vector<2048x128xf32>
    %swap3A_18 = arith.constant 1 : index
    %swap3A_19 = arith.constant 0 : index
    %swap3A_20 = arith.constant 0 : index
    %swap3A_21 = vector.load %arg4[%swap3A_18, %swap3A_19, %swap3A_20] : memref<2x2048x128xf32, #tpu.memory_space<vmem>>, vector<1x2048x128xf32>
    %swap3A_22 = vector.shape_cast %swap3A_21 : vector<1x2048x128xf32> to vector<2048x128xf32>
    %swap3A_23 = vector.shape_cast %slice3A_17 : vector<2048x128xf32> to vector<1x2048x128xf32>
    tpu.vector_store %arg4[%swap3A_18, %swap3A_19, %swap3A_20], %swap3A_23 {strides = array<i32>} : memref<2x2048x128xf32, #tpu.memory_space<vmem>>, vector<1x2048x128xf32>,
    return
  }
  func.func @transform_0(%arg0: i32) -> (i32, i32) {
    %c0_i32 = arith.constant 0 : i32
    %c0_i32_0 = arith.constant 0 : i32
    return %arg0, %c0_i32 : i32, i32
  }
  func.func @transform_1(%arg0: i32) -> i32 {
    %c0_i32 = arith.constant 0 : i32
    return %arg0 : i32
  }
  func.func @transform_2(%arg0: i32) -> i32 {
    %c0_i32 = arith.constant 0 : i32
    return %arg0 : i32
  }
  func.func @transform_3(%arg0: i32) -> (i32, i32, i32) {
    %c0_i32 = arith.constant 0 : i32
    %c0_i32_0 = arith.constant 0 : i32
    %c0_i32_1 = arith.constant 0 : i32
    return %c0_i32, %arg0, %c0_i32_0 : i32, i32, i32
  }
  func.func @transform_4(%arg0: i32) -> i32 {
    %c0_i32 = arith.constant 0 : i32
    return %arg0 : i32
  }
}

module attributes {stable_mosaic.version = 14 : i64} {
  func.func @_mm_body(%arg0: i32, %arg1: memref<2x1024x128xf32, #tpu.memory_space<vmem>>, %arg2: memref<1024xf32, #tpu.memory_space<vmem>>, %arg3: memref<256x512xbf16, #tpu.memory_space<vmem>>, %arg4: memref<1x512xf32, #tpu.memory_space<vmem>>, %arg5: memref<512x1xbf16, #tpu.memory_space<vmem>>, %arg6: memref<1024xf32, #tpu.memory_space<vmem>>) attributes {dimension_semantics = [#tpu.dimension_semantics<arbitrary>], iteration_bounds = array<i64: 10>, scalar_prefetch = 0 : i64, scratch_operands = 0 : i64, tpu.core_type = #tpu.core_type<tc>, window_params = [{transform_indices = @transform_0, window_bounds = array<i64: 2, 1024, 128>}, {transform_indices = @transform_1, window_bounds = array<i64: 1024>}, {pipeline_mode = #tpu.pipeline_mode<synchronous>, transform_indices = @transform_2, window_bounds = array<i64: 256, 512>}, {pipeline_mode = #tpu.pipeline_mode<synchronous>, transform_indices = @transform_3, window_bounds = array<i64: 1, 512>}, {pipeline_mode = #tpu.pipeline_mode<synchronous>, transform_indices = @transform_4, window_bounds = array<i64: 512, 1>}, {transform_indices = @transform_5, window_bounds = array<i64: 1024>}]} {
    %get3A = arith.constant 0 : index
    %get3A_0 = vector.load %arg2[%get3A] : memref<1024xf32, #tpu.memory_space<vmem>>, vector<1024xf32>
    %broadcast_in_dim3A = vector.shape_cast %get3A_0 : vector<1024xf32> to vector<1024x1xf32>
    %get3A_1 = arith.constant 0 : index
    %get3A_2 = arith.constant 0 : index
    %get3A_3 = arith.constant 0 : index
    %get3A_4 = vector.load %arg1[%get3A_1, %get3A_2, %get3A_3] : memref<2x1024x128xf32, #tpu.memory_space<vmem>>, vector<1x1024x128xf32>
    %get3A_5 = vector.shape_cast %get3A_4 : vector<1x1024x128xf32> to vector<1024x128xf32>
    %mul3A = vector.broadcast %broadcast_in_dim3A : vector<1024x1xf32> to vector<1024x128xf32>
    %mul3A_6 = arith.mulf %get3A_5, %mul3A : vector<1024x128xf32>
    %get3A_7 = arith.constant 1 : index
    %get3A_8 = arith.constant 0 : index
    %get3A_9 = arith.constant 0 : index
    %get3A_10 = vector.load %arg1[%get3A_7, %get3A_8, %get3A_9] : memref<2x1024x128xf32, #tpu.memory_space<vmem>>, vector<1x1024x128xf32>
    %get3A_11 = vector.shape_cast %get3A_10 : vector<1x1024x128xf32> to vector<1024x128xf32>
    %mul3A_12 = vector.broadcast %broadcast_in_dim3A : vector<1024x1xf32> to vector<1024x128xf32>
    %mul3A_13 = arith.mulf %get3A_11, %mul3A_12 : vector<1024x128xf32>
    %concatenate3A = tpu.concatenate %mul3A_6, %mul3A_13 in 1 : vector<1024x128xf32>, vector<1024x128xf32> -> vector<1024x256xf32>
    %convert_element_type3A = arith.truncf %concatenate3A : vector<1024x256xf32> to vector<1024x256xbf16>
    %get3A_14 = arith.constant 0 : index
    %get3A_15 = arith.constant 0 : index
    %get3A_16 = vector.load %arg3[%get3A_14, %get3A_15] : memref<256x512xbf16, #tpu.memory_space<vmem>>, vector<256x512xbf16>
    %dot_general3A = arith.constant dense<0.000000e+00> : vector<1024x512xf32>
    %dot_general3A_17 = tpu.matmul %convert_element_type3A, %get3A_16, %dot_general3A {dimension_numbers = #tpu.dot_dimension_numbers<[1], [0], [0], [1], [0, 0, 1, 1], [], []>, transpose_lhs_hint = false} : vector<1024x256xbf16>, vector<256x512xbf16>, vector<1024x512xf32> -> vector<1024x512xf32>
    %get3A_18 = arith.constant 0 : index
    %get3A_19 = arith.constant 0 : index
    %get3A_20 = vector.load %arg4[%get3A_18, %get3A_19] : memref<1x512xf32, #tpu.memory_space<vmem>>, vector<1x512xf32>
    %add3A = vector.broadcast %get3A_20 : vector<1x512xf32> to vector<1024x512xf32>
    %add3A_21 = arith.addf %dot_general3A_17, %add3A : vector<1024x512xf32>
    %max3A = arith.constant 0.000000e+00 : f32
    %max3A_22 = vector.broadcast %max3A : f32 to vector<1024x512xf32>
    %max3A_23 = arith.maximumf %add3A_21, %max3A_22 : vector<1024x512xf32>
    %convert_element_type3A_24 = arith.truncf %max3A_23 : vector<1024x512xf32> to vector<1024x512xbf16>
    %get3A_25 = arith.constant 0 : index
    %get3A_26 = arith.constant 0 : index
    %get3A_27 = vector.load %arg5[%get3A_25, %get3A_26] : memref<512x1xbf16, #tpu.memory_space<vmem>>, vector<512x1xbf16>
    %dot_general3A_28 = arith.constant dense<0.000000e+00> : vector<1024x1xf32>
    %dot_general3A_29 = tpu.matmul %convert_element_type3A_24, %get3A_27, %dot_general3A_28 {dimension_numbers = #tpu.dot_dimension_numbers<[1], [0], [0], [1], [0, 0, 1, 1], [], []>, transpose_lhs_hint = false} : vector<1024x512xbf16>, vector<512x1xbf16>, vector<1024x1xf32> -> vector<1024x1xf32>
    %get3A_30 = arith.constant 0 : index
    %get3A_31 = vector.load %arg2[%get3A_30] : memref<1024xf32, #tpu.memory_space<vmem>>, vector<1024xf32>
    %squeeze3A = vector.shape_cast %dot_general3A_29 : vector<1024x1xf32> to vector<1024xf32>
    %mul3A_32 = arith.mulf %get3A_31, %squeeze3A : vector<1024xf32>
    %swap3A = arith.constant 0 : index
    %swap3A_33 = vector.load %arg6[%swap3A] : memref<1024xf32, #tpu.memory_space<vmem>>, vector<1024xf32>
    tpu.vector_store %arg6[%swap3A], %mul3A_32 {strides = array<i32>} : memref<1024xf32, #tpu.memory_space<vmem>>, vector<1024xf32>,
    return
  }
  func.func @transform_0(%arg0: i32) -> (i32, i32, i32) {
    %c0_i32 = arith.constant 0 : i32
    %c0_i32_0 = arith.constant 0 : i32
    %c0_i32_1 = arith.constant 0 : i32
    return %c0_i32, %arg0, %c0_i32_0 : i32, i32, i32
  }
  func.func @transform_1(%arg0: i32) -> i32 {
    %c0_i32 = arith.constant 0 : i32
    return %arg0 : i32
  }
  func.func @transform_2(%arg0: i32) -> (i32, i32) {
    %c0_i32 = arith.constant 0 : i32
    %c0_i32_0 = arith.constant 0 : i32
    %c0_i32_1 = arith.constant 0 : i32
    return %c0_i32, %c0_i32_0 : i32, i32
  }
  func.func @transform_3(%arg0: i32) -> (i32, i32) {
    %c0_i32 = arith.constant 0 : i32
    %c0_i32_0 = arith.constant 0 : i32
    %c0_i32_1 = arith.constant 0 : i32
    return %c0_i32, %c0_i32_0 : i32, i32
  }
  func.func @transform_4(%arg0: i32) -> (i32, i32) {
    %c0_i32 = arith.constant 0 : i32
    %c0_i32_0 = arith.constant 0 : i32
    %c0_i32_1 = arith.constant 0 : i32
    return %c0_i32, %c0_i32_0 : i32, i32
  }
  func.func @transform_5(%arg0: i32) -> i32 {
    %c0_i32 = arith.constant 0 : i32
    return %arg0 : i32
  }
}

</mosaic_0001>

<sc_bundles>
// kernel: kernel.10.cloned.1.call-start
scs
__scs_entry_jumppad:
0x0: {  	(pc) =	sbr.rel $0x88, $3  }
0x1: {  	(tag) =	ssettag $0x0;
	lr =	simm.s32 $0x1  }
0x2: {  	[smem:$0x3F9B] =	sst lr;
	_ =	strace $0xD0000000  }
0x3: {  	_ = 	snop  }
0x4: {  	_ = 	snop  }
0x5: {  	_ = 	snop  }
0x6: {  	_ = 	snop  }
0x7: {  	_ = 	snop  }
__scs_overlays_trampoline_lowered:
0x8: {  	[smem:$0x3FAA] =	sst s0  }
0x9: {  	[smem:$0x3FAB] =	sst s1  }
0xa: {  	[smem:$0x3FAC] =	sst s2  }
0xb: {  	[smem:$0x3FAD] =	sst s3  }
0xc: {  	[smem:$0x3FAE] =	sst s4  }
0xd: {  	[smem:$0x3FAF] =	sst s5  }
0xe: {  	[smem:$0x3FB0] =	sst s6  }
0xf: {  	[smem:$0x3FB1] =	sst s7  }
0x10: {  	[smem:$0x3FB2] =	sst s8  }
0x11: {  	[smem:$0x3FB3] =	sst s9;
	s0 =	simm.s32 @!p0 $0x0  }
0x12: {  	s1 =	sld [smem:$0x3F99];
	s0 =	simm.s32 @p0 $0x1  }
0x13: {  	[smem:$0x3FB4] =	sst s0;
	s0 =	simm.s32 @!p1 $0x0  }
0x14: {  	s2 =	sld [smem:$0x3F98];
	s0 =	simm.s32 @p1 $0x1  }
0x15: {  	[smem:$0x3FB5] =	sst s0;
	s0 =	simm.s32 @!p2 $0x0  }
0x16: {  	s3 =	sld [smem:$0x3FDB];
	s0 =	simm.s32 @p2 $0x1  }
0x17: {  	s4 =	simm.s32 $0x1BF5;
	[smem:$0x3FB7] =	sst s0  }
0x18: {  	s0 =	sld [smem:$0x3F9A];
	_ =	swait.ge [sflag:s4], $0x0  }
0x19: {  	s7 =	sld [smem:$0x3F9B]  }
0x1a: {  	s8 =	sadd.s32 $0xFFFFE003, lr  }
0x1b: {  	s9 =	sadd.s32 $0xFFFFFEF7, lr;
	s5 =	simm.s32 $0xFFFFFFFF;
	p2 =	slt.u32 s8, $0xFFFFF086  }
0x1c: {  	p1 =	slt.u32 s9, $0xF7A;
	s5 =	simm.s32 @!p2 $0x0  }
0x1d: {  	s5 =	simm.s32 @p1 $0x1;
	p0 =	seq.s32 s7, s2  }
0x1e: {  	s7 =	smul.u32 @!p0 $0xF7A, s2;
	p2 =	seq.s32 @!p0 s5, $0x0  }
0x1f: {  	s9 =	smul.u32 $0xF7A, s1;
	s8 =	simm.s32 @!p0 $0x1BF5;
	p2 =	por !p2, p0  }
0x20: {  	[sflag:s8] =	ssyncset.s32 @!p0 $0xFFFFF086;
	s6 =	sadd.s32 @!p0 s3, s7;
	s7 =	simm.s32 @!p0 $0x108  }
0x21: {  	s3 =	sadd.s32 s3, s9;
	s6 =	sadd.s32 @!p0 $0x88, s6;
	s7 =	simm.s32 @p2 $0x1082  }
0x22: {  	[simem:s7], [sflag:s8] =	dma.local @!p0 [hbm:s6], $0xF7A  }
0x23: {  	s9 =	sor.u32 $0xD0000000, s2;
	s6 =	simm.s32 $0x108;
	_ =	swait.ge @!p0 [sflag:s8], $0x0  }
0x24: {  	s3 =	sadd.s32 $0x88, s3;
	s6 =	simm.s32 @!p1 $0x1082;
	[sflag:s4] =	ssyncset.s32 $0xFFFFF086  }
0x25: {  	[simem:s6], [sflag:s4] =	dma.local [hbm:s3], $0xF7A  }
0x26: {  	[smem:$0x3F9B] =	sst s1;
	(tag) =	ssettag s2;
	_ =	strace s9  }
0x27: {  	s1 =	sld [smem:$0x3FAB]  }
0x28: {  	s2 =	sld [smem:$0x3FAC]  }
0x29: {  	s4 =	sld [smem:$0x3FAE]  }
0x2a: {  	p0 =	seq.s32 s5, $0x0;
	s5 =	sld [smem:$0x3FAF]  }
0x2b: {  	s6 =	sld [smem:$0x3FB0]  }
0x2c: {  	s7 =	sld [smem:$0x3FB1]  }
0x2d: {  	s3 =	simm.s32 $0x108;
	s8 =	sld [smem:$0x3FB2]  }
0x2e: {  	s3 =	simm.s32 @!p0 $0x1082;
	s9 =	sld [smem:$0x3FB3]  }
0x2f: {  	lr =	sadd.s32 s0, s3;
	s0 =	sld [smem:$0x3FAA]  }
0x30: {  	s3 =	sld [smem:$0x3FAD]  }
0x31: {  	[smem:$0x3FB6] =	sst s10  }
0x32: {  	s10 =	sld [smem:$0x3FB4];
	_ =	sdelay $0x3  }
0x33: {  	p0 =	seq.s32 s10, $0x1;
	s10 =	sld [smem:$0x3FB6];
	_ =	sdelay $0x3  }
0x34: {  	[smem:$0x3FB6] =	sst s10  }
0x35: {  	s10 =	sld [smem:$0x3FB5];
	_ =	sdelay $0x3  }
0x36: {  	p1 =	seq.s32 s10, $0x1;
	s10 =	sld [smem:$0x3FB6];
	_ =	sdelay $0x3  }
0x37: {  	[smem:$0x3FB6] =	sst s10  }
0x38: {  	s10 =	sld [smem:$0x3FB7]  }
0x39: {  	_ = 	snop;
	(pc) =	sbr.ind lr, $3  }
0x3a: {  	_ = 	snop  }
0x3b: {  	_ = 	snop  }
0x3c: {  	p2 =	seq.s32 s10, $0x1;
	s10 =	sld [smem:$0x3FB6]  }
0x3d: {  	_ =	shalt  }
0x3e: {  	_ =	shalt  }
0x3f: {  	_ =	shalt  }
0x40: {  	_ =	shalt  }
0x41: {  	_ =	shalt  }
0x42: {  	_ =	shalt  }
0x43: {  	_ =	shalt  }
0x44: {  	_ =	shalt  }
0x45: {  	_ =	shalt  }
0x46: {  	_ =	shalt  }
0x47: {  	_ =	shalt  }
0x48: {  	_ =	shalt  }
0x49: {  	_ =	shalt  }
0x4a: {  	_ =	shalt  }
0x4b: {  	_ =	shalt  }
0x4c: {  	_ =	shalt  }
0x4d: {  	_ =	shalt  }
0x4e: {  	_ =	shalt  }
0x4f: {  	_ =	shalt  }
0x50: {  	_ =	shalt  }
0x51: {  	_ =	shalt  }
0x52: {  	_ =	shalt  }
0x53: {  	_ =	shalt  }
0x54: {  	_ =	shalt  }
0x55: {  	_ =	shalt  }
0x56: {  	_ =	shalt  }
0x57: {  	_ =	shalt  }
0x58: {  	_ =	shalt  }
0x59: {  	_ =	shalt  }
0x5a: {  	_ =	shalt  }
0x5b: {  	_ =	shalt  }
0x5c: {  	_ =	shalt  }
0x5d: {  	_ =	shalt  }
0x5e: {  	_ =	shalt  }
0x5f: {  	_ =	shalt  }
0x60: {  	_ =	shalt  }
0x61: {  	_ =	shalt  }
0x62: {  	_ =	shalt  }
0x63: {  	_ =	shalt  }
0x64: {  	_ =	shalt  }
0x65: {  	_ =	shalt  }
0x66: {  	_ =	shalt  }
0x67: {  	_ =	shalt  }
0x68: {  	_ =	shalt  }
0x69: {  	_ =	shalt  }
0x6a: {  	_ =	shalt  }
0x6b: {  	_ =	shalt  }
0x6c: {  	_ =	shalt  }
0x6d: {  	_ =	shalt  }
0x6e: {  	_ =	shalt  }
0x6f: {  	_ =	shalt  }
0x70: {  	_ =	shalt  }
0x71: {  	_ =	shalt  }
0x72: {  	_ =	shalt  }
0x73: {  	_ =	shalt  }
0x74: {  	_ =	shalt  }
0x75: {  	_ =	shalt  }
0x76: {  	_ =	shalt  }
0x77: {  	_ =	shalt  }
0x78: {  	_ =	shalt  }
0x79: {  	_ =	shalt  }
0x7a: {  	_ =	shalt  }
0x7b: {  	_ =	shalt  }
0x7c: {  	_ =	shalt  }
0x7d: {  	_ =	shalt  }
0x7e: {  	_ =	shalt  }
0x7f: {  	_ =	shalt  }
0x80: {  	_ =	shalt  }
0x81: {  	_ =	shalt  }
0x82: {  	_ =	shalt  }
0x83: {  	_ =	shalt  }
0x84: {  	_ =	shalt  }
0x85: {  	_ =	shalt  }
0x86: {  	_ =	shalt  }
0x87: {  	_ =	shalt  }
.Lfunc_end0:
.L_simem_size_0:
called_computation.1_lowered:
.L_overlay_start_0:
0x88: {  	s2 =	sld [smem:$0x3FD9]  }
0x89: {  	s3 =	sld [smem:$0x3FFE];
	_ =	sdelay $0x1  }
0x8a: {  	s1 =	srdreg.scid  }
0x8b: {  	s0 =	sand.u32 $0x1, s1  }
0x8c: {  	s16 =	sshll.u32 s0, $0xA;
	s2 =	sadd.s32 s3, s2  }
0x8d: {  	s2 =	sadd.s32 s2, s16  }
0x8e: {  	[smem:$0x3FC2] =	sst s2  }
0x8f: {  	_ = 	snop  }
0x90: {  	(tm) =	ssettm $0x1  }
0x91: {  	s17 =	sld [smem:$0x3FFB];
	_ =	sdelay $0x3  }
0x92: {  	_ =	strace s17  }
0x93: {  	s2 =	sld [smem:$0x3FFC];
	_ =	sdelay $0x3  }
0x94: {  	_ =	strace s2  }
0x95: {  	s2 =	sld [smem:$0x3FFD];
	_ =	sdelay $0x3  }
0x96: {  	_ =	strace s2  }
0x97: {  	_ =	strace $0x8FFFFFFF  }
0x98: {  	s18 =	sld [smem:$0x3FDB];
	_ =	sdelay $0x1  }
0x99: {  	s19 =	simm.s32 $_scs_section_size  }
0x9a: {  	s4 =	simm.s32 $_size__tile_overlayer_lowered;
	s5 =	simm.s32 $_tile_overlayer_lowered  }
0x9b: {  	s22 =	simm.s32 $0x1BFF;
	s21 =	sshll.u32 s5, $0x1;
	s2 =	sadd.s32 s19, s18  }
0x9c: {  	s6 =	simm.s32 $0x0;
	s20 =	sshll.u32 s4, $0x1;
	s4 =	sadd.s32 s21, s2  }
0x9d: {  	[timem:s6], [sflag:s22] =	dma.local [hbm:s4], s20  }
0x9e: {  	_ =	swait.ge [sflag:s22], s20  }
0x9f: {  	s3 =	ssub.s32 $0x0, s20;
	[sflag:s22] =	ssyncset.done $0x0  }
0xa0: {  	[sflag:s22] =	ssyncadd.s32 s3;
	_ =	sdelay $0x1  }
0xa1: {  	s23 =	simm.s32 $0x1B8B  }
0xa2: {  	_ =	swait.ge [sflag:s23], $0x1  }
0xa3: {  	[sflag:s23] =	ssyncset.done $0x0  }
0xa4: {  	s25 =	simm.s32 $0x1B8E;
	s24 =	sld [smem:$0x3FFE];
	[sflag:s23] =	ssyncadd.s32 $0xFFFFFFFF  }
0xa5: {  	s26 =	simm.s32 $execute0_lowered;
	[smem:$0x3FD2] =	sst s25  }
0xa6: {  	s4 =	sshll.u32 s26, $0x1;
	_ =	strace $0x80000049;
	[dreg:$0x1] =	wrdreg $0xFFFFFFFF  }
0xa7: {  	s28 =	simm.s32 $_size_execute0_lowered;
	s2 =	sadd.s32 s2, s4;
	[dreg:$0x0] =	wrdreg $0x0  }
0xa8: {  	s4 =	sshll.u32 s28, $0x1;
	[dreg:$0x2] =	wrdreg s2  }
0xa9: {  	[dreg:$0x3] =	wrdreg s4  }
0xaa: {  	[dreg:$0x4] =	wrdreg $0xC0  }
0xab: {  	_ =	task [dreg:s6], $0x5FFFF  }
0xac: {  	[dreg:$0x1] =	wrdreg $0xFFFFFFFF  }
0xad: {  	[dreg:$0x0] =	wrdreg $0x60  }
0xae: {  	[dreg:$0x2] =	wrdreg s24  }
0xaf: {  	[dreg:$0x3] =	wrdreg $0xA8000  }
0xb0: {  	[dreg:$0x4] =	wrdreg $0x9  }
0xb1: {  	_ =	task.clear_ibuf [dreg:s6], $0x5FFFF;
	_ =	strace $0x90000049  }
0xb2: {  	s29 =	simm.s32 $0x9;
	_ =	strace $0x8000004B  }
0xb3: {  	_ =	swait.ge [sflag:s29], $0x1  }
0xb4: {  	[sflag:s29] =	ssyncadd.s32 $0xFFFFFFFF  }
0xb5: {  	_ =	strace $0x9000004B  }
0xb6: {  	_ =	sfence  }
0xb7: {  	s30 =	sld [smem:$0x0];
	_ =	sdelay $0x2  }
0xb8: {  	s31 =	sshll.u32 s1, $0xD;
	s1 =	sshrl.u32 s1, $0x2  }
0xb9: {  	s3 =	sand.u32 $0x4000, s31;
	s1 =	sadd.s32 s1, s30  }
0xba: {  	s0 =	sor.u32 s3, s0;
	s1 =	sshll.u32 s1, $0x11  }
0xbb: {  	s0 =	sor.u32 s1, s0  }
0xbc: {  	s0 =	sadd.s32 $0x8F2B, s0  }
0xbd: {  	[sflag:s0] =	ssyncadd.remote.s32 $0x1  }
0xbe: {  	_ =	sfence.sel $0xFFFF  }
0xbf: {  	[dreg:$0x0] =	wrdreg $0xFFFFFFFF;
	(pc) =	sbr.abs _section_cstart, $3  }
0xc0: {  	[dreg:$0x1] =	wrdreg $0xFFFFFFFF  }
0xc1: {  	_ =	task.clear_ibuf [dreg:s6], $0x2FFFF;
	_ =	strace $0x9FFFFFFF  }
0xc2: {  	(tm) =	ssettm $0x7FFFFFFF  }
0xc3: {  	_ =	shalt  }
tec
execute0_lowered:
.L_overlay_start_1:
0x0: {  	(tag) =	ssettag $0x1  }
0x1: {  	s4 =	rddreg [dreg:$0x0]  }
0x2: {  	s0 =	srdreg.scid;
	s1 =	rddreg [dreg:$0x1]  }
0x3: {  	s3 =	simm.s32 $0x0;
	s2 =	stileid.u32;
	s15 =	simm.s32 $0x1400  }
0x4: {  	s16 =	simm.s32 $0x7D;
	s17 =	simm.s32 $0x2800;
	s18 =	simm.s32 $0x80  }
0x5: {  	s19 =	simm.s32 $0x6800;
	s20 =	simm.s32 $0x1;
	s21 =	simm.s32 $0x2  }
0x6: {  	s22 =	simm.s32 $0x3;
	s23 =	simm.s32 $0x4;
	s8 =	smul.u32 $0x14000, s2  }
0x7: {  	s24 =	simm.s32 $0x2700;
	s25 =	simm.s32 $0x2780;
	s26 =	smul.u32 $0x50000, s2  }
0x8: {  	s5 =	sand.u32 $0x1, s0;
	s0 =	rddreg [dreg:$0x2];
	s30 =	smul.u32 $0x2800, s2  }
0x9: {  	[smem:$0x7FF] =	sst s3;
	s9 =	sadd.s32 $0xC600, s4;
	s6 =	smul.u32 $0x28000, s5  }
0xa: {  	s10 =	sadd.s32 $0x7600, s4;
	s7 =	smul.u32 $0x140000, s5;
	s5 =	ssub.s32 $0x2, s5  }
0xb: {  	s31 =	sshll.u32 s2, $0x6;
	_ =	strace $0x8000004A;
	s28 =	sshrl.u32 s5, $0x1  }
0xc: {  	s29 =	sshrl.u32 s26, $0x2;
	s14 =	sshrl.u32 s30, $0x3;
	s26 =	simm.s32 $0x0  }
0xd: {  	s6 =	sadd.s32 s6, s4;
	s7 =	sadd.s32 s8, s7;
	s12 =	ssub.s32 s5, s28  }
0xe: {  	s13 =	sadd.s32 s29, s1;
	s8 =	sadd.s32 s10, s14;
	s7 =	sshrl.u32 s7, $0x3  }
0xf: {  	s12 =	smax.u32 s12, $0x1;
	s13 =	sshrl.u32 s13, $0x3;
	s11 =	sadd.s32 s7, s4  }
0x10: {  	s4 =	sadd.s32 $0x11600, s6;
	s7 =	sadd.s32 s9, s14;
	s14 =	sadd.s32 $0x280, s14  }
0x11: {  	s6 =	sor.u32 $0x1C05, s31;
	s5 =	sadd.s32 s30, s4;
	s9 =	sadd.s32 s9, s14  }
0x12: {  	s10 =	sadd.s32 s10, s14;
	s11 =	sadd.s32 $0x61600, s11;
	s14 =	simm.s32 $0x5  }
.LBB2_1:
0x13: {  	[spmem:s13], [sflag:s6] =	dma.local [hbm:s5], $0x2800  }
0x14: {  	_ =	swait.ge [sflag:s14], $0x2800  }
0x15: {  	[sflag:s14] =	ssyncset.done $0x0  }
0x16: {  	[sflag:s14] =	ssyncadd.s32 $0xFFFFD800  }
0x17: {  	[bflag:$0x0] =	sbarrier.arrive $0xFFFF  }
0x18: {  	[tilespmem:s3], [sflag:$0x5] =	stream.linear.gather [hbm4b:s7+s3], $0x1400, $0x38;
	[tilespmem:$0x1E800] =	vst v63  }
0x19: {  	_ =	swait.ge [sflag:s14], $0x1400  }
0x1a: {  	[sflag:s14] =	ssyncset.done $0x0  }
0x1b: {  	[sflag:s14] =	ssyncadd.s32 $0xFFFFEC00  }
0x1c: {  	[tilespmem:s15], [sflag:$0x5] =	stream.linear.gather [hbm4b:s8+s3], $0x1400, $0x38;
	[tilespmem:$0x1E800] =	vst v63  }
0x1d: {  	_ =	swait.ge [sflag:s14], $0x1400  }
0x1e: {  	[sflag:s14] =	ssyncset.done $0x0  }
0x1f: {  	[sflag:s14] =	ssyncadd.s32 $0xFFFFEC00  }
0x20: {  	[tilespmem:s17], [sflag:$0x1] =	stream.indirect.gather [hbm4b:s4+s16], $0x80, s3, s16, $0xb8;
	[tilespmem:$0x1E800] =	vst v63  }
0x21: {  	_ = 	snop  }
0x22: {  	[tilespmem:s19], [sflag:$0x2] =	stream.indirect.gather [hbm4b:s4+s16], $0x80, s18, s16, $0xb8;
	[tilespmem:$0x1E800] =	vst v63  }
0x23: {  	_ =	swait.ge [sflag:s20], $0x3E80  }
0x24: {  	[sflag:s20] =	ssyncset.done $0x0  }
0x25: {  	s28 =	simm.s32 $0x1400;
	[sflag:s20] =	ssyncadd.s32 $0xFFFFC180  }
0x26: {  	[spmem:s1] =	stream.indirect.scatter.add.f32 [tilespmem:s17], [sflag:$0x3], $0x80, s28, s16, $0xb8;
	[tilespmem:$0x1E800] =	vst v63  }
0x27: {  	_ =	swait.ge [sflag:s21], $0x3E80  }
0x28: {  	[sflag:s21] =	ssyncset.done $0x0  }
0x29: {  	s28 =	simm.s32 $0x1480;
	[sflag:s21] =	ssyncadd.s32 $0xFFFFC180  }
0x2a: {  	[spmem:s1] =	stream.indirect.scatter.add.f32 [tilespmem:s19], [sflag:$0x4], $0x80, s28, s16, $0xb8;
	[tilespmem:$0x1E800] =	vst v63  }
0x2b: {  	_ =	swait.ge [sflag:s22], $0x3E80  }
0x2c: {  	[sflag:s22] =	ssyncset.done $0x0  }
0x2d: {  	s28 =	simm.s32 $0x100;
	[sflag:s22] =	ssyncadd.s32 $0xFFFFC180  }
0x2e: {  	[tilespmem:s17], [sflag:$0x1] =	stream.indirect.gather [hbm4b:s4+s16], $0x80, s28, s16, $0xb8;
	[tilespmem:$0x1E800] =	vst v63  }
0x2f: {  	_ =	swait.ge [sflag:s23], $0x3E80  }
0x30: {  	[sflag:s23] =	ssyncset.done $0x0  }
0x31: {  	s29 =	simm.s32 $0x180;
	s28 =	simm.s32 $0x400;
	[sflag:s23] =	ssyncadd.s32 $0xFFFFC180  }
.LBB2_2:
0x32: {  	[tilespmem:s19], [sflag:$0x2] =	stream.indirect.gather [hbm4b:s4+s16], $0x80, s29, s16, $0xb8;
	[tilespmem:$0x1E800] =	vst v63  }
0x33: {  	s29 =	smov.u32 s28  }
0x34: {  	p0 =	sne.s32 s28, $0x4800;
	s28 =	sadd.s32 $0x400, s28;
	_ =	swait.ge [sflag:s20], $0x3E80  }
0x35: {  	s29 =	sshra.s32 s29, $0x2;
	[sflag:s20] =	ssyncset.done $0x0  }
0x36: {  	s30 =	sadd.s32 $0x1400, s29;
	[sflag:s20] =	ssyncadd.s32 $0xFFFFC180  }
0x37: {  	[spmem:s1] =	stream.indirect.scatter.add.f32 [tilespmem:s17], [sflag:$0x3], $0x80, s30, s16, $0xb8;
	[tilespmem:$0x1E800] =	vst v63  }
0x38: {  	_ =	swait.ge [sflag:s21], $0x3E80  }
0x39: {  	[sflag:s21] =	ssyncset.done $0x0  }
0x3a: {  	s30 =	sadd.s32 $0x1480, s29;
	[sflag:s21] =	ssyncadd.s32 $0xFFFFC180  }
0x3b: {  	[spmem:s1] =	stream.indirect.scatter.add.f32 [tilespmem:s19], [sflag:$0x4], $0x80, s30, s16, $0xb8;
	[tilespmem:$0x1E800] =	vst v63  }
0x3c: {  	_ =	swait.ge [sflag:s22], $0x3E80  }
0x3d: {  	[sflag:s22] =	ssyncset.done $0x0  }
.Ltmp0:
0x3e: {  	s30 =	sadd.s32 $0x100, s29;
	[sflag:s22] =	ssyncadd.s32 $0xFFFFC180;
	(pc) =	sbr.rel @p0 .LBB2_2-.Ltmp0, $4  }
0x3f: {  	[tilespmem:s17], [sflag:$0x1] =	stream.indirect.gather [hbm4b:s4+s16], $0x80, s30, s16, $0xb8;
	[tilespmem:$0x1E800] =	vst v63  }
0x40: {  	_ =	swait.ge [sflag:s23], $0x3E80  }
0x41: {  	[sflag:s23] =	ssyncset.done $0x0  }
0x42: {  	s29 =	sadd.s32 $0x180, s29;
	[sflag:s23] =	ssyncadd.s32 $0xFFFFC180  }
0x43: {  	[tilespmem:s19], [sflag:$0x2] =	stream.indirect.gather [hbm4b:s4+s16], $0x80, s29, s16, $0xb8;
	[tilespmem:$0x1E800] =	vst v63  }
0x44: {  	_ =	swait.ge [sflag:s20], $0x3E80  }
0x45: {  	[sflag:s20] =	ssyncset.done $0x0  }
0x46: {  	[sflag:s20] =	ssyncadd.s32 $0xFFFFC180  }
0x47: {  	[spmem:s1] =	stream.indirect.scatter.add.f32 [tilespmem:s17], [sflag:$0x3], $0x80, s24, s16, $0xb8;
	[tilespmem:$0x1E800] =	vst v63  }
0x48: {  	_ =	swait.ge [sflag:s21], $0x3E80  }
0x49: {  	[sflag:s21] =	ssyncset.done $0x0  }
0x4a: {  	[sflag:s21] =	ssyncadd.s32 $0xFFFFC180  }
0x4b: {  	[spmem:s1] =	stream.indirect.scatter.add.f32 [tilespmem:s19], [sflag:$0x4], $0x80, s25, s16, $0xb8;
	[tilespmem:$0x1E800] =	vst v63  }
0x4c: {  	_ =	swait.ge [sflag:s22], $0x3E80  }
0x4d: {  	[sflag:s22] =	ssyncset.done $0x0  }
0x4e: {  	[sflag:s22] =	ssyncadd.s32 $0xFFFFC180  }
0x4f: {  	_ =	swait.ge [sflag:s23], $0x3E80  }
0x50: {  	[sflag:s23] =	ssyncset.done $0x0  }
0x51: {  	s28 =	simm.s32 $0x0;
	[sflag:s23] =	ssyncadd.s32 $0xFFFFC180  }
0x52: {  	[tilespmem:s28], [sflag:$0x5] =	stream.linear.gather [hbm4b:s9+s28], $0x1400, $0x38;
	[tilespmem:$0x1E800] =	vst v63  }
0x53: {  	_ =	swait.ge [sflag:s14], $0x1400  }
0x54: {  	[sflag:s14] =	ssyncset.done $0x0  }
0x55: {  	[sflag:s14] =	ssyncadd.s32 $0xFFFFEC00  }
0x56: {  	[tilespmem:s15], [sflag:$0x5] =	stream.linear.gather [hbm4b:s10+s28], $0x1400, $0x38;
	[tilespmem:$0x1E800] =	vst v63  }
0x57: {  	_ =	swait.ge [sflag:s14], $0x1400  }
0x58: {  	[sflag:s14] =	ssyncset.done $0x0  }
0x59: {  	[sflag:s14] =	ssyncadd.s32 $0xFFFFEC00  }
0x5a: {  	[tilespmem:s17], [sflag:$0x1] =	stream.indirect.gather [hbm4b:s4+s16], $0x80, s28, s16, $0xb8;
	[tilespmem:$0x1E800] =	vst v63  }
0x5b: {  	_ = 	snop  }
0x5c: {  	[tilespmem:s19], [sflag:$0x2] =	stream.indirect.gather [hbm4b:s4+s16], $0x80, s18, s16, $0xb8;
	[tilespmem:$0x1E800] =	vst v63  }
0x5d: {  	_ =	swait.ge [sflag:s20], $0x3E80  }
0x5e: {  	[sflag:s20] =	ssyncset.done $0x0  }
0x5f: {  	s28 =	simm.s32 $0x1400;
	[sflag:s20] =	ssyncadd.s32 $0xFFFFC180  }
0x60: {  	[spmem:s1] =	stream.indirect.scatter.add.f32 [tilespmem:s17], [sflag:$0x3], $0x80, s28, s16, $0xb8;
	[tilespmem:$0x1E800] =	vst v63  }
0x61: {  	_ =	swait.ge [sflag:s21], $0x3E80  }
0x62: {  	[sflag:s21] =	ssyncset.done $0x0  }
0x63: {  	s28 =	simm.s32 $0x1480;
	[sflag:s21] =	ssyncadd.s32 $0xFFFFC180  }
0x64: {  	[spmem:s1] =	stream.indirect.scatter.add.f32 [tilespmem:s19], [sflag:$0x4], $0x80, s28, s16, $0xb8;
	[tilespmem:$0x1E800] =	vst v63  }
0x65: {  	_ =	swait.ge [sflag:s22], $0x3E80  }
0x66: {  	[sflag:s22] =	ssyncset.done $0x0  }
0x67: {  	s28 =	simm.s32 $0x100;
	[sflag:s22] =	ssyncadd.s32 $0xFFFFC180  }
0x68: {  	[tilespmem:s17], [sflag:$0x1] =	stream.indirect.gather [hbm4b:s4+s16], $0x80, s28, s16, $0xb8;
	[tilespmem:$0x1E800] =	vst v63  }
0x69: {  	_ =	swait.ge [sflag:s23], $0x3E80  }
0x6a: {  	[sflag:s23] =	ssyncset.done $0x0  }
0x6b: {  	s29 =	simm.s32 $0x180;
	s28 =	simm.s32 $0x400;
	[sflag:s23] =	ssyncadd.s32 $0xFFFFC180  }
.LBB2_4:
0x6c: {  	[tilespmem:s19], [sflag:$0x2] =	stream.indirect.gather [hbm4b:s4+s16], $0x80, s29, s16, $0xb8;
	[tilespmem:$0x1E800] =	vst v63  }
0x6d: {  	s29 =	smov.u32 s28  }
0x6e: {  	p0 =	sne.s32 s28, $0x4800;
	s28 =	sadd.s32 $0x400, s28;
	_ =	swait.ge [sflag:s20], $0x3E80  }
0x6f: {  	s29 =	sshra.s32 s29, $0x2;
	[sflag:s20] =	ssyncset.done $0x0  }
0x70: {  	s30 =	sadd.s32 $0x1400, s29;
	[sflag:s20] =	ssyncadd.s32 $0xFFFFC180  }
0x71: {  	[spmem:s1] =	stream.indirect.scatter.add.f32 [tilespmem:s17], [sflag:$0x3], $0x80, s30, s16, $0xb8;
	[tilespmem:$0x1E800] =	vst v63  }
0x72: {  	_ =	swait.ge [sflag:s21], $0x3E80  }
0x73: {  	[sflag:s21] =	ssyncset.done $0x0  }
0x74: {  	s30 =	sadd.s32 $0x1480, s29;
	[sflag:s21] =	ssyncadd.s32 $0xFFFFC180  }
0x75: {  	[spmem:s1] =	stream.indirect.scatter.add.f32 [tilespmem:s19], [sflag:$0x4], $0x80, s30, s16, $0xb8;
	[tilespmem:$0x1E800] =	vst v63  }
0x76: {  	_ =	swait.ge [sflag:s22], $0x3E80  }
0x77: {  	[sflag:s22] =	ssyncset.done $0x0  }
.Ltmp1:
0x78: {  	s30 =	sadd.s32 $0x100, s29;
	[sflag:s22] =	ssyncadd.s32 $0xFFFFC180;
	(pc) =	sbr.rel @p0 .LBB2_4-.Ltmp1, $4  }
0x79: {  	[tilespmem:s17], [sflag:$0x1] =	stream.indirect.gather [hbm4b:s4+s16], $0x80, s30, s16, $0xb8;
	[tilespmem:$0x1E800] =	vst v63  }
0x7a: {  	_ =	swait.ge [sflag:s23], $0x3E80  }
0x7b: {  	[sflag:s23] =	ssyncset.done $0x0  }
0x7c: {  	s29 =	sadd.s32 $0x180, s29;
	[sflag:s23] =	ssyncadd.s32 $0xFFFFC180  }
0x7d: {  	[tilespmem:s19], [sflag:$0x2] =	stream.indirect.gather [hbm4b:s4+s16], $0x80, s29, s16, $0xb8;
	[tilespmem:$0x1E800] =	vst v63  }
0x7e: {  	_ =	swait.ge [sflag:s20], $0x3E80  }
0x7f: {  	[sflag:s20] =	ssyncset.done $0x0  }
0x80: {  	[sflag:s20] =	ssyncadd.s32 $0xFFFFC180  }
0x81: {  	[spmem:s1] =	stream.indirect.scatter.add.f32 [tilespmem:s17], [sflag:$0x3], $0x80, s24, s16, $0xb8;
	[tilespmem:$0x1E800] =	vst v63  }
0x82: {  	_ =	swait.ge [sflag:s21], $0x3E80  }
0x83: {  	[sflag:s21] =	ssyncset.done $0x0  }
0x84: {  	[sflag:s21] =	ssyncadd.s32 $0xFFFFC180  }
0x85: {  	[spmem:s1] =	stream.indirect.scatter.add.f32 [tilespmem:s19], [sflag:$0x4], $0x80, s25, s16, $0xb8;
	[tilespmem:$0x1E800] =	vst v63  }
0x86: {  	_ =	swait.ge [sflag:s22], $0x3E80  }
0x87: {  	[sflag:s22] =	ssyncset.done $0x0  }
0x88: {  	[sflag:s22] =	ssyncadd.s32 $0xFFFFC180  }
0x89: {  	_ =	swait.ge [sflag:s23], $0x3E80  }
0x8a: {  	s26 =	sadd.s32 $0x1, s26;
	[sflag:s23] =	ssyncset.done $0x0  }
0x8b: {  	p0 =	sne.s32 s26, s12;
	[sflag:s23] =	ssyncadd.s32 $0xFFFFC180  }
.Ltmp2:
0x8c: {  	[bflag:$0x0] =	sbarrier.arrive $0xFFFF;
	(pc) =	sbr.rel @p0 .LBB2_1-.Ltmp2, $4  }
0x8d: {  	[hbm:s11], [sflag:s6] =	dma.local [spmem:s13], $0x2800  }
0x8e: {  	_ =	swait.ge [sflag:s14], $0x2800  }
0x8f: {  	[sflag:s14] =	ssyncset.done $0x0  }
0x90: {  	[sflag:s14] =	ssyncadd.s32 $0xFFFFD800  }
0x91: {  	_ =	sfence.sel $0x180000  }
0x92: {  	[bflag:$0x0] =	sbarrier.arrive $0xFFFF  }
0x93: {  	p0 =	sne.s32 s2, $0x0;
	_ =	strace $0x9000004A  }
0x94: {  	s0 =	sadd.s32 @!p0 $0x100000, s0;
	[bflag:$0x2] =	sbarrier.arrive $0xFFFF  }
0x95: {  	[sflag:s0] =	ssyncadd.tile.s32 @!p0 $0x1;
	_ =	shalt  }
.Lfunc_end2:
_tile_overlayer_lowered:
.L_overlay_start_2:
0x96: {  	(tag) =	ssettag $0x2  }
0x97: {  	s0 =	rddreg [dreg:$0x0];
	s2 =	stileid.u32  }
0x98: {  	s1 =	rddreg [dreg:$0x1];
	p0 =	sne.s32 s2, $0x0  }
0x99: {  	s3 =	rddreg [dreg:$0x2];
	[bflag:$0x3] =	sbarrier.arrive $0xFFFF;
	s2 =	simm.s32 @!p0 $0x1C05  }
0x9a: {  	[timem:s3], [sflag:s2] =	dma.local @!p0 [hbm:s0], s1  }
0x9b: {  	s0 =	simm.s32 @!p0 $0x5  }
0x9c: {  	_ =	swait.ge @!p0 [sflag:s0], s1  }
0x9d: {  	s1 =	ssub.s32 @!p0 $0x0, s1;
	[sflag:s0] =	ssyncset.done @!p0 $0x0  }
0x9e: {  	[sflag:s0] =	ssyncadd.s32 @!p0 s1  }
0x9f: {  	[bflag:$0x3] =	sbarrier.arrive $0xFFFF  }
0xa0: {  	_ =	shalt  }

// kernel: kernel.13.cloned.1.call-start
scs
__scs_entry_jumppad:
0x0: {  	(pc) =	sbr.rel $0x88, $3  }
0x1: {  	(tag) =	ssettag $0x0;
	lr =	simm.s32 $0x1  }
0x2: {  	[smem:$0x3F9B] =	sst lr;
	_ =	strace $0xD0000000  }
0x3: {  	_ = 	snop  }
0x4: {  	_ = 	snop  }
0x5: {  	_ = 	snop  }
0x6: {  	_ = 	snop  }
0x7: {  	_ = 	snop  }
__scs_overlays_trampoline_lowered:
0x8: {  	[smem:$0x3FAA] =	sst s0  }
0x9: {  	[smem:$0x3FAB] =	sst s1  }
0xa: {  	[smem:$0x3FAC] =	sst s2  }
0xb: {  	[smem:$0x3FAD] =	sst s3  }
0xc: {  	[smem:$0x3FAE] =	sst s4  }
0xd: {  	[smem:$0x3FAF] =	sst s5  }
0xe: {  	[smem:$0x3FB0] =	sst s6  }
0xf: {  	[smem:$0x3FB1] =	sst s7  }
0x10: {  	[smem:$0x3FB2] =	sst s8  }
0x11: {  	[smem:$0x3FB3] =	sst s9;
	s0 =	simm.s32 @!p0 $0x0  }
0x12: {  	s1 =	sld [smem:$0x3F99];
	s0 =	simm.s32 @p0 $0x1  }
0x13: {  	[smem:$0x3FB4] =	sst s0;
	s0 =	simm.s32 @!p1 $0x0  }
0x14: {  	s2 =	sld [smem:$0x3F98];
	s0 =	simm.s32 @p1 $0x1  }
0x15: {  	[smem:$0x3FB5] =	sst s0;
	s0 =	simm.s32 @!p2 $0x0  }
0x16: {  	s3 =	sld [smem:$0x3FDB];
	s0 =	simm.s32 @p2 $0x1  }
0x17: {  	s4 =	simm.s32 $0x1BF5;
	[smem:$0x3FB7] =	sst s0  }
0x18: {  	s0 =	sld [smem:$0x3F9A];
	_ =	swait.ge [sflag:s4], $0x0  }
0x19: {  	s7 =	sld [smem:$0x3F9B]  }
0x1a: {  	s8 =	sadd.s32 $0xFFFFE003, lr  }
0x1b: {  	s9 =	sadd.s32 $0xFFFFFEF7, lr;
	s5 =	simm.s32 $0xFFFFFFFF;
	p2 =	slt.u32 s8, $0xFFFFF086  }
0x1c: {  	p1 =	slt.u32 s9, $0xF7A;
	s5 =	simm.s32 @!p2 $0x0  }
0x1d: {  	s5 =	simm.s32 @p1 $0x1;
	p0 =	seq.s32 s7, s2  }
0x1e: {  	s7 =	smul.u32 @!p0 $0xF7A, s2;
	p2 =	seq.s32 @!p0 s5, $0x0  }
0x1f: {  	s9 =	smul.u32 $0xF7A, s1;
	s8 =	simm.s32 @!p0 $0x1BF5;
	p2 =	por !p2, p0  }
0x20: {  	[sflag:s8] =	ssyncset.s32 @!p0 $0xFFFFF086;
	s6 =	sadd.s32 @!p0 s3, s7;
	s7 =	simm.s32 @!p0 $0x108  }
0x21: {  	s3 =	sadd.s32 s3, s9;
	s6 =	sadd.s32 @!p0 $0x88, s6;
	s7 =	simm.s32 @p2 $0x1082  }
0x22: {  	[simem:s7], [sflag:s8] =	dma.local @!p0 [hbm:s6], $0xF7A  }
0x23: {  	s9 =	sor.u32 $0xD0000000, s2;
	s6 =	simm.s32 $0x108;
	_ =	swait.ge @!p0 [sflag:s8], $0x0  }
0x24: {  	s3 =	sadd.s32 $0x88, s3;
	s6 =	simm.s32 @!p1 $0x1082;
	[sflag:s4] =	ssyncset.s32 $0xFFFFF086  }
0x25: {  	[simem:s6], [sflag:s4] =	dma.local [hbm:s3], $0xF7A  }
0x26: {  	[smem:$0x3F9B] =	sst s1;
	(tag) =	ssettag s2;
	_ =	strace s9  }
0x27: {  	s1 =	sld [smem:$0x3FAB]  }
0x28: {  	s2 =	sld [smem:$0x3FAC]  }
0x29: {  	s4 =	sld [smem:$0x3FAE]  }
0x2a: {  	p0 =	seq.s32 s5, $0x0;
	s5 =	sld [smem:$0x3FAF]  }
0x2b: {  	s6 =	sld [smem:$0x3FB0]  }
0x2c: {  	s7 =	sld [smem:$0x3FB1]  }
0x2d: {  	s3 =	simm.s32 $0x108;
	s8 =	sld [smem:$0x3FB2]  }
0x2e: {  	s3 =	simm.s32 @!p0 $0x1082;
	s9 =	sld [smem:$0x3FB3]  }
0x2f: {  	lr =	sadd.s32 s0, s3;
	s0 =	sld [smem:$0x3FAA]  }
0x30: {  	s3 =	sld [smem:$0x3FAD]  }
0x31: {  	[smem:$0x3FB6] =	sst s10  }
0x32: {  	s10 =	sld [smem:$0x3FB4];
	_ =	sdelay $0x3  }
0x33: {  	p0 =	seq.s32 s10, $0x1;
	s10 =	sld [smem:$0x3FB6];
	_ =	sdelay $0x3  }
0x34: {  	[smem:$0x3FB6] =	sst s10  }
0x35: {  	s10 =	sld [smem:$0x3FB5];
	_ =	sdelay $0x3  }
0x36: {  	p1 =	seq.s32 s10, $0x1;
	s10 =	sld [smem:$0x3FB6];
	_ =	sdelay $0x3  }
0x37: {  	[smem:$0x3FB6] =	sst s10  }
0x38: {  	s10 =	sld [smem:$0x3FB7]  }
0x39: {  	_ = 	snop;
	(pc) =	sbr.ind lr, $3  }
0x3a: {  	_ = 	snop  }
0x3b: {  	_ = 	snop  }
0x3c: {  	p2 =	seq.s32 s10, $0x1;
	s10 =	sld [smem:$0x3FB6]  }
0x3d: {  	_ =	shalt  }
0x3e: {  	_ =	shalt  }
0x3f: {  	_ =	shalt  }
0x40: {  	_ =	shalt  }
0x41: {  	_ =	shalt  }
0x42: {  	_ =	shalt  }
0x43: {  	_ =	shalt  }
0x44: {  	_ =	shalt  }
0x45: {  	_ =	shalt  }
0x46: {  	_ =	shalt  }
0x47: {  	_ =	shalt  }
0x48: {  	_ =	shalt  }
0x49: {  	_ =	shalt  }
0x4a: {  	_ =	shalt  }
0x4b: {  	_ =	shalt  }
0x4c: {  	_ =	shalt  }
0x4d: {  	_ =	shalt  }
0x4e: {  	_ =	shalt  }
0x4f: {  	_ =	shalt  }
0x50: {  	_ =	shalt  }
0x51: {  	_ =	shalt  }
0x52: {  	_ =	shalt  }
0x53: {  	_ =	shalt  }
0x54: {  	_ =	shalt  }
0x55: {  	_ =	shalt  }
0x56: {  	_ =	shalt  }
0x57: {  	_ =	shalt  }
0x58: {  	_ =	shalt  }
0x59: {  	_ =	shalt  }
0x5a: {  	_ =	shalt  }
0x5b: {  	_ =	shalt  }
0x5c: {  	_ =	shalt  }
0x5d: {  	_ =	shalt  }
0x5e: {  	_ =	shalt  }
0x5f: {  	_ =	shalt  }
0x60: {  	_ =	shalt  }
0x61: {  	_ =	shalt  }
0x62: {  	_ =	shalt  }
0x63: {  	_ =	shalt  }
0x64: {  	_ =	shalt  }
0x65: {  	_ =	shalt  }
0x66: {  	_ =	shalt  }
0x67: {  	_ =	shalt  }
0x68: {  	_ =	shalt  }
0x69: {  	_ =	shalt  }
0x6a: {  	_ =	shalt  }
0x6b: {  	_ =	shalt  }
0x6c: {  	_ =	shalt  }
0x6d: {  	_ =	shalt  }
0x6e: {  	_ =	shalt  }
0x6f: {  	_ =	shalt  }
0x70: {  	_ =	shalt  }
0x71: {  	_ =	shalt  }
0x72: {  	_ =	shalt  }
0x73: {  	_ =	shalt  }
0x74: {  	_ =	shalt  }
0x75: {  	_ =	shalt  }
0x76: {  	_ =	shalt  }
0x77: {  	_ =	shalt  }
0x78: {  	_ =	shalt  }
0x79: {  	_ =	shalt  }
0x7a: {  	_ =	shalt  }
0x7b: {  	_ =	shalt  }
0x7c: {  	_ =	shalt  }
0x7d: {  	_ =	shalt  }
0x7e: {  	_ =	shalt  }
0x7f: {  	_ =	shalt  }
0x80: {  	_ =	shalt  }
0x81: {  	_ =	shalt  }
0x82: {  	_ =	shalt  }
0x83: {  	_ =	shalt  }
0x84: {  	_ =	shalt  }
0x85: {  	_ =	shalt  }
0x86: {  	_ =	shalt  }
0x87: {  	_ =	shalt  }
.Lfunc_end0:
.L_simem_size_0:
called_computation.2_lowered:
.L_overlay_start_0:
0x88: {  	s2 =	sld [smem:$0x3FD9]  }
0x89: {  	s3 =	sld [smem:$0x3FFE];
	_ =	sdelay $0x1  }
0x8a: {  	s1 =	srdreg.scid  }
0x8b: {  	s0 =	sand.u32 $0x1, s1  }
0x8c: {  	s17 =	sshll.u32 s0, $0xA;
	s2 =	sadd.s32 s3, s2  }
0x8d: {  	s2 =	sadd.s32 s2, s17  }
0x8e: {  	[smem:$0x3FC2] =	sst s2  }
0x8f: {  	_ = 	snop  }
0x90: {  	s2 =	sld [smem:$0x3FD0];
	(tm) =	ssettm $0x1  }
0x91: {  	s18 =	sld [smem:$0x3FFB];
	_ =	sdelay $0x3  }
0x92: {  	_ =	strace s18  }
0x93: {  	s3 =	sld [smem:$0x3FFC];
	_ =	sdelay $0x3  }
0x94: {  	_ =	strace s3  }
0x95: {  	s3 =	sld [smem:$0x3FFD];
	_ =	sdelay $0x3  }
0x96: {  	_ =	strace s3  }
0x97: {  	_ =	strace $0x8FFFFFFF  }
0x98: {  	s19 =	sld [smem:$0x3FDB];
	_ =	sdelay $0x1  }
0x99: {  	s4 =	simm.s32 $_scs_section_size  }
0x9a: {  	s5 =	simm.s32 $_size__tile_overlayer_lowered;
	s6 =	simm.s32 $_tile_overlayer_lowered  }
0x9b: {  	s22 =	simm.s32 $0x1BFF;
	s21 =	sshll.u32 s6, $0x1;
	s3 =	sadd.s32 s4, s19  }
0x9c: {  	s7 =	simm.s32 $0x0;
	s20 =	sshll.u32 s5, $0x1;
	s5 =	sadd.s32 s21, s3  }
0x9d: {  	[timem:s7], [sflag:s22] =	dma.local [hbm:s5], s20  }
0x9e: {  	_ =	swait.ge [sflag:s22], s20  }
0x9f: {  	s4 =	ssub.s32 $0x0, s20;
	[sflag:s22] =	ssyncset.done $0x0  }
0xa0: {  	[sflag:s22] =	ssyncadd.s32 s4;
	_ =	sdelay $0x1  }
0xa1: {  	s23 =	simm.s32 $0x1B8B  }
0xa2: {  	_ =	swait.ge [sflag:s23], $0x1  }
0xa3: {  	[sflag:s23] =	ssyncset.done $0x0  }
0xa4: {  	s25 =	simm.s32 $0x1B8E;
	s24 =	sld [smem:$0x3FFE];
	[sflag:s23] =	ssyncadd.s32 $0xFFFFFFFF  }
0xa5: {  	s26 =	simm.s32 $execute0_lowered;
	[smem:$0x3FD2] =	sst s25  }
0xa6: {  	s5 =	sshll.u32 s26, $0x1;
	_ =	strace $0x8000004C;
	[dreg:$0x1] =	wrdreg $0xFFFFFFFF  }
0xa7: {  	s28 =	simm.s32 $_size_execute0_lowered;
	s3 =	sadd.s32 s3, s5;
	[dreg:$0x0] =	wrdreg $0x0  }
0xa8: {  	s5 =	sshll.u32 s28, $0x1;
	[dreg:$0x2] =	wrdreg s3  }
0xa9: {  	[dreg:$0x3] =	wrdreg s5  }
0xaa: {  	[dreg:$0x4] =	wrdreg $0xC0  }
0xab: {  	_ =	task [dreg:s7], $0x5FFFF  }
0xac: {  	[dreg:$0x1] =	wrdreg $0xFFFFFFFF  }
0xad: {  	[dreg:$0x0] =	wrdreg $0x60  }
0xae: {  	[dreg:$0x2] =	wrdreg s24  }
0xaf: {  	[dreg:$0x3] =	wrdreg s2  }
0xb0: {  	[dreg:$0x4] =	wrdreg $0xA5800  }
0xb1: {  	[dreg:$0x5] =	wrdreg $0x9  }
0xb2: {  	_ =	task.clear_ibuf [dreg:s7], $0x6FFFF;
	_ =	strace $0x9000004C  }
0xb3: {  	s29 =	simm.s32 $0x9;
	_ =	strace $0x8000004E  }
0xb4: {  	_ =	swait.ge [sflag:s29], $0x1  }
0xb5: {  	[sflag:s29] =	ssyncadd.s32 $0xFFFFFFFF  }
0xb6: {  	_ =	strace $0x9000004E  }
0xb7: {  	_ =	sfence  }
0xb8: {  	s30 =	sld [smem:$0x0];
	_ =	sdelay $0x2  }
0xb9: {  	s31 =	sshll.u32 s1, $0xD;
	s1 =	sshrl.u32 s1, $0x2  }
0xba: {  	s3 =	sand.u32 $0x4000, s31;
	s1 =	sadd.s32 s1, s30  }
0xbb: {  	s0 =	sor.u32 s3, s0;
	s1 =	sshll.u32 s1, $0x11  }
0xbc: {  	s0 =	sor.u32 s1, s0  }
0xbd: {  	s0 =	sadd.s32 $0x8F2B, s0  }
0xbe: {  	[sflag:s0] =	ssyncadd.remote.s32 $0x1  }
0xbf: {  	_ =	sfence.sel $0xFFFF  }
0xc0: {  	[dreg:$0x0] =	wrdreg $0xFFFFFFFF;
	(pc) =	sbr.abs _section_cstart, $3  }
0xc1: {  	[dreg:$0x1] =	wrdreg $0xFFFFFFFF  }
0xc2: {  	_ =	task.clear_ibuf [dreg:s7], $0x2FFFF;
	_ =	strace $0x9FFFFFFF  }
0xc3: {  	(tm) =	ssettm $0x7FFFFFFF  }
tec
execute0_lowered:
.L_overlay_start_1:
0x0: {  	(tag) =	ssettag $0x1  }
0x1: {  	s1 =	srdreg.scid  }
0x2: {  	s1 =	sand.u32 $0x1, s1  }
0x3: {  	p0 =	seq.s32 s1, $0x1  }
.Ltmp0:
0x4: {  	s5 =	rddreg [dreg:$0x0];
	(pc) =	sbr.rel @p0 .LBB2_7-.Ltmp0, $4  }
0x5: {  	s2 =	rddreg [dreg:$0x1]  }
0x6: {  	s3 =	rddreg [dreg:$0x2];
	s4 =	simm.s32 $0x0  }
0x7: {  	[smem:$0x7FF] =	sst s4  }
0x8: {  	s0 =	rddreg [dreg:$0x3];
	_ =	strace $0x8000004D;
	s1 =	stileid.u32  }
0x9: {  	s6 =	sadd.s32 $0x2600, s5;
	s7 =	simm.s32 $0x3  }
0xa: {  	[tilespmem:s4], [sflag:$0x3] =	stream.linear.gather [hbm4b:s6+s4], $0x2800, $0x38;
	[tilespmem:$0xA800] =	vst v63  }
0xb: {  	s8 =	smul.u32 $0x500, s1;
	_ =	swait.ge [sflag:s7], $0x2800  }
0xc: {  	s9 =	sadd.s32 $0xB1600, s5;
	[sflag:s7] =	ssyncset.done $0x0  }
0xd: {  	s10 =	simm.s32 $0x2800;
	s9 =	sadd.s32 s9, s8;
	[sflag:s7] =	ssyncadd.s32 $0xFFFFD800  }
0xe: {  	[tilespmem:s10], [sflag:$0x3] =	stream.linear.gather [hbm4b:s9+s4], $0x2800, $0x38;
	[tilespmem:$0xA800] =	vst v63  }
0xf: {  	_ =	swait.ge [sflag:s7], $0x2800  }
0x10: {  	s23 =	sadd.s32 $0xB6600, s5;
	s24 =	smul.u32 $0x280, s1;
	[sflag:s7] =	ssyncset.done $0x0  }
0x11: {  	s25 =	simm.s32 $0x5000;
	s8 =	sadd.s32 s23, s8;
	[sflag:s7] =	ssyncadd.s32 $0xFFFFD800  }
0x12: {  	[tilespmem:s25], [sflag:$0x3] =	stream.linear.gather [hbm4b:s8+s4], $0x2800, $0x38;
	[tilespmem:$0xA800] =	vst v63  }
0x13: {  	_ =	swait.ge [sflag:s7], $0x2800  }
0x14: {  	s26 =	sadd.s32 $0x2000, s5;
	s28 =	sshrl.u32 s24, $0x3;
	[sflag:s7] =	ssyncset.done $0x0  }
0x15: {  	s11 =	simm.s32 $0xA000;
	s8 =	sadd.s32 s26, s28;
	[sflag:s7] =	ssyncadd.s32 $0xFFFFD800  }
0x16: {  	[tilespmem:s11], [sflag:$0x3] =	stream.linear.gather [hbm4b:s8+s4], $0x280, $0x38;
	[tilespmem:$0xA800] =	vst v63  }
0x17: {  	_ =	swait.ge [sflag:s7], $0x280  }
0x18: {  	[sflag:s7] =	ssyncset.done $0x0  }
0x19: {  	s29 =	sadd.s32 $0x2C00, s5;
	s30 =	simm.s32 $0xA280;
	[sflag:s7] =	ssyncadd.s32 $0xFFFFFD80  }
0x1a: {  	[tilespmem:s30], [sflag:$0x3] =	stream.linear.gather [hbm4b:s29+s4], $0x80, $0x38;
	[tilespmem:$0xA800] =	vst v63  }
0x1b: {  	s31 =	sshll.u32 s1, $0x6;
	_ =	swait.ge [sflag:s7], $0x80  }
0x1c: {  	s5 =	sadd.s32 s24, s3;
	s6 =	sadd.s32 s6, s28;
	[sflag:s7] =	ssyncset.done $0x0  }
0x1d: {  	s10 =	sshrl.u32 s5, $0x3;
	s8 =	sor.u32 $0x1C03, s31;
	[sflag:s7] =	ssyncadd.s32 $0xFFFFFF80  }
0x1e: {  	[spmem:s10], [sflag:s8] =	dma.local [hbm:s6], $0x50  }
0x1f: {  	_ =	swait.ge [sflag:s7], $0x50  }
0x20: {  	[sflag:s7] =	ssyncset.done $0x0  }
0x21: {  	[sflag:s7] =	ssyncadd.s32 $0xFFFFFFB0  }
0x22: {  	s6 =	simm.s32 $0x0;
	[bflag:$0x0] =	sbarrier.arrive $0xFFFF  }
0x23: {  	v0 =	vld [tilespmem:s6+$0x2800];
	_ =	sdelay $0x6  }
0x24: {  	s2 =	sadd.s32 s2, s28  }
0x25: {  	s8 =	simm.s32 $0x10;
	s7 =	simm.s32 $0x80;
	v0 =	vld.idx.msk [tilespmem:v0+s4+$0x0], $0xffff;
	s4 =	simm.s32 $0x0  }
.LBB2_2:
0x26: {  	p0 =	sne.s32 s7, $0x9FC0;
	v1 =	vld [tilespmem:s8+$0x2800];
	_ =	sdelay $0x3  }
.Ltmp1:
0x27: {  	(pc) =	sbr.rel @p0 .LBB2_2-.Ltmp1, $2  }
0x28: {  	[tilespmem:s6+$0x7800] =	vst v0;
	s6 =	smov.u32 s8;
	_ =	sdelay $0x2  }
0x29: {  	s8 =	sshra.s32 s7, $0x2;
	s7 =	sadd.s32 $0x40, s7;
	v0 =	vld.idx.msk [tilespmem:v1+s4+$0x0], $0xffff  }
0x2a: {  	v1 =	vld [tilespmem:s8+$0x2800];
	_ =	sdelay $0x6  }
0x2b: {  	[tilespmem:s6+$0x7800] =	vst v0  }
0x2c: {  	p1 =	por $0x1, $0x1;
	v0 =	vld.idx.msk [tilespmem:v1+s4+$0x0], $0xffff  }
.Ltmp2:
0x2d: {  	_ = 	snop;
	(pc) =	sbr.rel @!p1 .LBB2_6-.Ltmp2, $3  }
0x2e: {  	_ =	sdelay $0x1  }
0x2f: {  	s7 =	simm.s32 $0x80;
	p0 =	por $0x0, $0x0  }
0x30: {  	s6 =	simm.s32 $0x2;
	s4 =	simm.s32 $0x1;
	[tilespmem:s8+$0x7800] =	vst v0;
	s8 =	simm.s32 $0x0  }
0x31: {  	s8 =	simm.s32 $0x7800;
	s9 =	simm.s32 $0x5000  }
0x32: {  	[spmem:s3] =	stream.indirect.scatter.add.f32 [tilespmem:s8], [sflag:$0x1], $0x1, s9, s7, $0xb8;
	[tilespmem:$0xA800] =	vst v63  }
0x33: {  	s30 =	simm.s32 $0x7880;
	s31 =	simm.s32 $0x5080;
	p1 =	por $0x1, $0x1  }
0x34: {  	[spmem:s3] =	stream.indirect.scatter.add.f32 [tilespmem:s30], [sflag:$0x2], $0x1, s31, s7, $0xb8;
	[tilespmem:$0xA800] =	vst v63  }
.Ltmp3:
0x35: {  	_ =	swait.ge [sflag:s4], $0x80;
	(pc) =	sbr.rel @!p1 .LBB2_6-.Ltmp3, $4  }
0x36: {  	[sflag:s4] =	ssyncset.done $0x0  }
0x37: {  	[sflag:s4] =	ssyncadd.s32 $0xFFFFFF80  }
0x38: {  	p0 =	por $0x1, $0x1;
	_ =	swait.ge [sflag:s6], $0x80  }
0x39: {  	s9 =	simm.s32 $0x800;
	s8 =	simm.s32 $0x100;
	[sflag:s6] =	ssyncset.done $0x0  }
.LBB2_5:
0x3a: {  	s10 =	sadd.s32 $0x7800, s8;
	s11 =	sadd.s32 $0x5000, s8  }
0x3b: {  	[sflag:s6] =	ssyncadd.s32 $0xFFFFFF80;
	s12 =	smov.u32 s9;
	p1 =	sne.s32 s9, $0x9C00  }
0x3c: {  	[spmem:s3] =	stream.indirect.scatter.add.f32 [tilespmem:s10], [sflag:$0x1], $0x1, s11, s7, $0xb8;
	[tilespmem:$0xA800] =	vst v63  }
0x3d: {  	s10 =	sadd.s32 $0x400, s9;
	s11 =	sadd.s32 $0x7880, s8;
	s8 =	sadd.s32 $0x5080, s8  }
0x3e: {  	[spmem:s3] =	stream.indirect.scatter.add.f32 [tilespmem:s11], [sflag:$0x2], $0x1, s8, s7, $0xb8;
	[tilespmem:$0xA800] =	vst v63  }
.Ltmp4:
0x3f: {  	_ =	swait.ge [sflag:s4], $0x80;
	(pc) =	sbr.rel @p1 .LBB2_5-.Ltmp4, $4  }
0x40: {  	[sflag:s4] =	ssyncset.done $0x0  }
0x41: {  	[sflag:s4] =	ssyncadd.s32 $0xFFFFFF80  }
0x42: {  	_ =	swait.ge [sflag:s6], $0x80  }
0x43: {  	s9 =	smov.u32 s10;
	s8 =	sshra.s32 s12, $0x2;
	[sflag:s6] =	ssyncset.done $0x0  }
.LBB2_6:
0x44: {  	s9 =	sadd.s32 $0x7800, s8;
	s10 =	sadd.s32 $0x5000, s8;
	[sflag:s6] =	ssyncadd.s32 @p0 $0xFFFFFF80  }
0x45: {  	[spmem:s3] =	stream.indirect.scatter.add.f32 [tilespmem:s9], [sflag:$0x1], $0x1, s10, s7, $0xb8;
	[tilespmem:$0xA800] =	vst v63  }
0x46: {  	s26 =	sadd.s32 $0x7880, s8;
	s28 =	sadd.s32 $0x5080, s8  }
0x47: {  	[spmem:s3] =	stream.indirect.scatter.add.f32 [tilespmem:s26], [sflag:$0x2], $0x1, s28, s7, $0xb8;
	[tilespmem:$0xA800] =	vst v63  }
0x48: {  	_ =	swait.ge [sflag:s4], $0x80  }
0x49: {  	[sflag:s4] =	ssyncset.done $0x0  }
0x4a: {  	[sflag:s4] =	ssyncadd.s32 $0xFFFFFF80  }
0x4b: {  	_ =	swait.ge [sflag:s6], $0x80  }
0x4c: {  	[sflag:s6] =	ssyncset.done $0x0  }
0x4d: {  	[sflag:s6] =	ssyncadd.s32 $0xFFFFFF80  }
0x4e: {  	s29 =	simm.s32 $0xA300;
	s30 =	simm.s32 $0x3;
	[bflag:$0x0] =	sbarrier.arrive $0xFFFF  }
0x4f: {  	[tilespmem:s29], [sflag:$0x3] =	stream.linear.gather [spmem:s5], $0x280, $0x38;
	[tilespmem:$0xA800] =	vst v63  }
0x50: {  	_ =	swait.ge [sflag:s30], $0x280  }
0x51: {  	[sflag:s30] =	ssyncset.done $0x0  }
0x52: {  	[sflag:s30] =	ssyncadd.s32 $0xFFFFFD80  }
0x53: {  	v0 =	vld [tilespmem:$0xA280]  }
0x54: {  	v1 =	vld [tilespmem:$0xA000]  }
0x55: {  	v2 =	vld [tilespmem:$0xA300]  }
0x56: {  	v3 =	vld [tilespmem:$0xA010]  }
0x57: {  	v4 =	vld [tilespmem:$0xA310]  }
0x58: {  	v5 =	vld [tilespmem:$0xA020]  }
0x59: {  	v6 =	vld [tilespmem:$0xA320]  }
0x5a: {  	v7 =	vld [tilespmem:$0xA030]  }
0x5b: {  	v8 =	vld [tilespmem:$0xA330]  }
0x5c: {  	v9 =	vld [tilespmem:$0xA040]  }
0x5d: {  	v10 =	vld [tilespmem:$0xA340]  }
0x5e: {  	v11 =	vld [tilespmem:$0xA050]  }
0x5f: {  	v12 =	vld [tilespmem:$0xA350]  }
0x60: {  	v13 =	vld [tilespmem:$0xA060]  }
0x61: {  	v14 =	vld [tilespmem:$0xA360]  }
0x62: {  	v15 =	vld [tilespmem:$0xA070]  }
0x63: {  	v16 =	vld [tilespmem:$0xA370]  }
0x64: {  	v17 =	vld [tilespmem:$0xA080]  }
0x65: {  	v18 =	vld [tilespmem:$0xA380]  }
0x66: {  	v19 =	vld [tilespmem:$0xA090]  }
0x67: {  	v20 =	vld [tilespmem:$0xA390]  }
0x68: {  	v21 =	vld [tilespmem:$0xA0A0]  }
0x69: {  	v22 =	vld [tilespmem:$0xA3A0]  }
0x6a: {  	v23 =	vld [tilespmem:$0xA0B0]  }
0x6b: {  	v24 =	vld [tilespmem:$0xA3B0]  }
0x6c: {  	v25 =	vld [tilespmem:$0xA0C0]  }
0x6d: {  	v26 =	vld [tilespmem:$0xA3C0]  }
0x6e: {  	v27 =	vld [tilespmem:$0xA0D0]  }
0x6f: {  	v28 =	vld [tilespmem:$0xA3D0]  }
0x70: {  	v29 =	vld [tilespmem:$0xA0E0]  }
0x71: {  	v30 =	vld [tilespmem:$0xA3E0]  }
0x72: {  	v31 =	vld [tilespmem:$0xA0F0]  }
0x73: {  	v32 =	vld [tilespmem:$0xA3F0]  }
0x74: {  	v33 =	vld [tilespmem:$0xA100]  }
0x75: {  	v34 =	vld [tilespmem:$0xA400]  }
0x76: {  	v35 =	vld [tilespmem:$0xA110]  }
0x77: {  	v36 =	vld [tilespmem:$0xA410]  }
0x78: {  	v37 =	vld [tilespmem:$0xA120]  }
0x79: {  	v38 =	vld [tilespmem:$0xA420]  }
0x7a: {  	v39 =	vld [tilespmem:$0xA130]  }
0x7b: {  	v40 =	vld [tilespmem:$0xA430]  }
0x7c: {  	v41 =	vld [tilespmem:$0xA140]  }
0x7d: {  	v42 =	vld [tilespmem:$0xA440]  }
0x7e: {  	v43 =	vld [tilespmem:$0xA150]  }
0x7f: {  	v44 =	vld [tilespmem:$0xA450]  }
0x80: {  	v45 =	vld [tilespmem:$0xA160]  }
0x81: {  	v48 =	vld [tilespmem:$0xA4F0];
	v1 =	vmul.f32 v2, v1  }
0x82: {  	v51 =	vld [tilespmem:$0xA200];
	v3 =	vmul.f32 v4, v3  }
0x83: {  	v54 =	vld [tilespmem:$0xA500];
	v5 =	vmul.f32 v6, v5;
	v1 =	vadd.f32 v1, v0  }
0x84: {  	v2 =	vld [tilespmem:$0xA460];
	v7 =	vmul.f32 v8, v7;
	v3 =	vadd.f32 v3, v0  }
0x85: {  	v4 =	vld [tilespmem:$0xA170];
	v57 =	vmul.f32 v10, v9;
	v56 =	vadd.f32 v5, v0;
	[tilespmem:$0xA300] =	vst v1  }
0x86: {  	v6 =	vld [tilespmem:$0xA470];
	v59 =	vmul.f32 v12, v11;
	v58 =	vadd.f32 v7, v0;
	[tilespmem:$0xA310] =	vst v3  }
0x87: {  	v8 =	vld [tilespmem:$0xA180];
	v61 =	vmul.f32 v14, v13;
	v60 =	vadd.f32 v57, v0;
	[tilespmem:$0xA320] =	vst v56  }
0x88: {  	v9 =	vld [tilespmem:$0xA480];
	v63 =	vmul.f32 v16, v15;
	v62 =	vadd.f32 v59, v0;
	[tilespmem:$0xA330] =	vst v58  }
0x89: {  	v10 =	vld [tilespmem:$0xA190];
	v17 =	vmul.f32 v18, v17;
	v16 =	vadd.f32 v61, v0;
	[tilespmem:$0xA340] =	vst v60  }
0x8a: {  	v11 =	vld [tilespmem:$0xA490];
	v19 =	vmul.f32 v20, v19;
	v18 =	vadd.f32 v63, v0;
	[tilespmem:$0xA350] =	vst v62  }
0x8b: {  	v12 =	vld [tilespmem:$0xA1A0];
	v21 =	vmul.f32 v22, v21;
	v20 =	vadd.f32 v17, v0;
	[tilespmem:$0xA360] =	vst v16  }
0x8c: {  	v13 =	vld [tilespmem:$0xA4A0];
	v23 =	vmul.f32 v24, v23;
	v22 =	vadd.f32 v19, v0;
	[tilespmem:$0xA370] =	vst v18  }
0x8d: {  	v14 =	vld [tilespmem:$0xA1B0];
	v25 =	vmul.f32 v26, v25;
	v24 =	vadd.f32 v21, v0;
	[tilespmem:$0xA380] =	vst v20  }
0x8e: {  	v15 =	vld [tilespmem:$0xA4B0];
	v27 =	vmul.f32 v28, v27;
	v26 =	vadd.f32 v23, v0;
	[tilespmem:$0xA390] =	vst v22  }
0x8f: {  	v29 =	vmul.f32 v30, v29;
	v50 =	vmul.f32 v40, v39;
	v39 =	vld [tilespmem:$0xA540];
	v28 =	vadd.f32 v25, v0;
	[tilespmem:$0xA3A0] =	vst v24  }
0x90: {  	v31 =	vmul.f32 v32, v31;
	v53 =	vmul.f32 v42, v41;
	v42 =	vld [tilespmem:$0xA250];
	v30 =	vadd.f32 v27, v0;
	[tilespmem:$0xA3B0] =	vst v26  }
0x91: {  	v33 =	vmul.f32 v34, v33;
	v17 =	vld [tilespmem:$0xA4C0];
	v32 =	vadd.f32 v29, v0;
	[tilespmem:$0xA3C0] =	vst v28  }
0x92: {  	v36 =	vmul.f32 v36, v35;
	v19 =	vld [tilespmem:$0xA4D0];
	v34 =	vadd.f32 v31, v0;
	[tilespmem:$0xA3D0] =	vst v30  }
0x93: {  	v47 =	vmul.f32 v38, v37;
	v21 =	vld [tilespmem:$0xA4E0];
	v46 =	vadd.f32 v33, v0;
	[tilespmem:$0xA3E0] =	vst v32  }
0x94: {  	v49 =	vadd.f32 v36, v0;
	v57 =	vld [tilespmem:$0xA210];
	[tilespmem:$0xA3F0] =	vst v34  }
0x95: {  	v52 =	vadd.f32 v47, v0;
	v59 =	vld [tilespmem:$0xA510];
	[tilespmem:$0xA400] =	vst v46  }
0x96: {  	v55 =	vadd.f32 v50, v0;
	v61 =	vld [tilespmem:$0xA220];
	v50 =	vmul.f32 v54, v51;
	[tilespmem:$0xA410] =	vst v49  }
0x97: {  	v27 =	vld [tilespmem:$0xA520];
	v56 =	vmul.f32 v44, v43;
	[tilespmem:$0xA420] =	vst v52;
	v58 =	vadd.f32 v53, v0  }
0x98: {  	v33 =	vld [tilespmem:$0xA530];
	[tilespmem:$0xA430] =	vst v55;
	v55 =	vadd.f32 v50, v0;
	v2 =	vmul.f32 v2, v45  }
0x99: {  	v36 =	vld [tilespmem:$0xA240];
	v4 =	vmul.f32 v6, v4;
	v60 =	vadd.f32 v56, v0;
	[tilespmem:$0xA440] =	vst v58  }
0x9a: {  	v51 =	vld [tilespmem:$0xA560];
	v63 =	vmul.f32 v9, v8;
	[tilespmem:$0xA500] =	vst v55;
	v62 =	vadd.f32 v2, v0  }
0x9b: {  	v16 =	vld [tilespmem:$0xA1C0];
	v29 =	vmul.f32 v11, v10;
	v28 =	vadd.f32 v4, v0;
	[tilespmem:$0xA450] =	vst v60  }
0x9c: {  	v18 =	vld [tilespmem:$0xA1D0];
	v32 =	vmul.f32 v13, v12;
	v31 =	vadd.f32 v63, v0;
	[tilespmem:$0xA460] =	vst v62  }
0x9d: {  	v22 =	vld [tilespmem:$0xA1F0];
	v35 =	vmul.f32 v15, v14;
	v34 =	vadd.f32 v29, v0;
	[tilespmem:$0xA470] =	vst v28  }
0x9e: {  	v20 =	vld [tilespmem:$0xA1E0];
	v37 =	vadd.f32 v32, v0;
	v53 =	vmul.f32 v59, v57;
	[tilespmem:$0xA480] =	vst v31  }
0x9f: {  	v54 =	vld [tilespmem:$0xA270];
	v40 =	vadd.f32 v35, v0;
	v56 =	vmul.f32 v27, v61;
	[tilespmem:$0xA490] =	vst v34  }
0xa0: {  	v30 =	vld [tilespmem:$0xA230];
	v59 =	vmul.f32 v39, v36;
	[tilespmem:$0xA4A0] =	vst v37;
	v4 =	vadd.f32 v53, v0  }
0xa1: {  	v45 =	vld [tilespmem:$0xA550];
	v38 =	vmul.f32 v17, v16;
	[tilespmem:$0xA4B0] =	vst v40;
	v2 =	vadd.f32 v56, v0  }
0xa2: {  	v41 =	vmul.f32 v19, v18;
	v47 =	vmul.f32 v48, v22;
	v48 =	vld [tilespmem:$0xA260];
	v1 =	vadd.f32 v59, v0;
	[tilespmem:$0xA510] =	vst v4  }
0xa3: {  	v57 =	vld [tilespmem:$0xA570];
	v44 =	vmul.f32 v21, v20;
	v43 =	vadd.f32 v38, v0;
	[tilespmem:$0xA520] =	vst v2  }
0xa4: {  	v46 =	vadd.f32 v41, v0;
	[tilespmem:$0xA540] =	vst v1  }
0xa5: {  	v58 =	vmul.f32 v33, v30;
	v49 =	vadd.f32 v44, v0;
	[tilespmem:$0xA4C0] =	vst v43  }
0xa6: {  	v60 =	vmul.f32 v45, v42;
	v52 =	vadd.f32 v47, v0;
	[tilespmem:$0xA4D0] =	vst v46  }
0xa7: {  	v3 =	vadd.f32 v58, v0;
	[tilespmem:$0xA4E0] =	vst v49;
	v61 =	vmul.f32 v51, v48  }
0xa8: {  	v62 =	vmul.f32 v57, v54;
	v4 =	vadd.f32 v60, v0;
	[tilespmem:$0xA4F0] =	vst v52  }
0xa9: {  	[tilespmem:$0xA530] =	vst v3;
	v63 =	vadd.f32 v61, v0  }
0xaa: {  	[tilespmem:$0xA550] =	vst v4;
	v0 =	vadd.f32 v62, v0  }
0xab: {  	[tilespmem:$0xA560] =	vst v63  }
0xac: {  	s31 =	simm.s32 $0x0;
	[tilespmem:$0xA570] =	vst v0  }
0xad: {  	[hbm4b:s2+s31] =	stream.linear.scatter [tilespmem:s29], [sflag:$0x3], $0x280, $0x38;
	[tilespmem:$0xA800] =	vst v63  }
0xae: {  	_ =	swait.ge [sflag:s30], $0x280  }
0xaf: {  	[sflag:s30] =	ssyncset.done $0x0  }
0xb0: {  	[sflag:s30] =	ssyncadd.s32 $0xFFFFFD80  }
.LBB2_7:
0xb1: {  	_ =	sfence.sel $0x180000  }
0xb2: {  	[bflag:$0x0] =	sbarrier.arrive $0xFFFF  }
0xb3: {  	p0 =	sne.s32 s1, $0x0;
	_ =	strace $0x9000004D  }
0xb4: {  	s0 =	sadd.s32 @!p0 $0x100000, s0;
	[bflag:$0x2] =	sbarrier.arrive $0xFFFF  }
0xb5: {  	[sflag:s0] =	ssyncadd.tile.s32 @!p0 $0x1;
	_ =	shalt  }
.Lfunc_end2:
_tile_overlayer_lowered:
.L_overlay_start_2:
0xb6: {  	(tag) =	ssettag $0x2  }
0xb7: {  	s0 =	rddreg [dreg:$0x0];
	s2 =	stileid.u32  }
0xb8: {  	s1 =	rddreg [dreg:$0x1];
	p0 =	sne.s32 s2, $0x0  }
0xb9: {  	s3 =	rddreg [dreg:$0x2];
	[bflag:$0x3] =	sbarrier.arrive $0xFFFF;
	s2 =	simm.s32 @!p0 $0x1C03  }
0xba: {  	[timem:s3], [sflag:s2] =	dma.local @!p0 [hbm:s0], s1  }
0xbb: {  	s0 =	simm.s32 @!p0 $0x3  }
0xbc: {  	_ =	swait.ge @!p0 [sflag:s0], s1  }
0xbd: {  	s1 =	ssub.s32 @!p0 $0x0, s1;
	[sflag:s0] =	ssyncset.done @!p0 $0x0  }
0xbe: {  	[sflag:s0] =	ssyncadd.s32 @!p0 s1  }
0xbf: {  	[bflag:$0x3] =	sbarrier.arrive $0xFFFF  }
0xc0: {  	_ =	shalt  }

// kernel: kernel.7.cloned.1.call-start
scs
__scs_entry_jumppad:
0x0: {  	(pc) =	sbr.rel $0x88, $3  }
0x1: {  	(tag) =	ssettag $0x0;
	lr =	simm.s32 $0x1  }
0x2: {  	[smem:$0x3F9B] =	sst lr;
	_ =	strace $0xD0000000  }
0x3: {  	_ = 	snop  }
0x4: {  	_ = 	snop  }
0x5: {  	_ = 	snop  }
0x6: {  	_ = 	snop  }
0x7: {  	_ = 	snop  }
__scs_overlays_trampoline_lowered:
0x8: {  	[smem:$0x3FAA] =	sst s0  }
0x9: {  	[smem:$0x3FAB] =	sst s1  }
0xa: {  	[smem:$0x3FAC] =	sst s2  }
0xb: {  	[smem:$0x3FAD] =	sst s3  }
0xc: {  	[smem:$0x3FAE] =	sst s4  }
0xd: {  	[smem:$0x3FAF] =	sst s5  }
0xe: {  	[smem:$0x3FB0] =	sst s6  }
0xf: {  	[smem:$0x3FB1] =	sst s7  }
0x10: {  	[smem:$0x3FB2] =	sst s8  }
0x11: {  	[smem:$0x3FB3] =	sst s9;
	s0 =	simm.s32 @!p0 $0x0  }
0x12: {  	s1 =	sld [smem:$0x3F99];
	s0 =	simm.s32 @p0 $0x1  }
0x13: {  	[smem:$0x3FB4] =	sst s0;
	s0 =	simm.s32 @!p1 $0x0  }
0x14: {  	s2 =	sld [smem:$0x3F98];
	s0 =	simm.s32 @p1 $0x1  }
0x15: {  	[smem:$0x3FB5] =	sst s0;
	s0 =	simm.s32 @!p2 $0x0  }
0x16: {  	s3 =	sld [smem:$0x3FDB];
	s0 =	simm.s32 @p2 $0x1  }
0x17: {  	s4 =	simm.s32 $0x1BF5;
	[smem:$0x3FB7] =	sst s0  }
0x18: {  	s0 =	sld [smem:$0x3F9A];
	_ =	swait.ge [sflag:s4], $0x0  }
0x19: {  	s7 =	sld [smem:$0x3F9B]  }
0x1a: {  	s8 =	sadd.s32 $0xFFFFE003, lr  }
0x1b: {  	s9 =	sadd.s32 $0xFFFFFEF7, lr;
	s5 =	simm.s32 $0xFFFFFFFF;
	p2 =	slt.u32 s8, $0xFFFFF086  }
0x1c: {  	p1 =	slt.u32 s9, $0xF7A;
	s5 =	simm.s32 @!p2 $0x0  }
0x1d: {  	s5 =	simm.s32 @p1 $0x1;
	p0 =	seq.s32 s7, s2  }
0x1e: {  	s7 =	smul.u32 @!p0 $0xF7A, s2;
	p2 =	seq.s32 @!p0 s5, $0x0  }
0x1f: {  	s9 =	smul.u32 $0xF7A, s1;
	s8 =	simm.s32 @!p0 $0x1BF5;
	p2 =	por !p2, p0  }
0x20: {  	[sflag:s8] =	ssyncset.s32 @!p0 $0xFFFFF086;
	s6 =	sadd.s32 @!p0 s3, s7;
	s7 =	simm.s32 @!p0 $0x108  }
0x21: {  	s3 =	sadd.s32 s3, s9;
	s6 =	sadd.s32 @!p0 $0x88, s6;
	s7 =	simm.s32 @p2 $0x1082  }
0x22: {  	[simem:s7], [sflag:s8] =	dma.local @!p0 [hbm:s6], $0xF7A  }
0x23: {  	s9 =	sor.u32 $0xD0000000, s2;
	s6 =	simm.s32 $0x108;
	_ =	swait.ge @!p0 [sflag:s8], $0x0  }
0x24: {  	s3 =	sadd.s32 $0x88, s3;
	s6 =	simm.s32 @!p1 $0x1082;
	[sflag:s4] =	ssyncset.s32 $0xFFFFF086  }
0x25: {  	[simem:s6], [sflag:s4] =	dma.local [hbm:s3], $0xF7A  }
0x26: {  	[smem:$0x3F9B] =	sst s1;
	(tag) =	ssettag s2;
	_ =	strace s9  }
0x27: {  	s1 =	sld [smem:$0x3FAB]  }
0x28: {  	s2 =	sld [smem:$0x3FAC]  }
0x29: {  	s4 =	sld [smem:$0x3FAE]  }
0x2a: {  	p0 =	seq.s32 s5, $0x0;
	s5 =	sld [smem:$0x3FAF]  }
0x2b: {  	s6 =	sld [smem:$0x3FB0]  }
0x2c: {  	s7 =	sld [smem:$0x3FB1]  }
0x2d: {  	s3 =	simm.s32 $0x108;
	s8 =	sld [smem:$0x3FB2]  }
0x2e: {  	s3 =	simm.s32 @!p0 $0x1082;
	s9 =	sld [smem:$0x3FB3]  }
0x2f: {  	lr =	sadd.s32 s0, s3;
	s0 =	sld [smem:$0x3FAA]  }
0x30: {  	s3 =	sld [smem:$0x3FAD]  }
0x31: {  	[smem:$0x3FB6] =	sst s10  }
0x32: {  	s10 =	sld [smem:$0x3FB4];
	_ =	sdelay $0x3  }
0x33: {  	p0 =	seq.s32 s10, $0x1;
	s10 =	sld [smem:$0x3FB6];
	_ =	sdelay $0x3  }
0x34: {  	[smem:$0x3FB6] =	sst s10  }
0x35: {  	s10 =	sld [smem:$0x3FB5];
	_ =	sdelay $0x3  }
0x36: {  	p1 =	seq.s32 s10, $0x1;
	s10 =	sld [smem:$0x3FB6];
	_ =	sdelay $0x3  }
0x37: {  	[smem:$0x3FB6] =	sst s10  }
0x38: {  	s10 =	sld [smem:$0x3FB7]  }
0x39: {  	_ = 	snop;
	(pc) =	sbr.ind lr, $3  }
0x3a: {  	_ = 	snop  }
0x3b: {  	_ = 	snop  }
0x3c: {  	p2 =	seq.s32 s10, $0x1;
	s10 =	sld [smem:$0x3FB6]  }
0x3d: {  	_ =	shalt  }
0x3e: {  	_ =	shalt  }
0x3f: {  	_ =	shalt  }
0x40: {  	_ =	shalt  }
0x41: {  	_ =	shalt  }
0x42: {  	_ =	shalt  }
0x43: {  	_ =	shalt  }
0x44: {  	_ =	shalt  }
0x45: {  	_ =	shalt  }
0x46: {  	_ =	shalt  }
0x47: {  	_ =	shalt  }
0x48: {  	_ =	shalt  }
0x49: {  	_ =	shalt  }
0x4a: {  	_ =	shalt  }
0x4b: {  	_ =	shalt  }
0x4c: {  	_ =	shalt  }
0x4d: {  	_ =	shalt  }
0x4e: {  	_ =	shalt  }
0x4f: {  	_ =	shalt  }
0x50: {  	_ =	shalt  }
0x51: {  	_ =	shalt  }
0x52: {  	_ =	shalt  }
0x53: {  	_ =	shalt  }
0x54: {  	_ =	shalt  }
0x55: {  	_ =	shalt  }
0x56: {  	_ =	shalt  }
0x57: {  	_ =	shalt  }
0x58: {  	_ =	shalt  }
0x59: {  	_ =	shalt  }
0x5a: {  	_ =	shalt  }
0x5b: {  	_ =	shalt  }
0x5c: {  	_ =	shalt  }
0x5d: {  	_ =	shalt  }
0x5e: {  	_ =	shalt  }
0x5f: {  	_ =	shalt  }
0x60: {  	_ =	shalt  }
0x61: {  	_ =	shalt  }
0x62: {  	_ =	shalt  }
0x63: {  	_ =	shalt  }
0x64: {  	_ =	shalt  }
0x65: {  	_ =	shalt  }
0x66: {  	_ =	shalt  }
0x67: {  	_ =	shalt  }
0x68: {  	_ =	shalt  }
0x69: {  	_ =	shalt  }
0x6a: {  	_ =	shalt  }
0x6b: {  	_ =	shalt  }
0x6c: {  	_ =	shalt  }
0x6d: {  	_ =	shalt  }
0x6e: {  	_ =	shalt  }
0x6f: {  	_ =	shalt  }
0x70: {  	_ =	shalt  }
0x71: {  	_ =	shalt  }
0x72: {  	_ =	shalt  }
0x73: {  	_ =	shalt  }
0x74: {  	_ =	shalt  }
0x75: {  	_ =	shalt  }
0x76: {  	_ =	shalt  }
0x77: {  	_ =	shalt  }
0x78: {  	_ =	shalt  }
0x79: {  	_ =	shalt  }
0x7a: {  	_ =	shalt  }
0x7b: {  	_ =	shalt  }
0x7c: {  	_ =	shalt  }
0x7d: {  	_ =	shalt  }
0x7e: {  	_ =	shalt  }
0x7f: {  	_ =	shalt  }
0x80: {  	_ =	shalt  }
0x81: {  	_ =	shalt  }
0x82: {  	_ =	shalt  }
0x83: {  	_ =	shalt  }
0x84: {  	_ =	shalt  }
0x85: {  	_ =	shalt  }
0x86: {  	_ =	shalt  }
0x87: {  	_ =	shalt  }
.Lfunc_end0:
.L_simem_size_0:
called_computation_lowered:
.L_overlay_start_0:
0x88: {  	s2 =	sld [smem:$0x3FD9]  }
0x89: {  	s3 =	sld [smem:$0x3FFE];
	_ =	sdelay $0x1  }
0x8a: {  	s1 =	srdreg.scid  }
0x8b: {  	s0 =	sand.u32 $0x1, s1  }
0x8c: {  	s17 =	sshll.u32 s0, $0xA;
	s2 =	sadd.s32 s3, s2  }
0x8d: {  	s2 =	sadd.s32 s2, s17  }
0x8e: {  	[smem:$0x3FC2] =	sst s2  }
0x8f: {  	_ = 	snop  }
0x90: {  	s2 =	sld [smem:$0x3FD0];
	(tm) =	ssettm $0x1  }
0x91: {  	s18 =	sld [smem:$0x3FFB];
	_ =	sdelay $0x3  }
0x92: {  	_ =	strace s18  }
0x93: {  	s3 =	sld [smem:$0x3FFC];
	_ =	sdelay $0x3  }
0x94: {  	_ =	strace s3  }
0x95: {  	s3 =	sld [smem:$0x3FFD];
	_ =	sdelay $0x3  }
0x96: {  	_ =	strace s3  }
0x97: {  	_ =	strace $0x8FFFFFFF  }
0x98: {  	s19 =	sld [smem:$0x3FDB];
	_ =	sdelay $0x1  }
0x99: {  	s4 =	simm.s32 $_scs_section_size  }
0x9a: {  	s5 =	simm.s32 $_size__tile_overlayer_lowered;
	s6 =	simm.s32 $_tile_overlayer_lowered  }
0x9b: {  	s22 =	simm.s32 $0x1BFF;
	s21 =	sshll.u32 s6, $0x1;
	s3 =	sadd.s32 s4, s19  }
0x9c: {  	s7 =	simm.s32 $0x0;
	s20 =	sshll.u32 s5, $0x1;
	s5 =	sadd.s32 s21, s3  }
0x9d: {  	[timem:s7], [sflag:s22] =	dma.local [hbm:s5], s20  }
0x9e: {  	_ =	swait.ge [sflag:s22], s20  }
0x9f: {  	s4 =	ssub.s32 $0x0, s20;
	[sflag:s22] =	ssyncset.done $0x0  }
0xa0: {  	[sflag:s22] =	ssyncadd.s32 s4;
	_ =	sdelay $0x1  }
0xa1: {  	s23 =	simm.s32 $0x1B8B  }
0xa2: {  	_ =	swait.ge [sflag:s23], $0x1  }
0xa3: {  	[sflag:s23] =	ssyncset.done $0x0  }
0xa4: {  	s25 =	simm.s32 $0x1B8E;
	s24 =	sld [smem:$0x3FFE];
	[sflag:s23] =	ssyncadd.s32 $0xFFFFFFFF  }
0xa5: {  	s26 =	simm.s32 $execute0_lowered;
	[smem:$0x3FD2] =	sst s25  }
0xa6: {  	s5 =	sshll.u32 s26, $0x1;
	_ =	strace $0x80000046;
	[dreg:$0x1] =	wrdreg $0xFFFFFFFF  }
0xa7: {  	s28 =	simm.s32 $_size_execute0_lowered;
	s3 =	sadd.s32 s3, s5;
	[dreg:$0x0] =	wrdreg $0x0  }
0xa8: {  	s5 =	sshll.u32 s28, $0x1;
	[dreg:$0x2] =	wrdreg s3  }
0xa9: {  	[dreg:$0x3] =	wrdreg s5  }
0xaa: {  	[dreg:$0x4] =	wrdreg $0xC0  }
0xab: {  	_ =	task [dreg:s7], $0x5FFFF  }
0xac: {  	[dreg:$0x1] =	wrdreg $0xFFFFFFFF  }
0xad: {  	[dreg:$0x0] =	wrdreg $0x60  }
0xae: {  	[dreg:$0x2] =	wrdreg s24  }
0xaf: {  	[dreg:$0x3] =	wrdreg s2  }
0xb0: {  	[dreg:$0x4] =	wrdreg $0x17000  }
0xb1: {  	[dreg:$0x5] =	wrdreg $0x9  }
0xb2: {  	_ =	task.clear_ibuf [dreg:s7], $0x6FFFF;
	_ =	strace $0x90000046  }
0xb3: {  	s29 =	simm.s32 $0x9;
	_ =	strace $0x80000048  }
0xb4: {  	_ =	swait.ge [sflag:s29], $0x1  }
0xb5: {  	[sflag:s29] =	ssyncadd.s32 $0xFFFFFFFF  }
0xb6: {  	_ =	strace $0x90000048  }
0xb7: {  	_ =	sfence  }
0xb8: {  	s30 =	sld [smem:$0x0];
	_ =	sdelay $0x2  }
0xb9: {  	s31 =	sshll.u32 s1, $0xD;
	s1 =	sshrl.u32 s1, $0x2  }
0xba: {  	s3 =	sand.u32 $0x4000, s31;
	s1 =	sadd.s32 s1, s30  }
0xbb: {  	s0 =	sor.u32 s3, s0;
	s1 =	sshll.u32 s1, $0x11  }
0xbc: {  	s0 =	sor.u32 s1, s0  }
0xbd: {  	s0 =	sadd.s32 $0x8F2B, s0  }
0xbe: {  	[sflag:s0] =	ssyncadd.remote.s32 $0x1  }
0xbf: {  	_ =	sfence.sel $0xFFFF  }
0xc0: {  	[dreg:$0x0] =	wrdreg $0xFFFFFFFF;
	(pc) =	sbr.abs _section_cstart, $3  }
0xc1: {  	[dreg:$0x1] =	wrdreg $0xFFFFFFFF  }
0xc2: {  	_ =	task.clear_ibuf [dreg:s7], $0x2FFFF;
	_ =	strace $0x9FFFFFFF  }
0xc3: {  	(tm) =	ssettm $0x7FFFFFFF  }
tec
execute0_lowered:
.L_overlay_start_1:
0x0: {  	(tag) =	ssettag $0x1  }
0x1: {  	s4 =	rddreg [dreg:$0x0]  }
0x2: {  	s7 =	rddreg [dreg:$0x1]  }
0x3: {  	s0 =	srdreg.scid;
	s2 =	rddreg [dreg:$0x2]  }
0x4: {  	s3 =	simm.s32 $0x0;
	s6 =	sand.u32 $0x1, s0;
	s0 =	rddreg [dreg:$0x3]  }
0x5: {  	s1 =	stileid.u32;
	s14 =	simm.s32 $0x0;
	[smem:$0x7FF] =	sst s3  }
0x6: {  	s10 =	smul.u32 $0x280, s1;
	s11 =	sadd.s32 $0x7000, s4;
	s12 =	sshll.u32 s1, $0x6  }
0x7: {  	s5 =	sshll.u32 s6, $0x4;
	s8 =	ssub.s32 $0x2, s6;
	_ =	strace $0x80000047  }
0x8: {  	p0 =	seq.s32 s6, $0x1;
	s12 =	sor.u32 $0x1C01, s12;
	s5 =	sor.u32 s1, s5  }
0x9: {  	s9 =	sshrl.u32 s8, $0x1;
	s31 =	sshrl.u32 s10, $0x3;
	s5 =	smul.u32 $0x280, s5  }
0xa: {  	s7 =	smov.u32 @p0 s11;
	s11 =	simm.s32 $0x1400;
	s8 =	ssub.s32 s8, s9  }
0xb: {  	s7 =	sadd.s32 s7, s31;
	s9 =	simm.s32 $0x1480;
	s5 =	sadd.s32 s5, s4  }
0xc: {  	s6 =	smax.u32 s8, $0x1;
	s4 =	sadd.s32 $0x2000, s5;
	s5 =	sadd.s32 s10, s2  }
0xd: {  	v0 =	vimm.f32 $1.000000000e+00;
	v1 =	vimm.f32 $0.0e+00;
	s8 =	simm.s32 $0x1;
	s10 =	simm.s32 $0x7D;
	s13 =	sshrl.u32 s5, $0x3  }
.LBB2_1:
0xe: {  	[tilespmem:$0x1400] =	vst v0  }
0xf: {  	[tilespmem:$0x1410] =	vst v0  }
0x10: {  	[tilespmem:$0x1420] =	vst v0  }
0x11: {  	[tilespmem:$0x1430] =	vst v0  }
0x12: {  	[tilespmem:$0x1440] =	vst v0  }
0x13: {  	[tilespmem:$0x1450] =	vst v0  }
0x14: {  	[tilespmem:$0x1460] =	vst v0  }
0x15: {  	[tilespmem:$0x1470] =	vst v0  }
0x16: {  	[tilespmem:$0x1480] =	vst v1  }
0x17: {  	[tilespmem:$0x1490] =	vst v1  }
0x18: {  	[tilespmem:$0x14A0] =	vst v1  }
0x19: {  	[tilespmem:$0x14B0] =	vst v1  }
0x1a: {  	[tilespmem:$0x14C0] =	vst v1  }
0x1b: {  	[tilespmem:$0x14D0] =	vst v1  }
0x1c: {  	[tilespmem:$0x14E0] =	vst v1  }
0x1d: {  	[tilespmem:$0x14F0] =	vst v1  }
0x1e: {  	[tilespmem:$0x1500] =	vst v1  }
0x1f: {  	[tilespmem:$0x1510] =	vst v1  }
0x20: {  	[tilespmem:$0x1520] =	vst v1  }
0x21: {  	[tilespmem:$0x1530] =	vst v1  }
0x22: {  	[tilespmem:$0x1540] =	vst v1  }
0x23: {  	[tilespmem:$0x1550] =	vst v1  }
0x24: {  	[tilespmem:$0x1560] =	vst v1  }
0x25: {  	[tilespmem:$0x1570] =	vst v1  }
0x26: {  	[tilespmem:$0x1580] =	vst v1  }
0x27: {  	[tilespmem:$0x1590] =	vst v1  }
0x28: {  	[tilespmem:$0x15A0] =	vst v1  }
0x29: {  	[tilespmem:$0x15B0] =	vst v1  }
0x2a: {  	[tilespmem:$0x15C0] =	vst v1  }
0x2b: {  	[tilespmem:$0x15D0] =	vst v1  }
0x2c: {  	[tilespmem:$0x15E0] =	vst v1  }
0x2d: {  	[tilespmem:$0x15F0] =	vst v1  }
0x2e: {  	[tilespmem:$0x1600] =	vst v1  }
0x2f: {  	[tilespmem:$0x1610] =	vst v1  }
0x30: {  	[tilespmem:$0x1620] =	vst v1  }
0x31: {  	[tilespmem:$0x1630] =	vst v1  }
0x32: {  	[tilespmem:$0x1640] =	vst v1  }
0x33: {  	[tilespmem:$0x1650] =	vst v1  }
0x34: {  	[tilespmem:$0x1660] =	vst v1  }
0x35: {  	[tilespmem:$0x1670] =	vst v1  }
0x36: {  	[tilespmem:$0x1680] =	vst v1  }
0x37: {  	[tilespmem:$0x1690] =	vst v1  }
0x38: {  	[tilespmem:$0x16A0] =	vst v1  }
0x39: {  	[tilespmem:$0x16B0] =	vst v1  }
0x3a: {  	[tilespmem:$0x16C0] =	vst v1  }
0x3b: {  	[tilespmem:$0x16D0] =	vst v1  }
0x3c: {  	[tilespmem:$0x16E0] =	vst v1  }
0x3d: {  	[tilespmem:$0x16F0] =	vst v1  }
0x3e: {  	[tilespmem:s3], [sflag:$0x1] =	stream.linear.gather [hbm4b:s4+s3], $0x1400, $0x38;
	[tilespmem:$0x1980] =	vst v63  }
0x3f: {  	_ =	swait.ge [sflag:s8], $0x1400  }
0x40: {  	[sflag:s8] =	ssyncset.done $0x0  }
0x41: {  	[sflag:s8] =	ssyncadd.s32 $0xFFFFEC00  }
0x42: {  	[spmem:s5] =	stream.linear.scatter [tilespmem:s9], [sflag:$0x1], $0x280, $0x38;
	[tilespmem:$0x1980] =	vst v63  }
0x43: {  	_ =	swait.ge [sflag:s8], $0x280  }
0x44: {  	[sflag:s8] =	ssyncset.done $0x0  }
0x45: {  	[sflag:s8] =	ssyncadd.s32 $0xFFFFFD80  }
0x46: {  	s15 =	simm.s32 $0x0;
	[bflag:$0x0] =	sbarrier.arrive $0xFFFF  }
0x47: {  	[spmem:s2] =	stream.indirect.scatter.add.f32 [tilespmem:s11], [sflag:$0x1], $0x1, s15, s10, $0xb8;
	[tilespmem:$0x1980] =	vst v63  }
0x48: {  	_ =	swait.ge [sflag:s8], $0x7D  }
0x49: {  	s15 =	simm.s32 $0x200;
	[sflag:s8] =	ssyncset.done $0x0  }
.LBB2_2:
0x4a: {  	s16 =	sshra.s32 s15, $0x2;
	[sflag:s8] =	ssyncadd.s32 $0xFFFFFF83;
	p0 =	sne.s32 s15, $0x4E00  }
0x4b: {  	[spmem:s2] =	stream.indirect.scatter.add.f32 [tilespmem:s11], [sflag:$0x1], $0x1, s16, s10, $0xb8;
	[tilespmem:$0x1980] =	vst v63  }
.Ltmp0:
0x4c: {  	_ = 	snop;
	(pc) =	sbr.rel @p0 .LBB2_2-.Ltmp0, $4  }
0x4d: {  	_ = 	snop  }
0x4e: {  	s15 =	sadd.s32 $0x200, s15  }
0x4f: {  	_ =	swait.ge [sflag:s8], $0x7D  }
0x50: {  	[sflag:s8] =	ssyncset.done $0x0  }
0x51: {  	s14 =	sadd.s32 $0x1, s14  }
0x52: {  	[sflag:s8] =	ssyncadd.s32 $0xFFFFFF83;
	p0 =	sne.s32 s14, s6  }
.Ltmp1:
0x53: {  	[bflag:$0x0] =	sbarrier.arrive $0xFFFF;
	(pc) =	sbr.rel @p0 .LBB2_1-.Ltmp1, $4  }
0x54: {  	[hbm:s7], [sflag:s12] =	dma.local [spmem:s13], $0x50  }
0x55: {  	_ =	swait.ge [sflag:s8], $0x50  }
0x56: {  	[sflag:s8] =	ssyncset.done $0x0  }
0x57: {  	[sflag:s8] =	ssyncadd.s32 $0xFFFFFFB0  }
0x58: {  	_ =	sfence.sel $0x180000  }
0x59: {  	[bflag:$0x0] =	sbarrier.arrive $0xFFFF  }
0x5a: {  	p0 =	sne.s32 s1, $0x0;
	_ =	strace $0x90000047  }
0x5b: {  	s0 =	sadd.s32 @!p0 $0x100000, s0;
	[bflag:$0x2] =	sbarrier.arrive $0xFFFF  }
0x5c: {  	[sflag:s0] =	ssyncadd.tile.s32 @!p0 $0x1;
	_ =	shalt  }
.Lfunc_end2:
_tile_overlayer_lowered:
.L_overlay_start_2:
0x5d: {  	(tag) =	ssettag $0x2  }
0x5e: {  	s0 =	rddreg [dreg:$0x0];
	s2 =	stileid.u32  }
0x5f: {  	s1 =	rddreg [dreg:$0x1];
	p0 =	sne.s32 s2, $0x0  }
0x60: {  	s3 =	rddreg [dreg:$0x2];
	[bflag:$0x3] =	sbarrier.arrive $0xFFFF;
	s2 =	simm.s32 @!p0 $0x1C01  }
0x61: {  	[timem:s3], [sflag:s2] =	dma.local @!p0 [hbm:s0], s1  }
0x62: {  	s0 =	simm.s32 @!p0 $0x1  }
0x63: {  	_ =	swait.ge @!p0 [sflag:s0], s1  }
0x64: {  	s1 =	ssub.s32 @!p0 $0x0, s1;
	[sflag:s0] =	ssyncset.done @!p0 $0x0  }
0x65: {  	[sflag:s0] =	ssyncadd.s32 @!p0 s1  }
0x66: {  	[bflag:$0x3] =	sbarrier.arrive $0xFFFF  }
0x67: {  	_ =	shalt  }

</sc_bundles>
